<compile_context>
chip_gen: v7x
topology: tpu7x:2x2x1
jax: 0.10.2.dev20260603
libtpu: 0.0.44.dev20260713+nightly
codegen_flags: <defaults>
</compile_context>

<pallas_src>
import functools

import jax
import jax.numpy as jnp
from jax import lax
from jax.experimental import pallas as pl
from jax.experimental.pallas import tpu as pltpu
from jax.experimental.pallas import tpu_sc as plsc

N = 10000
E = 320000
IN_DIM = 128
HID = 128
OUT = 64

NC, NS = 2, 16
NW = NC * NS
NPAD = 10240
BATCH = 128
NBUF = 4
NBS = 168
NGS = NBS // NBUF
NBH = 84
NROW = NS * NBS
EPAD = NROW * BATCH
ROWS_PT = NPAD // NS

_mesh = plsc.VectorSubcoreMesh(
    core_axis_name="c", subcore_axis_name="s", num_cores=NC, num_subcores=NS)



@functools.partial(
    pl.kernel,
    out_type=jax.ShapeDtypeStruct((NC, NPAD), jnp.float32),
    mesh=_mesh,
    scratch_types=[
        pltpu.VMEM((NBH, BATCH), jnp.int32),
        pltpu.VMEM((BATCH,), jnp.float32),
        pltpu.VMEM_SHARED((NPAD,), jnp.float32),
    ],
)
def _sc_hist(dst_hbm, zeros_hbm, out_hbm, dst_v, ones_v, acc):
    c = lax.axis_index("c")
    s = lax.axis_index("s")
    wid = s * NC + c
    pltpu.sync_copy(zeros_hbm.at[pl.ds(s * ROWS_PT, ROWS_PT)],
                    acc.at[pl.ds(s * ROWS_PT, ROWS_PT)])
    pltpu.sync_copy(dst_hbm.at[wid], dst_v)
    for k in range(BATCH // 16):
        ones_v[pl.ds(k * 16, 16)] = jnp.ones((16,), jnp.float32)
    plsc.subcore_barrier()

    @pl.loop(0, NBH)
    def _(j):
        pltpu.sync_copy(ones_v, acc.at[dst_v.at[j]], add=True)

    plsc.subcore_barrier()
    pltpu.sync_copy(acc.at[pl.ds(s * ROWS_PT, ROWS_PT)],
                    out_hbm.at[c, pl.ds(s * ROWS_PT, ROWS_PT)])


def _make_sc_scatter(d, nbuf):
    ngs = NBS // nbuf

    @functools.partial(
        pl.kernel,
        out_type=jax.ShapeDtypeStruct((NC, NPAD, d), jnp.float32),
        mesh=_mesh,
        scratch_types=[
            pltpu.VMEM((NBS, BATCH), jnp.int32),
            pltpu.VMEM((NBS, BATCH), jnp.int32),
            pltpu.VMEM((nbuf, BATCH, d), jnp.float32),
            pltpu.VMEM_SHARED((NPAD, d), jnp.float32),
        ] + [pltpu.SemaphoreType.DMA] * (2 * nbuf),
        compiler_params=pltpu.CompilerParams(use_tc_tiling_on_sc=False),
    )
    def _sc_scatter(table, src_hbm, dst_hbm, zeros_hbm, out_hbm,
                    src_v, dst_v, rows, acc, *sems):
        sg, ss = sems[:nbuf], sems[nbuf:]
        c = lax.axis_index("c")
        s = lax.axis_index("s")
        tab = table.at[c]
        pltpu.sync_copy(zeros_hbm.at[pl.ds(s * ROWS_PT, ROWS_PT), pl.ds(0, d)],
                        acc.at[pl.ds(s * ROWS_PT, ROWS_PT)])
        pltpu.sync_copy(src_hbm.at[s], src_v)
        pltpu.sync_copy(dst_hbm.at[s], dst_v)
        plsc.subcore_barrier()

        for k in range(nbuf):
            pltpu.async_copy(tab.at[src_v.at[k]], rows.at[k], sg[k])

        @pl.loop(0, ngs)
        def _(g):
            b = g * nbuf
            for k in range(nbuf):
                j = b + k
                pltpu.make_async_copy(tab.at[src_v.at[j]],
                                      rows.at[k], sg[k]).wait()
                pltpu.async_copy(rows.at[k], acc.at[dst_v.at[j]], ss[k],
                                 add=True)
            for k in range(nbuf):
                j = b + k
                jn = jnp.minimum(j + nbuf, NBS - 1)
                pltpu.make_async_copy(rows.at[k], acc.at[dst_v.at[j]],
                                      ss[k]).wait()
                pltpu.async_copy(tab.at[src_v.at[jn]], rows.at[k], sg[k])

        for k in range(nbuf):
            pltpu.make_async_copy(tab.at[src_v.at[NBS - 1]],
                                  rows.at[k], sg[k]).wait()

        plsc.subcore_barrier()
        pltpu.sync_copy(acc.at[pl.ds(s * ROWS_PT, ROWS_PT)],
                        out_hbm.at[c, pl.ds(s * ROWS_PT, ROWS_PT)])

    return _sc_scatter


_sc_scatter_hid = _make_sc_scatter(HID // 2, 4)
_sc_scatter_out = _make_sc_scatter(OUT // 2, 6)



_RB = 1024
_GRID = NPAD // _RB
_H2 = HID // 2
_O2 = OUT // 2


def _dinv_from_hist(hist):
    return lax.rsqrt(1.0 + hist[0] + hist[1])


def _tc_scale_body(x_ref, w_ref, hist_ref, out_ref):
    dinv = _dinv_from_hist(hist_ref[...])[:, None]
    h = jnp.dot(x_ref[...], w_ref[...],
                preferred_element_type=jnp.float32) * dinv
    out_ref[...] = jnp.stack([h[:, :_H2], h[:, _H2:]], axis=0)


def _tc_mid_body(acc_ref, hs_ref, hist_ref, b_ref, w_ref, out_ref):
    dinv = _dinv_from_hist(hist_ref[...])[:, None]
    z = jnp.concatenate([acc_ref[0] + hs_ref[0], acc_ref[1] + hs_ref[1]],
                        axis=1)
    z = dinv * z + b_ref[...]
    r = jnp.maximum(z, 0.0)
    m = jnp.dot(r, w_ref[...], preferred_element_type=jnp.float32) * dinv
    out_ref[...] = jnp.stack([m[:, :_O2], m[:, _O2:]], axis=0)


def _tc_final_body(acc_ref, hs_ref, hist_ref, b_ref, out_ref):
    h = hist_ref[...]
    dinv = lax.rsqrt(1.0 + h[:, 0] + h[:, 1])[:, None]
    z = jnp.concatenate([acc_ref[0] + hs_ref[0], acc_ref[1] + hs_ref[1]],
                        axis=1)
    z = dinv * z + b_ref[...]
    m = jnp.max(z, axis=1, keepdims=True)
    e = jnp.exp(z - m)
    out_ref[...] = (z - m) - jnp.log(jnp.sum(e, axis=1, keepdims=True))


def _row_spec(d):
    return pl.BlockSpec((_RB, d), lambda i: (i, 0))


def _hist_spec():
    return pl.BlockSpec((NC, _RB), lambda i: (0, i))


def _split_spec(d):
    return pl.BlockSpec((NC, _RB, d), lambda i: (0, i, 0))


def _full_spec(a, b):
    return pl.BlockSpec((a, b), lambda i: (0, 0))


def _tc_scale(x, w, hist):
    return pl.pallas_call(
        _tc_scale_body,
        grid=(_GRID,),
        in_specs=[_row_spec(IN_DIM), _full_spec(IN_DIM, HID), _hist_spec()],
        out_specs=_split_spec(_H2),
        out_shape=jax.ShapeDtypeStruct((NC, NPAD, _H2), jnp.float32),
    )(x, w, hist)


def _tc_mid(acc, hs, hist, b, w):
    return pl.pallas_call(
        _tc_mid_body,
        grid=(_GRID,),
        in_specs=[_split_spec(_H2), _split_spec(_H2), _hist_spec(),
                  _full_spec(1, HID), _full_spec(HID, OUT)],
        out_specs=_split_spec(_O2),
        out_shape=jax.ShapeDtypeStruct((NC, NPAD, _O2), jnp.float32),
    )(acc, hs, hist, b, w)


_RBF = 1000


def _tc_final(acc, hs, hist_t, b):
    return pl.pallas_call(
        _tc_final_body,
        grid=(N // _RBF,),
        in_specs=[pl.BlockSpec((NC, _RBF, _O2), lambda i: (0, i, 0)),
                  pl.BlockSpec((NC, _RBF, _O2), lambda i: (0, i, 0)),
                  pl.BlockSpec((_RBF, NC), lambda i: (i, 0)),
                  _full_spec(1, OUT)],
        out_specs=pl.BlockSpec((_RBF, OUT), lambda i: (i, 0)),
        out_shape=jax.ShapeDtypeStruct((N, OUT), jnp.float32),
    )(acc, hs, hist_t, b)



def kernel(x, edge_index, W1, b1, W2, b2):
    ei = edge_index.astype(jnp.int32)
    pad_ids = N + (jnp.arange(EPAD - E, dtype=jnp.int32) % (NPAD - N))
    srcp = jnp.concatenate([ei[0], pad_ids]).reshape(NS, NBS, BATCH)
    dstp = jnp.concatenate([ei[1], pad_ids]).reshape(NS, NBS, BATCH)
    dsth = dstp.reshape(NW, NBH, BATCH)
    zh = jnp.zeros((NPAD,), jnp.float32)
    z1 = jnp.zeros((NPAD, _H2), jnp.float32)

    hist = _sc_hist(dsth, zh)
    hs1 = _tc_scale(x, W1, hist)
    acc1 = _sc_scatter_hid(hs1, srcp, dstp, z1)
    hs2 = _tc_mid(acc1, hs1, hist, b1.reshape(1, HID), W2)
    acc2 = _sc_scatter_out(hs2, srcp, dstp, z1)
    return _tc_final(acc2, hs2, hist.T, b2.reshape(1, OUT))

# --- scband reference (transcript-rebuilt; emitter-appended) ---
"""Pipeline reference for scband-graph-neural-network-83554293776709 (READ-ONLY COPY).

The authoritative reference and input builder live on the scoring server;
editing this copy changes nothing except your own understanding.
"""

import jax, jax.numpy as jnp
import numpy as np

N = 10000
E = 320000
IN_DIM = 128
HID = 128
OUT = 64


def _gcn_conv(x, edge_index, W, b):
    # Faithful PyG GCNConv: x' = D^{-1/2} (A+I) D^{-1/2} (x W) + b
    n = x.shape[0]
    h = x @ W
    src = edge_index[0]
    dst = edge_index[1]
    loop = jnp.arange(n, dtype=src.dtype)
    src = jnp.concatenate([src, loop])
    dst = jnp.concatenate([dst, loop])
    deg = jnp.zeros((n,), dtype=h.dtype).at[dst].add(1.0)
    dinv = jnp.where(deg > 0, 1.0 / jnp.sqrt(deg), 0.0)
    norm = dinv[src] * dinv[dst]
    msg = h[src] * norm[:, None]
    out = jnp.zeros((n, W.shape[1]), dtype=h.dtype).at[dst].add(msg)
    return out + b


def setup_inputs(seed: int = 0) -> dict:
    key = jax.random.key(seed)
    k1, k2, k3, k4, k5, k6 = jax.random.split(key, 6)
    x = jax.random.normal(k1, (N, IN_DIM), dtype=jnp.float32)
    edge_index = jax.random.randint(k2, (2, E), 0, N).astype(jnp.int64)
    W1 = jax.random.normal(k3, (IN_DIM, HID), dtype=jnp.float32) * (1.0 / np.sqrt(IN_DIM))
    b1 = jnp.zeros((HID,), dtype=jnp.float32)
    W2 = jax.random.normal(k4, (HID, OUT), dtype=jnp.float32) * (1.0 / np.sqrt(HID))
    b2 = jnp.zeros((OUT,), dtype=jnp.float32)
    return {"x": x, "edge_index": edge_index, "W1": W1, "b1": b1, "W2": W2, "b2": b2}


def reference(x, edge_index, W1, b1, W2, b2):
    h = _gcn_conv(x, edge_index, W1, b1)
    h = jax.nn.relu(h)
    # F.dropout(training=self.training) is identity at inference
    out = _gcn_conv(h, edge_index, W2, b2)
    return jax.nn.log_softmax(out, axis=1)

if __name__ == "__main__":
    import jax
    _d = setup_inputs()
    print(jax.jit(kernel)(*tuple(_d.values())))

</pallas_src>

<mosaic_0001>
#map = affine_map<(d0, d1) -> (0, 0, 0)>
#map1 = affine_map<(d0, d1) -> (0, 0)>
module attributes {stable_mosaic.version = 14 : i64} {
  func.func @_sc_scatter(%arg0: i32, %arg1: i32, %arg2: memref<2x10240x32xf32, #tpu.memory_space<hbm>>, %arg3: memref<16x168x128xi32, #tpu.memory_space<hbm>>, %arg4: memref<16x168x128xi32, #tpu.memory_space<hbm>>, %arg5: memref<10240x64xf32, #tpu.memory_space<hbm>>, %arg6: memref<2x10240x32xf32, #tpu.memory_space<hbm>>, %arg7: memref<168x128xi32, #tpu.memory_space<vmem>>, %arg8: memref<168x128xi32, #tpu.memory_space<vmem>>, %arg9: memref<6x128x32xf32, #tpu.memory_space<vmem>>, %arg10: memref<10240x32xf32, #tpu.memory_space<vmem_shared>>, %arg11: memref<!tpu.dma_semaphore, #tpu.memory_space<semaphore_mem>>, %arg12: memref<!tpu.dma_semaphore, #tpu.memory_space<semaphore_mem>>, %arg13: memref<!tpu.dma_semaphore, #tpu.memory_space<semaphore_mem>>, %arg14: memref<!tpu.dma_semaphore, #tpu.memory_space<semaphore_mem>>, %arg15: memref<!tpu.dma_semaphore, #tpu.memory_space<semaphore_mem>>, %arg16: memref<!tpu.dma_semaphore, #tpu.memory_space<semaphore_mem>>, %arg17: memref<!tpu.dma_semaphore, #tpu.memory_space<semaphore_mem>>, %arg18: memref<!tpu.dma_semaphore, #tpu.memory_space<semaphore_mem>>, %arg19: memref<!tpu.dma_semaphore, #tpu.memory_space<semaphore_mem>>, %arg20: memref<!tpu.dma_semaphore, #tpu.memory_space<semaphore_mem>>, %arg21: memref<!tpu.dma_semaphore, #tpu.memory_space<semaphore_mem>>, %arg22: memref<!tpu.dma_semaphore, #tpu.memory_space<semaphore_mem>>) attributes {dimension_semantics = [#tpu.dimension_semantics<core_parallel>, #tpu.dimension_semantics<subcore_parallel>], iteration_bounds = array<i64: 2, 16>, scalar_prefetch = 0 : i64, scratch_operands = 16 : i64, tpu.core_type = #tpu.core_type<sc_vector_subcore>, window_params = [{transform_indices = #map}, {transform_indices = #map}, {transform_indices = #map}, {transform_indices = #map1}, {transform_indices = #map}]} {
    %mul3A = arith.constant 640 : i32
    %mul3A_0 = arith.muli %arg1, %mul3A : i32
    %mul3A_1 = arith.constant 640 : i32
    %mul3A_2 = arith.muli %arg1, %mul3A_1 : i32
    "tpu.region"() ({
      %run_scoped3A = tpu.sem_alloc : memref<!tpu.dma_semaphore, #tpu.memory_space<semaphore_mem>>
      %dma_start3A_202 = arith.constant 0 : i32
      %dma_start3A_203 = tpu.memref_slice %arg10[%mul3A_2, %dma_start3A_202] : memref<10240x32xf32, #tpu.memory_space<vmem_shared>> -> memref<640x32xf32, #tpu.memory_space<vmem_shared>>
      %dma_start3A_204 = arith.constant 0 : i32
      %dma_start3A_205 = tpu.memref_slice %arg5[%mul3A_0, %dma_start3A_204] : memref<10240x64xf32, #tpu.memory_space<hbm>> -> memref<640x32xf32, #tpu.memory_space<hbm>>
      tpu.enqueue_dma source(%dma_start3A_205 : memref<640x32xf32, #tpu.memory_space<hbm>>) target(%dma_start3A_203 : memref<640x32xf32, #tpu.memory_space<vmem_shared>>) target_semaphore(%run_scoped3A : memref<!tpu.dma_semaphore, #tpu.memory_space<semaphore_mem>>)
      %dma_wait3A_206 = arith.constant 0 : i32
      %dma_wait3A_207 = tpu.memref_slice %arg10[%mul3A_2, %dma_wait3A_206] : memref<10240x32xf32, #tpu.memory_space<vmem_shared>> -> memref<640x32xf32, #tpu.memory_space<vmem_shared>>
      %dma_wait3A_208 = arith.constant 0 : i32
      %dma_wait3A_209 = tpu.memref_slice %arg5[%mul3A_0, %dma_wait3A_208] : memref<10240x64xf32, #tpu.memory_space<hbm>> -> memref<640x32xf32, #tpu.memory_space<hbm>>
      tpu.wait_dma2 semaphore(%run_scoped3A : memref<!tpu.dma_semaphore, #tpu.memory_space<semaphore_mem>>) src(%dma_wait3A_209 : memref<640x32xf32, #tpu.memory_space<hbm>>) dst(%dma_wait3A_207 : memref<640x32xf32, #tpu.memory_space<vmem_shared>>)
      tpu.yield
    }) : () -> ()
    "tpu.region"() ({
      %run_scoped3A = tpu.sem_alloc : memref<!tpu.dma_semaphore, #tpu.memory_space<semaphore_mem>>
      %dma_start3A_202 = arith.constant 0 : i32
      %dma_start3A_203 = arith.constant 0 : i32
      %dma_start3A_204 = tpu.memref_slice %arg3[%arg1, %dma_start3A_202, %dma_start3A_203] : memref<16x168x128xi32, #tpu.memory_space<hbm>> -> memref<1x168x128xi32, #tpu.memory_space<hbm>>
      %dma_start3A_205 = tpu.memref_squeeze %dma_start3A_204 : memref<1x168x128xi32, #tpu.memory_space<hbm>> -> memref<168x128xi32, #tpu.memory_space<hbm>>
      %dma_start3A_206 = arith.constant 0 : i32
      %dma_start3A_207 = arith.constant 0 : i32
      %dma_start3A_208 = tpu.memref_slice %arg3[%arg1, %dma_start3A_206, %dma_start3A_207] : memref<16x168x128xi32, #tpu.memory_space<hbm>> -> memref<1x168x128xi32, #tpu.memory_space<hbm>>
      %dma_start3A_209 = tpu.memref_squeeze %dma_start3A_208 : memref<1x168x128xi32, #tpu.memory_space<hbm>> -> memref<168x128xi32, #tpu.memory_space<hbm>>
      tpu.enqueue_dma source(%dma_start3A_209 : memref<168x128xi32, #tpu.memory_space<hbm>>) target(%arg7 : memref<168x128xi32, #tpu.memory_space<vmem>>) target_semaphore(%run_scoped3A : memref<!tpu.dma_semaphore, #tpu.memory_space<semaphore_mem>>)
      %dma_wait3A_210 = arith.constant 0 : i32
      %dma_wait3A_211 = arith.constant 0 : i32
      %dma_wait3A_212 = tpu.memref_slice %arg3[%arg1, %dma_wait3A_210, %dma_wait3A_211] : memref<16x168x128xi32, #tpu.memory_space<hbm>> -> memref<1x168x128xi32, #tpu.memory_space<hbm>>
      %dma_wait3A_213 = tpu.memref_squeeze %dma_wait3A_212 : memref<1x168x128xi32, #tpu.memory_space<hbm>> -> memref<168x128xi32, #tpu.memory_space<hbm>>
      %dma_wait3A_214 = arith.constant 0 : i32
      %dma_wait3A_215 = arith.constant 0 : i32
      %dma_wait3A_216 = tpu.memref_slice %arg3[%arg1, %dma_wait3A_214, %dma_wait3A_215] : memref<16x168x128xi32, #tpu.memory_space<hbm>> -> memref<1x168x128xi32, #tpu.memory_space<hbm>>
      %dma_wait3A_217 = tpu.memref_squeeze %dma_wait3A_216 : memref<1x168x128xi32, #tpu.memory_space<hbm>> -> memref<168x128xi32, #tpu.memory_space<hbm>>
      tpu.wait_dma2 semaphore(%run_scoped3A : memref<!tpu.dma_semaphore, #tpu.memory_space<semaphore_mem>>) src(%dma_wait3A_217 : memref<168x128xi32, #tpu.memory_space<hbm>>) dst(%arg7 : memref<168x128xi32, #tpu.memory_space<vmem>>)
      tpu.yield
    }) : () -> ()
    "tpu.region"() ({
      %run_scoped3A = tpu.sem_alloc : memref<!tpu.dma_semaphore, #tpu.memory_space<semaphore_mem>>
      %dma_start3A_202 = arith.constant 0 : i32
      %dma_start3A_203 = arith.constant 0 : i32
      %dma_start3A_204 = tpu.memref_slice %arg4[%arg1, %dma_start3A_202, %dma_start3A_203] : memref<16x168x128xi32, #tpu.memory_space<hbm>> -> memref<1x168x128xi32, #tpu.memory_space<hbm>>
      %dma_start3A_205 = tpu.memref_squeeze %dma_start3A_204 : memref<1x168x128xi32, #tpu.memory_space<hbm>> -> memref<168x128xi32, #tpu.memory_space<hbm>>
      %dma_start3A_206 = arith.constant 0 : i32
      %dma_start3A_207 = arith.constant 0 : i32
      %dma_start3A_208 = tpu.memref_slice %arg4[%arg1, %dma_start3A_206, %dma_start3A_207] : memref<16x168x128xi32, #tpu.memory_space<hbm>> -> memref<1x168x128xi32, #tpu.memory_space<hbm>>
      %dma_start3A_209 = tpu.memref_squeeze %dma_start3A_208 : memref<1x168x128xi32, #tpu.memory_space<hbm>> -> memref<168x128xi32, #tpu.memory_space<hbm>>
      tpu.enqueue_dma source(%dma_start3A_209 : memref<168x128xi32, #tpu.memory_space<hbm>>) target(%arg8 : memref<168x128xi32, #tpu.memory_space<vmem>>) target_semaphore(%run_scoped3A : memref<!tpu.dma_semaphore, #tpu.memory_space<semaphore_mem>>)
      %dma_wait3A_210 = arith.constant 0 : i32
      %dma_wait3A_211 = arith.constant 0 : i32
      %dma_wait3A_212 = tpu.memref_slice %arg4[%arg1, %dma_wait3A_210, %dma_wait3A_211] : memref<16x168x128xi32, #tpu.memory_space<hbm>> -> memref<1x168x128xi32, #tpu.memory_space<hbm>>
      %dma_wait3A_213 = tpu.memref_squeeze %dma_wait3A_212 : memref<1x168x128xi32, #tpu.memory_space<hbm>> -> memref<168x128xi32, #tpu.memory_space<hbm>>
      %dma_wait3A_214 = arith.constant 0 : i32
      %dma_wait3A_215 = arith.constant 0 : i32
      %dma_wait3A_216 = tpu.memref_slice %arg4[%arg1, %dma_wait3A_214, %dma_wait3A_215] : memref<16x168x128xi32, #tpu.memory_space<hbm>> -> memref<1x168x128xi32, #tpu.memory_space<hbm>>
      %dma_wait3A_217 = tpu.memref_squeeze %dma_wait3A_216 : memref<1x168x128xi32, #tpu.memory_space<hbm>> -> memref<168x128xi32, #tpu.memory_space<hbm>>
      tpu.wait_dma2 semaphore(%run_scoped3A : memref<!tpu.dma_semaphore, #tpu.memory_space<semaphore_mem>>) src(%dma_wait3A_217 : memref<168x128xi32, #tpu.memory_space<hbm>>) dst(%arg8 : memref<168x128xi32, #tpu.memory_space<vmem>>)
      tpu.yield
    }) : () -> ()
    %barrier3A = arith.constant 0 : index
    tpu.barrier barrier_id(%barrier3A)
    %dma_start3A = arith.constant 0 : i32
    %dma_start3A_3 = arith.constant 0 : i32
    %dma_start3A_4 = arith.constant 0 : i32
    %dma_start3A_5 = arith.constant 0 : i32
    %dma_start3A_6 = tpu.memref_slice %arg9[%dma_start3A_3, %dma_start3A_4, %dma_start3A_5] : memref<6x128x32xf32, #tpu.memory_space<vmem>> -> memref<1x128x32xf32, #tpu.memory_space<vmem>>
    %dma_start3A_7 = tpu.memref_squeeze %dma_start3A_6 : memref<1x128x32xf32, #tpu.memory_space<vmem>> -> memref<128x32xf32, #tpu.memory_space<vmem>>
    %dma_start3A_8 = arith.constant 0 : i32
    %dma_start3A_9 = tpu.memref_slice %arg7[%dma_start3A, %dma_start3A_8] : memref<168x128xi32, #tpu.memory_space<vmem>> -> memref<1x128xi32, #tpu.memory_space<vmem>>
    %dma_start3A_10 = tpu.memref_squeeze %dma_start3A_9 : memref<1x128xi32, #tpu.memory_space<vmem>> -> memref<128xi32, #tpu.memory_space<vmem>>
    %dma_start3A_11 = arith.constant 0 : i32
    %dma_start3A_12 = arith.constant 0 : i32
    %dma_start3A_13 = tpu.memref_slice %arg2[%arg0, %dma_start3A_11, %dma_start3A_12] : memref<2x10240x32xf32, #tpu.memory_space<hbm>> -> memref<1x10240x32xf32, #tpu.memory_space<hbm>>
    %dma_start3A_14 = tpu.memref_squeeze %dma_start3A_13 : memref<1x10240x32xf32, #tpu.memory_space<hbm>> -> memref<10240x32xf32, #tpu.memory_space<hbm>>
    %dma_start3A_15 = arith.constant 0 : i32
    %dma_start3A_16 = arith.constant 0 : i32
    %dma_start3A_17 = tpu.memref_slice %dma_start3A_14[%dma_start3A_15, %dma_start3A_16] : memref<10240x32xf32, #tpu.memory_space<hbm>> -> memref<10240x32xf32, #tpu.memory_space<hbm>>
    tpu.enqueue_indirect_dma source(%dma_start3A_17 : memref<10240x32xf32, #tpu.memory_space<hbm>>) target(%dma_start3A_7 : memref<128x32xf32, #tpu.memory_space<vmem>>) offsets(%dma_start3A_10 : memref<128xi32, #tpu.memory_space<vmem>>) semaphore(%arg11 : memref<!tpu.dma_semaphore, #tpu.memory_space<semaphore_mem>>)
    %dma_start3A_18 = arith.constant 1 : i32
    %dma_start3A_19 = arith.constant 1 : i32
    %dma_start3A_20 = arith.constant 0 : i32
    %dma_start3A_21 = arith.constant 0 : i32
    %dma_start3A_22 = tpu.memref_slice %arg9[%dma_start3A_19, %dma_start3A_20, %dma_start3A_21] : memref<6x128x32xf32, #tpu.memory_space<vmem>> -> memref<1x128x32xf32, #tpu.memory_space<vmem>>
    %dma_start3A_23 = tpu.memref_squeeze %dma_start3A_22 : memref<1x128x32xf32, #tpu.memory_space<vmem>> -> memref<128x32xf32, #tpu.memory_space<vmem>>
    %dma_start3A_24 = arith.constant 0 : i32
    %dma_start3A_25 = tpu.memref_slice %arg7[%dma_start3A_18, %dma_start3A_24] : memref<168x128xi32, #tpu.memory_space<vmem>> -> memref<1x128xi32, #tpu.memory_space<vmem>>
    %dma_start3A_26 = tpu.memref_squeeze %dma_start3A_25 : memref<1x128xi32, #tpu.memory_space<vmem>> -> memref<128xi32, #tpu.memory_space<vmem>>
    %dma_start3A_27 = arith.constant 0 : i32
    %dma_start3A_28 = arith.constant 0 : i32
    %dma_start3A_29 = tpu.memref_slice %arg2[%arg0, %dma_start3A_27, %dma_start3A_28] : memref<2x10240x32xf32, #tpu.memory_space<hbm>> -> memref<1x10240x32xf32, #tpu.memory_space<hbm>>
    %dma_start3A_30 = tpu.memref_squeeze %dma_start3A_29 : memref<1x10240x32xf32, #tpu.memory_space<hbm>> -> memref<10240x32xf32, #tpu.memory_space<hbm>>
    %dma_start3A_31 = arith.constant 0 : i32
    %dma_start3A_32 = arith.constant 0 : i32
    %dma_start3A_33 = tpu.memref_slice %dma_start3A_30[%dma_start3A_31, %dma_start3A_32] : memref<10240x32xf32, #tpu.memory_space<hbm>> -> memref<10240x32xf32, #tpu.memory_space<hbm>>
    tpu.enqueue_indirect_dma source(%dma_start3A_33 : memref<10240x32xf32, #tpu.memory_space<hbm>>) target(%dma_start3A_23 : memref<128x32xf32, #tpu.memory_space<vmem>>) offsets(%dma_start3A_26 : memref<128xi32, #tpu.memory_space<vmem>>) semaphore(%arg12 : memref<!tpu.dma_semaphore, #tpu.memory_space<semaphore_mem>>)
    %dma_start3A_34 = arith.constant 2 : i32
    %dma_start3A_35 = arith.constant 2 : i32
    %dma_start3A_36 = arith.constant 0 : i32
    %dma_start3A_37 = arith.constant 0 : i32
    %dma_start3A_38 = tpu.memref_slice %arg9[%dma_start3A_35, %dma_start3A_36, %dma_start3A_37] : memref<6x128x32xf32, #tpu.memory_space<vmem>> -> memref<1x128x32xf32, #tpu.memory_space<vmem>>
    %dma_start3A_39 = tpu.memref_squeeze %dma_start3A_38 : memref<1x128x32xf32, #tpu.memory_space<vmem>> -> memref<128x32xf32, #tpu.memory_space<vmem>>
    %dma_start3A_40 = arith.constant 0 : i32
    %dma_start3A_41 = tpu.memref_slice %arg7[%dma_start3A_34, %dma_start3A_40] : memref<168x128xi32, #tpu.memory_space<vmem>> -> memref<1x128xi32, #tpu.memory_space<vmem>>
    %dma_start3A_42 = tpu.memref_squeeze %dma_start3A_41 : memref<1x128xi32, #tpu.memory_space<vmem>> -> memref<128xi32, #tpu.memory_space<vmem>>
    %dma_start3A_43 = arith.constant 0 : i32
    %dma_start3A_44 = arith.constant 0 : i32
    %dma_start3A_45 = tpu.memref_slice %arg2[%arg0, %dma_start3A_43, %dma_start3A_44] : memref<2x10240x32xf32, #tpu.memory_space<hbm>> -> memref<1x10240x32xf32, #tpu.memory_space<hbm>>
    %dma_start3A_46 = tpu.memref_squeeze %dma_start3A_45 : memref<1x10240x32xf32, #tpu.memory_space<hbm>> -> memref<10240x32xf32, #tpu.memory_space<hbm>>
    %dma_start3A_47 = arith.constant 0 : i32
    %dma_start3A_48 = arith.constant 0 : i32
    %dma_start3A_49 = tpu.memref_slice %dma_start3A_46[%dma_start3A_47, %dma_start3A_48] : memref<10240x32xf32, #tpu.memory_space<hbm>> -> memref<10240x32xf32, #tpu.memory_space<hbm>>
    tpu.enqueue_indirect_dma source(%dma_start3A_49 : memref<10240x32xf32, #tpu.memory_space<hbm>>) target(%dma_start3A_39 : memref<128x32xf32, #tpu.memory_space<vmem>>) offsets(%dma_start3A_42 : memref<128xi32, #tpu.memory_space<vmem>>) semaphore(%arg13 : memref<!tpu.dma_semaphore, #tpu.memory_space<semaphore_mem>>)
    %dma_start3A_50 = arith.constant 3 : i32
    %dma_start3A_51 = arith.constant 3 : i32
    %dma_start3A_52 = arith.constant 0 : i32
    %dma_start3A_53 = arith.constant 0 : i32
    %dma_start3A_54 = tpu.memref_slice %arg9[%dma_start3A_51, %dma_start3A_52, %dma_start3A_53] : memref<6x128x32xf32, #tpu.memory_space<vmem>> -> memref<1x128x32xf32, #tpu.memory_space<vmem>>
    %dma_start3A_55 = tpu.memref_squeeze %dma_start3A_54 : memref<1x128x32xf32, #tpu.memory_space<vmem>> -> memref<128x32xf32, #tpu.memory_space<vmem>>
    %dma_start3A_56 = arith.constant 0 : i32
    %dma_start3A_57 = tpu.memref_slice %arg7[%dma_start3A_50, %dma_start3A_56] : memref<168x128xi32, #tpu.memory_space<vmem>> -> memref<1x128xi32, #tpu.memory_space<vmem>>
    %dma_start3A_58 = tpu.memref_squeeze %dma_start3A_57 : memref<1x128xi32, #tpu.memory_space<vmem>> -> memref<128xi32, #tpu.memory_space<vmem>>
    %dma_start3A_59 = arith.constant 0 : i32
    %dma_start3A_60 = arith.constant 0 : i32
    %dma_start3A_61 = tpu.memref_slice %arg2[%arg0, %dma_start3A_59, %dma_start3A_60] : memref<2x10240x32xf32, #tpu.memory_space<hbm>> -> memref<1x10240x32xf32, #tpu.memory_space<hbm>>
    %dma_start3A_62 = tpu.memref_squeeze %dma_start3A_61 : memref<1x10240x32xf32, #tpu.memory_space<hbm>> -> memref<10240x32xf32, #tpu.memory_space<hbm>>
    %dma_start3A_63 = arith.constant 0 : i32
    %dma_start3A_64 = arith.constant 0 : i32
    %dma_start3A_65 = tpu.memref_slice %dma_start3A_62[%dma_start3A_63, %dma_start3A_64] : memref<10240x32xf32, #tpu.memory_space<hbm>> -> memref<10240x32xf32, #tpu.memory_space<hbm>>
    tpu.enqueue_indirect_dma source(%dma_start3A_65 : memref<10240x32xf32, #tpu.memory_space<hbm>>) target(%dma_start3A_55 : memref<128x32xf32, #tpu.memory_space<vmem>>) offsets(%dma_start3A_58 : memref<128xi32, #tpu.memory_space<vmem>>) semaphore(%arg14 : memref<!tpu.dma_semaphore, #tpu.memory_space<semaphore_mem>>)
    %dma_start3A_66 = arith.constant 4 : i32
    %dma_start3A_67 = arith.constant 4 : i32
    %dma_start3A_68 = arith.constant 0 : i32
    %dma_start3A_69 = arith.constant 0 : i32
    %dma_start3A_70 = tpu.memref_slice %arg9[%dma_start3A_67, %dma_start3A_68, %dma_start3A_69] : memref<6x128x32xf32, #tpu.memory_space<vmem>> -> memref<1x128x32xf32, #tpu.memory_space<vmem>>
    %dma_start3A_71 = tpu.memref_squeeze %dma_start3A_70 : memref<1x128x32xf32, #tpu.memory_space<vmem>> -> memref<128x32xf32, #tpu.memory_space<vmem>>
    %dma_start3A_72 = arith.constant 0 : i32
    %dma_start3A_73 = tpu.memref_slice %arg7[%dma_start3A_66, %dma_start3A_72] : memref<168x128xi32, #tpu.memory_space<vmem>> -> memref<1x128xi32, #tpu.memory_space<vmem>>
    %dma_start3A_74 = tpu.memref_squeeze %dma_start3A_73 : memref<1x128xi32, #tpu.memory_space<vmem>> -> memref<128xi32, #tpu.memory_space<vmem>>
    %dma_start3A_75 = arith.constant 0 : i32
    %dma_start3A_76 = arith.constant 0 : i32
    %dma_start3A_77 = tpu.memref_slice %arg2[%arg0, %dma_start3A_75, %dma_start3A_76] : memref<2x10240x32xf32, #tpu.memory_space<hbm>> -> memref<1x10240x32xf32, #tpu.memory_space<hbm>>
    %dma_start3A_78 = tpu.memref_squeeze %dma_start3A_77 : memref<1x10240x32xf32, #tpu.memory_space<hbm>> -> memref<10240x32xf32, #tpu.memory_space<hbm>>
    %dma_start3A_79 = arith.constant 0 : i32
    %dma_start3A_80 = arith.constant 0 : i32
    %dma_start3A_81 = tpu.memref_slice %dma_start3A_78[%dma_start3A_79, %dma_start3A_80] : memref<10240x32xf32, #tpu.memory_space<hbm>> -> memref<10240x32xf32, #tpu.memory_space<hbm>>
    tpu.enqueue_indirect_dma source(%dma_start3A_81 : memref<10240x32xf32, #tpu.memory_space<hbm>>) target(%dma_start3A_71 : memref<128x32xf32, #tpu.memory_space<vmem>>) offsets(%dma_start3A_74 : memref<128xi32, #tpu.memory_space<vmem>>) semaphore(%arg15 : memref<!tpu.dma_semaphore, #tpu.memory_space<semaphore_mem>>)
    %dma_start3A_82 = arith.constant 5 : i32
    %dma_start3A_83 = arith.constant 5 : i32
    %dma_start3A_84 = arith.constant 0 : i32
    %dma_start3A_85 = arith.constant 0 : i32
    %dma_start3A_86 = tpu.memref_slice %arg9[%dma_start3A_83, %dma_start3A_84, %dma_start3A_85] : memref<6x128x32xf32, #tpu.memory_space<vmem>> -> memref<1x128x32xf32, #tpu.memory_space<vmem>>
    %dma_start3A_87 = tpu.memref_squeeze %dma_start3A_86 : memref<1x128x32xf32, #tpu.memory_space<vmem>> -> memref<128x32xf32, #tpu.memory_space<vmem>>
    %dma_start3A_88 = arith.constant 0 : i32
    %dma_start3A_89 = tpu.memref_slice %arg7[%dma_start3A_82, %dma_start3A_88] : memref<168x128xi32, #tpu.memory_space<vmem>> -> memref<1x128xi32, #tpu.memory_space<vmem>>
    %dma_start3A_90 = tpu.memref_squeeze %dma_start3A_89 : memref<1x128xi32, #tpu.memory_space<vmem>> -> memref<128xi32, #tpu.memory_space<vmem>>
    %dma_start3A_91 = arith.constant 0 : i32
    %dma_start3A_92 = arith.constant 0 : i32
    %dma_start3A_93 = tpu.memref_slice %arg2[%arg0, %dma_start3A_91, %dma_start3A_92] : memref<2x10240x32xf32, #tpu.memory_space<hbm>> -> memref<1x10240x32xf32, #tpu.memory_space<hbm>>
    %dma_start3A_94 = tpu.memref_squeeze %dma_start3A_93 : memref<1x10240x32xf32, #tpu.memory_space<hbm>> -> memref<10240x32xf32, #tpu.memory_space<hbm>>
    %dma_start3A_95 = arith.constant 0 : i32
    %dma_start3A_96 = arith.constant 0 : i32
    %dma_start3A_97 = tpu.memref_slice %dma_start3A_94[%dma_start3A_95, %dma_start3A_96] : memref<10240x32xf32, #tpu.memory_space<hbm>> -> memref<10240x32xf32, #tpu.memory_space<hbm>>
    tpu.enqueue_indirect_dma source(%dma_start3A_97 : memref<10240x32xf32, #tpu.memory_space<hbm>>) target(%dma_start3A_87 : memref<128x32xf32, #tpu.memory_space<vmem>>) offsets(%dma_start3A_90 : memref<128xi32, #tpu.memory_space<vmem>>) semaphore(%arg16 : memref<!tpu.dma_semaphore, #tpu.memory_space<semaphore_mem>>)
    %scan3A = arith.constant 0 : i32
    %scan3A_98 = arith.constant 28 : i32
    %scan3A_99 = arith.addi %scan3A, %scan3A_98 : i32
    %scan3A_100 = arith.constant 1 : i32
    scf.for %scan3A_202 = %scan3A to %scan3A_99 step %scan3A_100  : i32 {
      %mul3A_203 = arith.constant 1 : i32
      %mul3A_204 = arith.muli %scan3A_202, %mul3A_203 : i32
      %add3A = arith.constant 0 : i32
      %add3A_205 = arith.addi %add3A, %mul3A_204 : i32
      %mul3A_206 = arith.constant 6 : i32
      %mul3A_207 = arith.muli %add3A_205, %mul3A_206 : i32
      %add3A_208 = arith.constant 0 : i32
      %add3A_209 = arith.addi %mul3A_207, %add3A_208 : i32
      %dma_wait3A_210 = arith.constant 0 : i32
      %dma_wait3A_211 = arith.constant 0 : i32
      %dma_wait3A_212 = arith.constant 0 : i32
      %dma_wait3A_213 = tpu.memref_slice %arg9[%dma_wait3A_210, %dma_wait3A_211, %dma_wait3A_212] : memref<6x128x32xf32, #tpu.memory_space<vmem>> -> memref<1x128x32xf32, #tpu.memory_space<vmem>>
      %dma_wait3A_214 = tpu.memref_squeeze %dma_wait3A_213 : memref<1x128x32xf32, #tpu.memory_space<vmem>> -> memref<128x32xf32, #tpu.memory_space<vmem>>
      %dma_wait3A_215 = arith.constant 0 : i32
      %dma_wait3A_216 = tpu.memref_slice %arg7[%add3A_209, %dma_wait3A_215] : memref<168x128xi32, #tpu.memory_space<vmem>> -> memref<1x128xi32, #tpu.memory_space<vmem>>
      %dma_wait3A_217 = tpu.memref_squeeze %dma_wait3A_216 : memref<1x128xi32, #tpu.memory_space<vmem>> -> memref<128xi32, #tpu.memory_space<vmem>>
      %dma_wait3A_218 = arith.constant 0 : i32
      %dma_wait3A_219 = arith.constant 0 : i32
      %dma_wait3A_220 = tpu.memref_slice %arg2[%arg0, %dma_wait3A_218, %dma_wait3A_219] : memref<2x10240x32xf32, #tpu.memory_space<hbm>> -> memref<1x10240x32xf32, #tpu.memory_space<hbm>>
      %dma_wait3A_221 = tpu.memref_squeeze %dma_wait3A_220 : memref<1x10240x32xf32, #tpu.memory_space<hbm>> -> memref<10240x32xf32, #tpu.memory_space<hbm>>
      %dma_wait3A_222 = arith.constant 0 : i32
      %dma_wait3A_223 = arith.constant 0 : i32
      %dma_wait3A_224 = tpu.memref_slice %dma_wait3A_221[%dma_wait3A_222, %dma_wait3A_223] : memref<10240x32xf32, #tpu.memory_space<hbm>> -> memref<10240x32xf32, #tpu.memory_space<hbm>>
      tpu.wait_indirect_dma semaphore(%arg11 : memref<!tpu.dma_semaphore, #tpu.memory_space<semaphore_mem>>) src(%dma_wait3A_224 : memref<10240x32xf32, #tpu.memory_space<hbm>>) dst(%dma_wait3A_214 : memref<128x32xf32, #tpu.memory_space<vmem>>)
      %dma_start3A_225 = arith.constant 0 : i32
      %dma_start3A_226 = arith.constant 0 : i32
      %dma_start3A_227 = arith.constant 0 : i32
      %dma_start3A_228 = tpu.memref_slice %arg9[%dma_start3A_225, %dma_start3A_226, %dma_start3A_227] : memref<6x128x32xf32, #tpu.memory_space<vmem>> -> memref<1x128x32xf32, #tpu.memory_space<vmem>>
      %dma_start3A_229 = tpu.memref_squeeze %dma_start3A_228 : memref<1x128x32xf32, #tpu.memory_space<vmem>> -> memref<128x32xf32, #tpu.memory_space<vmem>>
      %dma_start3A_230 = arith.constant 0 : i32
      %dma_start3A_231 = tpu.memref_slice %arg8[%add3A_209, %dma_start3A_230] : memref<168x128xi32, #tpu.memory_space<vmem>> -> memref<1x128xi32, #tpu.memory_space<vmem>>
      %dma_start3A_232 = tpu.memref_squeeze %dma_start3A_231 : memref<1x128xi32, #tpu.memory_space<vmem>> -> memref<128xi32, #tpu.memory_space<vmem>>
      %dma_start3A_233 = arith.constant 0 : i32
      %dma_start3A_234 = arith.constant 0 : i32
      %dma_start3A_235 = tpu.memref_slice %arg10[%dma_start3A_233, %dma_start3A_234] : memref<10240x32xf32, #tpu.memory_space<vmem_shared>> -> memref<10240x32xf32, #tpu.memory_space<vmem_shared>>
      tpu.enqueue_indirect_dma source(%dma_start3A_229 : memref<128x32xf32, #tpu.memory_space<vmem>>) target(%dma_start3A_235 : memref<10240x32xf32, #tpu.memory_space<vmem_shared>>) offsets(%dma_start3A_232 : memref<128xi32, #tpu.memory_space<vmem>>) semaphore(%arg17 : memref<!tpu.dma_semaphore, #tpu.memory_space<semaphore_mem>>) {add = true}
      %add3A_236 = arith.constant 1 : i32
      %add3A_237 = arith.addi %mul3A_207, %add3A_236 : i32
      %dma_wait3A_238 = arith.constant 1 : i32
      %dma_wait3A_239 = arith.constant 0 : i32
      %dma_wait3A_240 = arith.constant 0 : i32
      %dma_wait3A_241 = tpu.memref_slice %arg9[%dma_wait3A_238, %dma_wait3A_239, %dma_wait3A_240] : memref<6x128x32xf32, #tpu.memory_space<vmem>> -> memref<1x128x32xf32, #tpu.memory_space<vmem>>
      %dma_wait3A_242 = tpu.memref_squeeze %dma_wait3A_241 : memref<1x128x32xf32, #tpu.memory_space<vmem>> -> memref<128x32xf32, #tpu.memory_space<vmem>>
      %dma_wait3A_243 = arith.constant 0 : i32
      %dma_wait3A_244 = tpu.memref_slice %arg7[%add3A_237, %dma_wait3A_243] : memref<168x128xi32, #tpu.memory_space<vmem>> -> memref<1x128xi32, #tpu.memory_space<vmem>>
      %dma_wait3A_245 = tpu.memref_squeeze %dma_wait3A_244 : memref<1x128xi32, #tpu.memory_space<vmem>> -> memref<128xi32, #tpu.memory_space<vmem>>
      %dma_wait3A_246 = arith.constant 0 : i32
      %dma_wait3A_247 = arith.constant 0 : i32
      %dma_wait3A_248 = tpu.memref_slice %arg2[%arg0, %dma_wait3A_246, %dma_wait3A_247] : memref<2x10240x32xf32, #tpu.memory_space<hbm>> -> memref<1x10240x32xf32, #tpu.memory_space<hbm>>
      %dma_wait3A_249 = tpu.memref_squeeze %dma_wait3A_248 : memref<1x10240x32xf32, #tpu.memory_space<hbm>> -> memref<10240x32xf32, #tpu.memory_space<hbm>>
      %dma_wait3A_250 = arith.constant 0 : i32
      %dma_wait3A_251 = arith.constant 0 : i32
      %dma_wait3A_252 = tpu.memref_slice %dma_wait3A_249[%dma_wait3A_250, %dma_wait3A_251] : memref<10240x32xf32, #tpu.memory_space<hbm>> -> memref<10240x32xf32, #tpu.memory_space<hbm>>
      tpu.wait_indirect_dma semaphore(%arg12 : memref<!tpu.dma_semaphore, #tpu.memory_space<semaphore_mem>>) src(%dma_wait3A_252 : memref<10240x32xf32, #tpu.memory_space<hbm>>) dst(%dma_wait3A_242 : memref<128x32xf32, #tpu.memory_space<vmem>>)
      %dma_start3A_253 = arith.constant 1 : i32
      %dma_start3A_254 = arith.constant 0 : i32
      %dma_start3A_255 = arith.constant 0 : i32
      %dma_start3A_256 = tpu.memref_slice %arg9[%dma_start3A_253, %dma_start3A_254, %dma_start3A_255] : memref<6x128x32xf32, #tpu.memory_space<vmem>> -> memref<1x128x32xf32, #tpu.memory_space<vmem>>
      %dma_start3A_257 = tpu.memref_squeeze %dma_start3A_256 : memref<1x128x32xf32, #tpu.memory_space<vmem>> -> memref<128x32xf32, #tpu.memory_space<vmem>>
      %dma_start3A_258 = arith.constant 0 : i32
      %dma_start3A_259 = tpu.memref_slice %arg8[%add3A_237, %dma_start3A_258] : memref<168x128xi32, #tpu.memory_space<vmem>> -> memref<1x128xi32, #tpu.memory_space<vmem>>
      %dma_start3A_260 = tpu.memref_squeeze %dma_start3A_259 : memref<1x128xi32, #tpu.memory_space<vmem>> -> memref<128xi32, #tpu.memory_space<vmem>>
      %dma_start3A_261 = arith.constant 0 : i32
      %dma_start3A_262 = arith.constant 0 : i32
      %dma_start3A_263 = tpu.memref_slice %arg10[%dma_start3A_261, %dma_start3A_262] : memref<10240x32xf32, #tpu.memory_space<vmem_shared>> -> memref<10240x32xf32, #tpu.memory_space<vmem_shared>>
      tpu.enqueue_indirect_dma source(%dma_start3A_257 : memref<128x32xf32, #tpu.memory_space<vmem>>) target(%dma_start3A_263 : memref<10240x32xf32, #tpu.memory_space<vmem_shared>>) offsets(%dma_start3A_260 : memref<128xi32, #tpu.memory_space<vmem>>) semaphore(%arg18 : memref<!tpu.dma_semaphore, #tpu.memory_space<semaphore_mem>>) {add = true}
      %add3A_264 = arith.constant 2 : i32
      %add3A_265 = arith.addi %mul3A_207, %add3A_264 : i32
      %dma_wait3A_266 = arith.constant 2 : i32
      %dma_wait3A_267 = arith.constant 0 : i32
      %dma_wait3A_268 = arith.constant 0 : i32
      %dma_wait3A_269 = tpu.memref_slice %arg9[%dma_wait3A_266, %dma_wait3A_267, %dma_wait3A_268] : memref<6x128x32xf32, #tpu.memory_space<vmem>> -> memref<1x128x32xf32, #tpu.memory_space<vmem>>
      %dma_wait3A_270 = tpu.memref_squeeze %dma_wait3A_269 : memref<1x128x32xf32, #tpu.memory_space<vmem>> -> memref<128x32xf32, #tpu.memory_space<vmem>>
      %dma_wait3A_271 = arith.constant 0 : i32
      %dma_wait3A_272 = tpu.memref_slice %arg7[%add3A_265, %dma_wait3A_271] : memref<168x128xi32, #tpu.memory_space<vmem>> -> memref<1x128xi32, #tpu.memory_space<vmem>>
      %dma_wait3A_273 = tpu.memref_squeeze %dma_wait3A_272 : memref<1x128xi32, #tpu.memory_space<vmem>> -> memref<128xi32, #tpu.memory_space<vmem>>
      %dma_wait3A_274 = arith.constant 0 : i32
      %dma_wait3A_275 = arith.constant 0 : i32
      %dma_wait3A_276 = tpu.memref_slice %arg2[%arg0, %dma_wait3A_274, %dma_wait3A_275] : memref<2x10240x32xf32, #tpu.memory_space<hbm>> -> memref<1x10240x32xf32, #tpu.memory_space<hbm>>
      %dma_wait3A_277 = tpu.memref_squeeze %dma_wait3A_276 : memref<1x10240x32xf32, #tpu.memory_space<hbm>> -> memref<10240x32xf32, #tpu.memory_space<hbm>>
      %dma_wait3A_278 = arith.constant 0 : i32
      %dma_wait3A_279 = arith.constant 0 : i32
      %dma_wait3A_280 = tpu.memref_slice %dma_wait3A_277[%dma_wait3A_278, %dma_wait3A_279] : memref<10240x32xf32, #tpu.memory_space<hbm>> -> memref<10240x32xf32, #tpu.memory_space<hbm>>
      tpu.wait_indirect_dma semaphore(%arg13 : memref<!tpu.dma_semaphore, #tpu.memory_space<semaphore_mem>>) src(%dma_wait3A_280 : memref<10240x32xf32, #tpu.memory_space<hbm>>) dst(%dma_wait3A_270 : memref<128x32xf32, #tpu.memory_space<vmem>>)
      %dma_start3A_281 = arith.constant 2 : i32
      %dma_start3A_282 = arith.constant 0 : i32
      %dma_start3A_283 = arith.constant 0 : i32
      %dma_start3A_284 = tpu.memref_slice %arg9[%dma_start3A_281, %dma_start3A_282, %dma_start3A_283] : memref<6x128x32xf32, #tpu.memory_space<vmem>> -> memref<1x128x32xf32, #tpu.memory_space<vmem>>
      %dma_start3A_285 = tpu.memref_squeeze %dma_start3A_284 : memref<1x128x32xf32, #tpu.memory_space<vmem>> -> memref<128x32xf32, #tpu.memory_space<vmem>>
      %dma_start3A_286 = arith.constant 0 : i32
      %dma_start3A_287 = tpu.memref_slice %arg8[%add3A_265, %dma_start3A_286] : memref<168x128xi32, #tpu.memory_space<vmem>> -> memref<1x128xi32, #tpu.memory_space<vmem>>
      %dma_start3A_288 = tpu.memref_squeeze %dma_start3A_287 : memref<1x128xi32, #tpu.memory_space<vmem>> -> memref<128xi32, #tpu.memory_space<vmem>>
      %dma_start3A_289 = arith.constant 0 : i32
      %dma_start3A_290 = arith.constant 0 : i32
      %dma_start3A_291 = tpu.memref_slice %arg10[%dma_start3A_289, %dma_start3A_290] : memref<10240x32xf32, #tpu.memory_space<vmem_shared>> -> memref<10240x32xf32, #tpu.memory_space<vmem_shared>>
      tpu.enqueue_indirect_dma source(%dma_start3A_285 : memref<128x32xf32, #tpu.memory_space<vmem>>) target(%dma_start3A_291 : memref<10240x32xf32, #tpu.memory_space<vmem_shared>>) offsets(%dma_start3A_288 : memref<128xi32, #tpu.memory_space<vmem>>) semaphore(%arg19 : memref<!tpu.dma_semaphore, #tpu.memory_space<semaphore_mem>>) {add = true}
      %add3A_292 = arith.constant 3 : i32
      %add3A_293 = arith.addi %mul3A_207, %add3A_292 : i32
      %dma_wait3A_294 = arith.constant 3 : i32
      %dma_wait3A_295 = arith.constant 0 : i32
      %dma_wait3A_296 = arith.constant 0 : i32
      %dma_wait3A_297 = tpu.memref_slice %arg9[%dma_wait3A_294, %dma_wait3A_295, %dma_wait3A_296] : memref<6x128x32xf32, #tpu.memory_space<vmem>> -> memref<1x128x32xf32, #tpu.memory_space<vmem>>
      %dma_wait3A_298 = tpu.memref_squeeze %dma_wait3A_297 : memref<1x128x32xf32, #tpu.memory_space<vmem>> -> memref<128x32xf32, #tpu.memory_space<vmem>>
      %dma_wait3A_299 = arith.constant 0 : i32
      %dma_wait3A_300 = tpu.memref_slice %arg7[%add3A_293, %dma_wait3A_299] : memref<168x128xi32, #tpu.memory_space<vmem>> -> memref<1x128xi32, #tpu.memory_space<vmem>>
      %dma_wait3A_301 = tpu.memref_squeeze %dma_wait3A_300 : memref<1x128xi32, #tpu.memory_space<vmem>> -> memref<128xi32, #tpu.memory_space<vmem>>
      %dma_wait3A_302 = arith.constant 0 : i32
      %dma_wait3A_303 = arith.constant 0 : i32
      %dma_wait3A_304 = tpu.memref_slice %arg2[%arg0, %dma_wait3A_302, %dma_wait3A_303] : memref<2x10240x32xf32, #tpu.memory_space<hbm>> -> memref<1x10240x32xf32, #tpu.memory_space<hbm>>
      %dma_wait3A_305 = tpu.memref_squeeze %dma_wait3A_304 : memref<1x10240x32xf32, #tpu.memory_space<hbm>> -> memref<10240x32xf32, #tpu.memory_space<hbm>>
      %dma_wait3A_306 = arith.constant 0 : i32
      %dma_wait3A_307 = arith.constant 0 : i32
      %dma_wait3A_308 = tpu.memref_slice %dma_wait3A_305[%dma_wait3A_306, %dma_wait3A_307] : memref<10240x32xf32, #tpu.memory_space<hbm>> -> memref<10240x32xf32, #tpu.memory_space<hbm>>
      tpu.wait_indirect_dma semaphore(%arg14 : memref<!tpu.dma_semaphore, #tpu.memory_space<semaphore_mem>>) src(%dma_wait3A_308 : memref<10240x32xf32, #tpu.memory_space<hbm>>) dst(%dma_wait3A_298 : memref<128x32xf32, #tpu.memory_space<vmem>>)
      %dma_start3A_309 = arith.constant 3 : i32
      %dma_start3A_310 = arith.constant 0 : i32
      %dma_start3A_311 = arith.constant 0 : i32
      %dma_start3A_312 = tpu.memref_slice %arg9[%dma_start3A_309, %dma_start3A_310, %dma_start3A_311] : memref<6x128x32xf32, #tpu.memory_space<vmem>> -> memref<1x128x32xf32, #tpu.memory_space<vmem>>
      %dma_start3A_313 = tpu.memref_squeeze %dma_start3A_312 : memref<1x128x32xf32, #tpu.memory_space<vmem>> -> memref<128x32xf32, #tpu.memory_space<vmem>>
      %dma_start3A_314 = arith.constant 0 : i32
      %dma_start3A_315 = tpu.memref_slice %arg8[%add3A_293, %dma_start3A_314] : memref<168x128xi32, #tpu.memory_space<vmem>> -> memref<1x128xi32, #tpu.memory_space<vmem>>
      %dma_start3A_316 = tpu.memref_squeeze %dma_start3A_315 : memref<1x128xi32, #tpu.memory_space<vmem>> -> memref<128xi32, #tpu.memory_space<vmem>>
      %dma_start3A_317 = arith.constant 0 : i32
      %dma_start3A_318 = arith.constant 0 : i32
      %dma_start3A_319 = tpu.memref_slice %arg10[%dma_start3A_317, %dma_start3A_318] : memref<10240x32xf32, #tpu.memory_space<vmem_shared>> -> memref<10240x32xf32, #tpu.memory_space<vmem_shared>>
      tpu.enqueue_indirect_dma source(%dma_start3A_313 : memref<128x32xf32, #tpu.memory_space<vmem>>) target(%dma_start3A_319 : memref<10240x32xf32, #tpu.memory_space<vmem_shared>>) offsets(%dma_start3A_316 : memref<128xi32, #tpu.memory_space<vmem>>) semaphore(%arg20 : memref<!tpu.dma_semaphore, #tpu.memory_space<semaphore_mem>>) {add = true}
      %add3A_320 = arith.constant 4 : i32
      %add3A_321 = arith.addi %mul3A_207, %add3A_320 : i32
      %dma_wait3A_322 = arith.constant 4 : i32
      %dma_wait3A_323 = arith.constant 0 : i32
      %dma_wait3A_324 = arith.constant 0 : i32
      %dma_wait3A_325 = tpu.memref_slice %arg9[%dma_wait3A_322, %dma_wait3A_323, %dma_wait3A_324] : memref<6x128x32xf32, #tpu.memory_space<vmem>> -> memref<1x128x32xf32, #tpu.memory_space<vmem>>
      %dma_wait3A_326 = tpu.memref_squeeze %dma_wait3A_325 : memref<1x128x32xf32, #tpu.memory_space<vmem>> -> memref<128x32xf32, #tpu.memory_space<vmem>>
      %dma_wait3A_327 = arith.constant 0 : i32
      %dma_wait3A_328 = tpu.memref_slice %arg7[%add3A_321, %dma_wait3A_327] : memref<168x128xi32, #tpu.memory_space<vmem>> -> memref<1x128xi32, #tpu.memory_space<vmem>>
      %dma_wait3A_329 = tpu.memref_squeeze %dma_wait3A_328 : memref<1x128xi32, #tpu.memory_space<vmem>> -> memref<128xi32, #tpu.memory_space<vmem>>
      %dma_wait3A_330 = arith.constant 0 : i32
      %dma_wait3A_331 = arith.constant 0 : i32
      %dma_wait3A_332 = tpu.memref_slice %arg2[%arg0, %dma_wait3A_330, %dma_wait3A_331] : memref<2x10240x32xf32, #tpu.memory_space<hbm>> -> memref<1x10240x32xf32, #tpu.memory_space<hbm>>
      %dma_wait3A_333 = tpu.memref_squeeze %dma_wait3A_332 : memref<1x10240x32xf32, #tpu.memory_space<hbm>> -> memref<10240x32xf32, #tpu.memory_space<hbm>>
      %dma_wait3A_334 = arith.constant 0 : i32
      %dma_wait3A_335 = arith.constant 0 : i32
      %dma_wait3A_336 = tpu.memref_slice %dma_wait3A_333[%dma_wait3A_334, %dma_wait3A_335] : memref<10240x32xf32, #tpu.memory_space<hbm>> -> memref<10240x32xf32, #tpu.memory_space<hbm>>
      tpu.wait_indirect_dma semaphore(%arg15 : memref<!tpu.dma_semaphore, #tpu.memory_space<semaphore_mem>>) src(%dma_wait3A_336 : memref<10240x32xf32, #tpu.memory_space<hbm>>) dst(%dma_wait3A_326 : memref<128x32xf32, #tpu.memory_space<vmem>>)
      %dma_start3A_337 = arith.constant 4 : i32
      %dma_start3A_338 = arith.constant 0 : i32
      %dma_start3A_339 = arith.constant 0 : i32
      %dma_start3A_340 = tpu.memref_slice %arg9[%dma_start3A_337, %dma_start3A_338, %dma_start3A_339] : memref<6x128x32xf32, #tpu.memory_space<vmem>> -> memref<1x128x32xf32, #tpu.memory_space<vmem>>
      %dma_start3A_341 = tpu.memref_squeeze %dma_start3A_340 : memref<1x128x32xf32, #tpu.memory_space<vmem>> -> memref<128x32xf32, #tpu.memory_space<vmem>>
      %dma_start3A_342 = arith.constant 0 : i32
      %dma_start3A_343 = tpu.memref_slice %arg8[%add3A_321, %dma_start3A_342] : memref<168x128xi32, #tpu.memory_space<vmem>> -> memref<1x128xi32, #tpu.memory_space<vmem>>
      %dma_start3A_344 = tpu.memref_squeeze %dma_start3A_343 : memref<1x128xi32, #tpu.memory_space<vmem>> -> memref<128xi32, #tpu.memory_space<vmem>>
      %dma_start3A_345 = arith.constant 0 : i32
      %dma_start3A_346 = arith.constant 0 : i32
      %dma_start3A_347 = tpu.memref_slice %arg10[%dma_start3A_345, %dma_start3A_346] : memref<10240x32xf32, #tpu.memory_space<vmem_shared>> -> memref<10240x32xf32, #tpu.memory_space<vmem_shared>>
      tpu.enqueue_indirect_dma source(%dma_start3A_341 : memref<128x32xf32, #tpu.memory_space<vmem>>) target(%dma_start3A_347 : memref<10240x32xf32, #tpu.memory_space<vmem_shared>>) offsets(%dma_start3A_344 : memref<128xi32, #tpu.memory_space<vmem>>) semaphore(%arg21 : memref<!tpu.dma_semaphore, #tpu.memory_space<semaphore_mem>>) {add = true}
      %add3A_348 = arith.constant 5 : i32
      %add3A_349 = arith.addi %mul3A_207, %add3A_348 : i32
      %dma_wait3A_350 = arith.constant 5 : i32
      %dma_wait3A_351 = arith.constant 0 : i32
      %dma_wait3A_352 = arith.constant 0 : i32
      %dma_wait3A_353 = tpu.memref_slice %arg9[%dma_wait3A_350, %dma_wait3A_351, %dma_wait3A_352] : memref<6x128x32xf32, #tpu.memory_space<vmem>> -> memref<1x128x32xf32, #tpu.memory_space<vmem>>
      %dma_wait3A_354 = tpu.memref_squeeze %dma_wait3A_353 : memref<1x128x32xf32, #tpu.memory_space<vmem>> -> memref<128x32xf32, #tpu.memory_space<vmem>>
      %dma_wait3A_355 = arith.constant 0 : i32
      %dma_wait3A_356 = tpu.memref_slice %arg7[%add3A_349, %dma_wait3A_355] : memref<168x128xi32, #tpu.memory_space<vmem>> -> memref<1x128xi32, #tpu.memory_space<vmem>>
      %dma_wait3A_357 = tpu.memref_squeeze %dma_wait3A_356 : memref<1x128xi32, #tpu.memory_space<vmem>> -> memref<128xi32, #tpu.memory_space<vmem>>
      %dma_wait3A_358 = arith.constant 0 : i32
      %dma_wait3A_359 = arith.constant 0 : i32
      %dma_wait3A_360 = tpu.memref_slice %arg2[%arg0, %dma_wait3A_358, %dma_wait3A_359] : memref<2x10240x32xf32, #tpu.memory_space<hbm>> -> memref<1x10240x32xf32, #tpu.memory_space<hbm>>
      %dma_wait3A_361 = tpu.memref_squeeze %dma_wait3A_360 : memref<1x10240x32xf32, #tpu.memory_space<hbm>> -> memref<10240x32xf32, #tpu.memory_space<hbm>>
      %dma_wait3A_362 = arith.constant 0 : i32
      %dma_wait3A_363 = arith.constant 0 : i32
      %dma_wait3A_364 = tpu.memref_slice %dma_wait3A_361[%dma_wait3A_362, %dma_wait3A_363] : memref<10240x32xf32, #tpu.memory_space<hbm>> -> memref<10240x32xf32, #tpu.memory_space<hbm>>
      tpu.wait_indirect_dma semaphore(%arg16 : memref<!tpu.dma_semaphore, #tpu.memory_space<semaphore_mem>>) src(%dma_wait3A_364 : memref<10240x32xf32, #tpu.memory_space<hbm>>) dst(%dma_wait3A_354 : memref<128x32xf32, #tpu.memory_space<vmem>>)
      %dma_start3A_365 = arith.constant 5 : i32
      %dma_start3A_366 = arith.constant 0 : i32
      %dma_start3A_367 = arith.constant 0 : i32
      %dma_start3A_368 = tpu.memref_slice %arg9[%dma_start3A_365, %dma_start3A_366, %dma_start3A_367] : memref<6x128x32xf32, #tpu.memory_space<vmem>> -> memref<1x128x32xf32, #tpu.memory_space<vmem>>
      %dma_start3A_369 = tpu.memref_squeeze %dma_start3A_368 : memref<1x128x32xf32, #tpu.memory_space<vmem>> -> memref<128x32xf32, #tpu.memory_space<vmem>>
      %dma_start3A_370 = arith.constant 0 : i32
      %dma_start3A_371 = tpu.memref_slice %arg8[%add3A_349, %dma_start3A_370] : memref<168x128xi32, #tpu.memory_space<vmem>> -> memref<1x128xi32, #tpu.memory_space<vmem>>
      %dma_start3A_372 = tpu.memref_squeeze %dma_start3A_371 : memref<1x128xi32, #tpu.memory_space<vmem>> -> memref<128xi32, #tpu.memory_space<vmem>>
      %dma_start3A_373 = arith.constant 0 : i32
      %dma_start3A_374 = arith.constant 0 : i32
      %dma_start3A_375 = tpu.memref_slice %arg10[%dma_start3A_373, %dma_start3A_374] : memref<10240x32xf32, #tpu.memory_space<vmem_shared>> -> memref<10240x32xf32, #tpu.memory_space<vmem_shared>>
      tpu.enqueue_indirect_dma source(%dma_start3A_369 : memref<128x32xf32, #tpu.memory_space<vmem>>) target(%dma_start3A_375 : memref<10240x32xf32, #tpu.memory_space<vmem_shared>>) offsets(%dma_start3A_372 : memref<128xi32, #tpu.memory_space<vmem>>) semaphore(%arg22 : memref<!tpu.dma_semaphore, #tpu.memory_space<semaphore_mem>>) {add = true}
      %add3A_376 = arith.constant 0 : i32
      %add3A_377 = arith.addi %mul3A_207, %add3A_376 : i32
      %add3A_378 = arith.constant 6 : i32
      %add3A_379 = arith.addi %add3A_377, %add3A_378 : i32
      %min3A = arith.constant 167 : i32
      %min3A_380 = arith.minsi %add3A_379, %min3A : i32
      %dma_wait3A_381 = arith.constant 0 : i32
      %dma_wait3A_382 = arith.constant 0 : i32
      %dma_wait3A_383 = arith.constant 0 : i32
      %dma_wait3A_384 = tpu.memref_slice %arg9[%dma_wait3A_381, %dma_wait3A_382, %dma_wait3A_383] : memref<6x128x32xf32, #tpu.memory_space<vmem>> -> memref<1x128x32xf32, #tpu.memory_space<vmem>>
      %dma_wait3A_385 = tpu.memref_squeeze %dma_wait3A_384 : memref<1x128x32xf32, #tpu.memory_space<vmem>> -> memref<128x32xf32, #tpu.memory_space<vmem>>
      %dma_wait3A_386 = arith.constant 0 : i32
      %dma_wait3A_387 = tpu.memref_slice %arg8[%add3A_377, %dma_wait3A_386] : memref<168x128xi32, #tpu.memory_space<vmem>> -> memref<1x128xi32, #tpu.memory_space<vmem>>
      %dma_wait3A_388 = tpu.memref_squeeze %dma_wait3A_387 : memref<1x128xi32, #tpu.memory_space<vmem>> -> memref<128xi32, #tpu.memory_space<vmem>>
      %dma_wait3A_389 = arith.constant 0 : i32
      %dma_wait3A_390 = arith.constant 0 : i32
      %dma_wait3A_391 = tpu.memref_slice %arg10[%dma_wait3A_389, %dma_wait3A_390] : memref<10240x32xf32, #tpu.memory_space<vmem_shared>> -> memref<10240x32xf32, #tpu.memory_space<vmem_shared>>
      tpu.wait_indirect_dma semaphore(%arg17 : memref<!tpu.dma_semaphore, #tpu.memory_space<semaphore_mem>>) src(%dma_wait3A_385 : memref<128x32xf32, #tpu.memory_space<vmem>>) dst(%dma_wait3A_391 : memref<10240x32xf32, #tpu.memory_space<vmem_shared>>)
      %dma_start3A_392 = arith.constant 0 : i32
      %dma_start3A_393 = arith.constant 0 : i32
      %dma_start3A_394 = arith.constant 0 : i32
      %dma_start3A_395 = tpu.memref_slice %arg9[%dma_start3A_392, %dma_start3A_393, %dma_start3A_394] : memref<6x128x32xf32, #tpu.memory_space<vmem>> -> memref<1x128x32xf32, #tpu.memory_space<vmem>>
      %dma_start3A_396 = tpu.memref_squeeze %dma_start3A_395 : memref<1x128x32xf32, #tpu.memory_space<vmem>> -> memref<128x32xf32, #tpu.memory_space<vmem>>
      %dma_start3A_397 = arith.constant 0 : i32
      %dma_start3A_398 = tpu.memref_slice %arg7[%min3A_380, %dma_start3A_397] : memref<168x128xi32, #tpu.memory_space<vmem>> -> memref<1x128xi32, #tpu.memory_space<vmem>>
      %dma_start3A_399 = tpu.memref_squeeze %dma_start3A_398 : memref<1x128xi32, #tpu.memory_space<vmem>> -> memref<128xi32, #tpu.memory_space<vmem>>
      %dma_start3A_400 = arith.constant 0 : i32
      %dma_start3A_401 = arith.constant 0 : i32
      %dma_start3A_402 = tpu.memref_slice %arg2[%arg0, %dma_start3A_400, %dma_start3A_401] : memref<2x10240x32xf32, #tpu.memory_space<hbm>> -> memref<1x10240x32xf32, #tpu.memory_space<hbm>>
      %dma_start3A_403 = tpu.memref_squeeze %dma_start3A_402 : memref<1x10240x32xf32, #tpu.memory_space<hbm>> -> memref<10240x32xf32, #tpu.memory_space<hbm>>
      %dma_start3A_404 = arith.constant 0 : i32
      %dma_start3A_405 = arith.constant 0 : i32
      %dma_start3A_406 = tpu.memref_slice %dma_start3A_403[%dma_start3A_404, %dma_start3A_405] : memref<10240x32xf32, #tpu.memory_space<hbm>> -> memref<10240x32xf32, #tpu.memory_space<hbm>>
      tpu.enqueue_indirect_dma source(%dma_start3A_406 : memref<10240x32xf32, #tpu.memory_space<hbm>>) target(%dma_start3A_396 : memref<128x32xf32, #tpu.memory_space<vmem>>) offsets(%dma_start3A_399 : memref<128xi32, #tpu.memory_space<vmem>>) semaphore(%arg11 : memref<!tpu.dma_semaphore, #tpu.memory_space<semaphore_mem>>)
      %add3A_407 = arith.constant 1 : i32
      %add3A_408 = arith.addi %mul3A_207, %add3A_407 : i32
      %add3A_409 = arith.constant 6 : i32
      %add3A_410 = arith.addi %add3A_408, %add3A_409 : i32
      %min3A_411 = arith.constant 167 : i32
      %min3A_412 = arith.minsi %add3A_410, %min3A_411 : i32
      %dma_wait3A_413 = arith.constant 1 : i32
      %dma_wait3A_414 = arith.constant 0 : i32
      %dma_wait3A_415 = arith.constant 0 : i32
      %dma_wait3A_416 = tpu.memref_slice %arg9[%dma_wait3A_413, %dma_wait3A_414, %dma_wait3A_415] : memref<6x128x32xf32, #tpu.memory_space<vmem>> -> memref<1x128x32xf32, #tpu.memory_space<vmem>>
      %dma_wait3A_417 = tpu.memref_squeeze %dma_wait3A_416 : memref<1x128x32xf32, #tpu.memory_space<vmem>> -> memref<128x32xf32, #tpu.memory_space<vmem>>
      %dma_wait3A_418 = arith.constant 0 : i32
      %dma_wait3A_419 = tpu.memref_slice %arg8[%add3A_408, %dma_wait3A_418] : memref<168x128xi32, #tpu.memory_space<vmem>> -> memref<1x128xi32, #tpu.memory_space<vmem>>
      %dma_wait3A_420 = tpu.memref_squeeze %dma_wait3A_419 : memref<1x128xi32, #tpu.memory_space<vmem>> -> memref<128xi32, #tpu.memory_space<vmem>>
      %dma_wait3A_421 = arith.constant 0 : i32
      %dma_wait3A_422 = arith.constant 0 : i32
      %dma_wait3A_423 = tpu.memref_slice %arg10[%dma_wait3A_421, %dma_wait3A_422] : memref<10240x32xf32, #tpu.memory_space<vmem_shared>> -> memref<10240x32xf32, #tpu.memory_space<vmem_shared>>
      tpu.wait_indirect_dma semaphore(%arg18 : memref<!tpu.dma_semaphore, #tpu.memory_space<semaphore_mem>>) src(%dma_wait3A_417 : memref<128x32xf32, #tpu.memory_space<vmem>>) dst(%dma_wait3A_423 : memref<10240x32xf32, #tpu.memory_space<vmem_shared>>)
      %dma_start3A_424 = arith.constant 1 : i32
      %dma_start3A_425 = arith.constant 0 : i32
      %dma_start3A_426 = arith.constant 0 : i32
      %dma_start3A_427 = tpu.memref_slice %arg9[%dma_start3A_424, %dma_start3A_425, %dma_start3A_426] : memref<6x128x32xf32, #tpu.memory_space<vmem>> -> memref<1x128x32xf32, #tpu.memory_space<vmem>>
      %dma_start3A_428 = tpu.memref_squeeze %dma_start3A_427 : memref<1x128x32xf32, #tpu.memory_space<vmem>> -> memref<128x32xf32, #tpu.memory_space<vmem>>
      %dma_start3A_429 = arith.constant 0 : i32
      %dma_start3A_430 = tpu.memref_slice %arg7[%min3A_412, %dma_start3A_429] : memref<168x128xi32, #tpu.memory_space<vmem>> -> memref<1x128xi32, #tpu.memory_space<vmem>>
      %dma_start3A_431 = tpu.memref_squeeze %dma_start3A_430 : memref<1x128xi32, #tpu.memory_space<vmem>> -> memref<128xi32, #tpu.memory_space<vmem>>
      %dma_start3A_432 = arith.constant 0 : i32
      %dma_start3A_433 = arith.constant 0 : i32
      %dma_start3A_434 = tpu.memref_slice %arg2[%arg0, %dma_start3A_432, %dma_start3A_433] : memref<2x10240x32xf32, #tpu.memory_space<hbm>> -> memref<1x10240x32xf32, #tpu.memory_space<hbm>>
      %dma_start3A_435 = tpu.memref_squeeze %dma_start3A_434 : memref<1x10240x32xf32, #tpu.memory_space<hbm>> -> memref<10240x32xf32, #tpu.memory_space<hbm>>
      %dma_start3A_436 = arith.constant 0 : i32
      %dma_start3A_437 = arith.constant 0 : i32
      %dma_start3A_438 = tpu.memref_slice %dma_start3A_435[%dma_start3A_436, %dma_start3A_437] : memref<10240x32xf32, #tpu.memory_space<hbm>> -> memref<10240x32xf32, #tpu.memory_space<hbm>>
      tpu.enqueue_indirect_dma source(%dma_start3A_438 : memref<10240x32xf32, #tpu.memory_space<hbm>>) target(%dma_start3A_428 : memref<128x32xf32, #tpu.memory_space<vmem>>) offsets(%dma_start3A_431 : memref<128xi32, #tpu.memory_space<vmem>>) semaphore(%arg12 : memref<!tpu.dma_semaphore, #tpu.memory_space<semaphore_mem>>)
      %add3A_439 = arith.constant 2 : i32
      %add3A_440 = arith.addi %mul3A_207, %add3A_439 : i32
      %add3A_441 = arith.constant 6 : i32
      %add3A_442 = arith.addi %add3A_440, %add3A_441 : i32
      %min3A_443 = arith.constant 167 : i32
      %min3A_444 = arith.minsi %add3A_442, %min3A_443 : i32
      %dma_wait3A_445 = arith.constant 2 : i32
      %dma_wait3A_446 = arith.constant 0 : i32
      %dma_wait3A_447 = arith.constant 0 : i32
      %dma_wait3A_448 = tpu.memref_slice %arg9[%dma_wait3A_445, %dma_wait3A_446, %dma_wait3A_447] : memref<6x128x32xf32, #tpu.memory_space<vmem>> -> memref<1x128x32xf32, #tpu.memory_space<vmem>>
      %dma_wait3A_449 = tpu.memref_squeeze %dma_wait3A_448 : memref<1x128x32xf32, #tpu.memory_space<vmem>> -> memref<128x32xf32, #tpu.memory_space<vmem>>
      %dma_wait3A_450 = arith.constant 0 : i32
      %dma_wait3A_451 = tpu.memref_slice %arg8[%add3A_440, %dma_wait3A_450] : memref<168x128xi32, #tpu.memory_space<vmem>> -> memref<1x128xi32, #tpu.memory_space<vmem>>
      %dma_wait3A_452 = tpu.memref_squeeze %dma_wait3A_451 : memref<1x128xi32, #tpu.memory_space<vmem>> -> memref<128xi32, #tpu.memory_space<vmem>>
      %dma_wait3A_453 = arith.constant 0 : i32
      %dma_wait3A_454 = arith.constant 0 : i32
      %dma_wait3A_455 = tpu.memref_slice %arg10[%dma_wait3A_453, %dma_wait3A_454] : memref<10240x32xf32, #tpu.memory_space<vmem_shared>> -> memref<10240x32xf32, #tpu.memory_space<vmem_shared>>
      tpu.wait_indirect_dma semaphore(%arg19 : memref<!tpu.dma_semaphore, #tpu.memory_space<semaphore_mem>>) src(%dma_wait3A_449 : memref<128x32xf32, #tpu.memory_space<vmem>>) dst(%dma_wait3A_455 : memref<10240x32xf32, #tpu.memory_space<vmem_shared>>)
      %dma_start3A_456 = arith.constant 2 : i32
      %dma_start3A_457 = arith.constant 0 : i32
      %dma_start3A_458 = arith.constant 0 : i32
      %dma_start3A_459 = tpu.memref_slice %arg9[%dma_start3A_456, %dma_start3A_457, %dma_start3A_458] : memref<6x128x32xf32, #tpu.memory_space<vmem>> -> memref<1x128x32xf32, #tpu.memory_space<vmem>>
      %dma_start3A_460 = tpu.memref_squeeze %dma_start3A_459 : memref<1x128x32xf32, #tpu.memory_space<vmem>> -> memref<128x32xf32, #tpu.memory_space<vmem>>
      %dma_start3A_461 = arith.constant 0 : i32
      %dma_start3A_462 = tpu.memref_slice %arg7[%min3A_444, %dma_start3A_461] : memref<168x128xi32, #tpu.memory_space<vmem>> -> memref<1x128xi32, #tpu.memory_space<vmem>>
      %dma_start3A_463 = tpu.memref_squeeze %dma_start3A_462 : memref<1x128xi32, #tpu.memory_space<vmem>> -> memref<128xi32, #tpu.memory_space<vmem>>
      %dma_start3A_464 = arith.constant 0 : i32
      %dma_start3A_465 = arith.constant 0 : i32
      %dma_start3A_466 = tpu.memref_slice %arg2[%arg0, %dma_start3A_464, %dma_start3A_465] : memref<2x10240x32xf32, #tpu.memory_space<hbm>> -> memref<1x10240x32xf32, #tpu.memory_space<hbm>>
      %dma_start3A_467 = tpu.memref_squeeze %dma_start3A_466 : memref<1x10240x32xf32, #tpu.memory_space<hbm>> -> memref<10240x32xf32, #tpu.memory_space<hbm>>
      %dma_start3A_468 = arith.constant 0 : i32
      %dma_start3A_469 = arith.constant 0 : i32
      %dma_start3A_470 = tpu.memref_slice %dma_start3A_467[%dma_start3A_468, %dma_start3A_469] : memref<10240x32xf32, #tpu.memory_space<hbm>> -> memref<10240x32xf32, #tpu.memory_space<hbm>>
      tpu.enqueue_indirect_dma source(%dma_start3A_470 : memref<10240x32xf32, #tpu.memory_space<hbm>>) target(%dma_start3A_460 : memref<128x32xf32, #tpu.memory_space<vmem>>) offsets(%dma_start3A_463 : memref<128xi32, #tpu.memory_space<vmem>>) semaphore(%arg13 : memref<!tpu.dma_semaphore, #tpu.memory_space<semaphore_mem>>)
      %add3A_471 = arith.constant 3 : i32
      %add3A_472 = arith.addi %mul3A_207, %add3A_471 : i32
      %add3A_473 = arith.constant 6 : i32
      %add3A_474 = arith.addi %add3A_472, %add3A_473 : i32
      %min3A_475 = arith.constant 167 : i32
      %min3A_476 = arith.minsi %add3A_474, %min3A_475 : i32
      %dma_wait3A_477 = arith.constant 3 : i32
      %dma_wait3A_478 = arith.constant 0 : i32
      %dma_wait3A_479 = arith.constant 0 : i32
      %dma_wait3A_480 = tpu.memref_slice %arg9[%dma_wait3A_477, %dma_wait3A_478, %dma_wait3A_479] : memref<6x128x32xf32, #tpu.memory_space<vmem>> -> memref<1x128x32xf32, #tpu.memory_space<vmem>>
      %dma_wait3A_481 = tpu.memref_squeeze %dma_wait3A_480 : memref<1x128x32xf32, #tpu.memory_space<vmem>> -> memref<128x32xf32, #tpu.memory_space<vmem>>
      %dma_wait3A_482 = arith.constant 0 : i32
      %dma_wait3A_483 = tpu.memref_slice %arg8[%add3A_472, %dma_wait3A_482] : memref<168x128xi32, #tpu.memory_space<vmem>> -> memref<1x128xi32, #tpu.memory_space<vmem>>
      %dma_wait3A_484 = tpu.memref_squeeze %dma_wait3A_483 : memref<1x128xi32, #tpu.memory_space<vmem>> -> memref<128xi32, #tpu.memory_space<vmem>>
      %dma_wait3A_485 = arith.constant 0 : i32
      %dma_wait3A_486 = arith.constant 0 : i32
      %dma_wait3A_487 = tpu.memref_slice %arg10[%dma_wait3A_485, %dma_wait3A_486] : memref<10240x32xf32, #tpu.memory_space<vmem_shared>> -> memref<10240x32xf32, #tpu.memory_space<vmem_shared>>
      tpu.wait_indirect_dma semaphore(%arg20 : memref<!tpu.dma_semaphore, #tpu.memory_space<semaphore_mem>>) src(%dma_wait3A_481 : memref<128x32xf32, #tpu.memory_space<vmem>>) dst(%dma_wait3A_487 : memref<10240x32xf32, #tpu.memory_space<vmem_shared>>)
      %dma_start3A_488 = arith.constant 3 : i32
      %dma_start3A_489 = arith.constant 0 : i32
      %dma_start3A_490 = arith.constant 0 : i32
      %dma_start3A_491 = tpu.memref_slice %arg9[%dma_start3A_488, %dma_start3A_489, %dma_start3A_490] : memref<6x128x32xf32, #tpu.memory_space<vmem>> -> memref<1x128x32xf32, #tpu.memory_space<vmem>>
      %dma_start3A_492 = tpu.memref_squeeze %dma_start3A_491 : memref<1x128x32xf32, #tpu.memory_space<vmem>> -> memref<128x32xf32, #tpu.memory_space<vmem>>
      %dma_start3A_493 = arith.constant 0 : i32
      %dma_start3A_494 = tpu.memref_slice %arg7[%min3A_476, %dma_start3A_493] : memref<168x128xi32, #tpu.memory_space<vmem>> -> memref<1x128xi32, #tpu.memory_space<vmem>>
      %dma_start3A_495 = tpu.memref_squeeze %dma_start3A_494 : memref<1x128xi32, #tpu.memory_space<vmem>> -> memref<128xi32, #tpu.memory_space<vmem>>
      %dma_start3A_496 = arith.constant 0 : i32
      %dma_start3A_497 = arith.constant 0 : i32
      %dma_start3A_498 = tpu.memref_slice %arg2[%arg0, %dma_start3A_496, %dma_start3A_497] : memref<2x10240x32xf32, #tpu.memory_space<hbm>> -> memref<1x10240x32xf32, #tpu.memory_space<hbm>>
      %dma_start3A_499 = tpu.memref_squeeze %dma_start3A_498 : memref<1x10240x32xf32, #tpu.memory_space<hbm>> -> memref<10240x32xf32, #tpu.memory_space<hbm>>
      %dma_start3A_500 = arith.constant 0 : i32
      %dma_start3A_501 = arith.constant 0 : i32
      %dma_start3A_502 = tpu.memref_slice %dma_start3A_499[%dma_start3A_500, %dma_start3A_501] : memref<10240x32xf32, #tpu.memory_space<hbm>> -> memref<10240x32xf32, #tpu.memory_space<hbm>>
      tpu.enqueue_indirect_dma source(%dma_start3A_502 : memref<10240x32xf32, #tpu.memory_space<hbm>>) target(%dma_start3A_492 : memref<128x32xf32, #tpu.memory_space<vmem>>) offsets(%dma_start3A_495 : memref<128xi32, #tpu.memory_space<vmem>>) semaphore(%arg14 : memref<!tpu.dma_semaphore, #tpu.memory_space<semaphore_mem>>)
      %add3A_503 = arith.constant 4 : i32
      %add3A_504 = arith.addi %mul3A_207, %add3A_503 : i32
      %add3A_505 = arith.constant 6 : i32
      %add3A_506 = arith.addi %add3A_504, %add3A_505 : i32
      %min3A_507 = arith.constant 167 : i32
      %min3A_508 = arith.minsi %add3A_506, %min3A_507 : i32
      %dma_wait3A_509 = arith.constant 4 : i32
      %dma_wait3A_510 = arith.constant 0 : i32
      %dma_wait3A_511 = arith.constant 0 : i32
      %dma_wait3A_512 = tpu.memref_slice %arg9[%dma_wait3A_509, %dma_wait3A_510, %dma_wait3A_511] : memref<6x128x32xf32, #tpu.memory_space<vmem>> -> memref<1x128x32xf32, #tpu.memory_space<vmem>>
      %dma_wait3A_513 = tpu.memref_squeeze %dma_wait3A_512 : memref<1x128x32xf32, #tpu.memory_space<vmem>> -> memref<128x32xf32, #tpu.memory_space<vmem>>
      %dma_wait3A_514 = arith.constant 0 : i32
      %dma_wait3A_515 = tpu.memref_slice %arg8[%add3A_504, %dma_wait3A_514] : memref<168x128xi32, #tpu.memory_space<vmem>> -> memref<1x128xi32, #tpu.memory_space<vmem>>
      %dma_wait3A_516 = tpu.memref_squeeze %dma_wait3A_515 : memref<1x128xi32, #tpu.memory_space<vmem>> -> memref<128xi32, #tpu.memory_space<vmem>>
      %dma_wait3A_517 = arith.constant 0 : i32
      %dma_wait3A_518 = arith.constant 0 : i32
      %dma_wait3A_519 = tpu.memref_slice %arg10[%dma_wait3A_517, %dma_wait3A_518] : memref<10240x32xf32, #tpu.memory_space<vmem_shared>> -> memref<10240x32xf32, #tpu.memory_space<vmem_shared>>
      tpu.wait_indirect_dma semaphore(%arg21 : memref<!tpu.dma_semaphore, #tpu.memory_space<semaphore_mem>>) src(%dma_wait3A_513 : memref<128x32xf32, #tpu.memory_space<vmem>>) dst(%dma_wait3A_519 : memref<10240x32xf32, #tpu.memory_space<vmem_shared>>)
      %dma_start3A_520 = arith.constant 4 : i32
      %dma_start3A_521 = arith.constant 0 : i32
      %dma_start3A_522 = arith.constant 0 : i32
      %dma_start3A_523 = tpu.memref_slice %arg9[%dma_start3A_520, %dma_start3A_521, %dma_start3A_522] : memref<6x128x32xf32, #tpu.memory_space<vmem>> -> memref<1x128x32xf32, #tpu.memory_space<vmem>>
      %dma_start3A_524 = tpu.memref_squeeze %dma_start3A_523 : memref<1x128x32xf32, #tpu.memory_space<vmem>> -> memref<128x32xf32, #tpu.memory_space<vmem>>
      %dma_start3A_525 = arith.constant 0 : i32
      %dma_start3A_526 = tpu.memref_slice %arg7[%min3A_508, %dma_start3A_525] : memref<168x128xi32, #tpu.memory_space<vmem>> -> memref<1x128xi32, #tpu.memory_space<vmem>>
      %dma_start3A_527 = tpu.memref_squeeze %dma_start3A_526 : memref<1x128xi32, #tpu.memory_space<vmem>> -> memref<128xi32, #tpu.memory_space<vmem>>
      %dma_start3A_528 = arith.constant 0 : i32
      %dma_start3A_529 = arith.constant 0 : i32
      %dma_start3A_530 = tpu.memref_slice %arg2[%arg0, %dma_start3A_528, %dma_start3A_529] : memref<2x10240x32xf32, #tpu.memory_space<hbm>> -> memref<1x10240x32xf32, #tpu.memory_space<hbm>>
      %dma_start3A_531 = tpu.memref_squeeze %dma_start3A_530 : memref<1x10240x32xf32, #tpu.memory_space<hbm>> -> memref<10240x32xf32, #tpu.memory_space<hbm>>
      %dma_start3A_532 = arith.constant 0 : i32
      %dma_start3A_533 = arith.constant 0 : i32
      %dma_start3A_534 = tpu.memref_slice %dma_start3A_531[%dma_start3A_532, %dma_start3A_533] : memref<10240x32xf32, #tpu.memory_space<hbm>> -> memref<10240x32xf32, #tpu.memory_space<hbm>>
      tpu.enqueue_indirect_dma source(%dma_start3A_534 : memref<10240x32xf32, #tpu.memory_space<hbm>>) target(%dma_start3A_524 : memref<128x32xf32, #tpu.memory_space<vmem>>) offsets(%dma_start3A_527 : memref<128xi32, #tpu.memory_space<vmem>>) semaphore(%arg15 : memref<!tpu.dma_semaphore, #tpu.memory_space<semaphore_mem>>)
      %add3A_535 = arith.constant 5 : i32
      %add3A_536 = arith.addi %mul3A_207, %add3A_535 : i32
      %add3A_537 = arith.constant 6 : i32
      %add3A_538 = arith.addi %add3A_536, %add3A_537 : i32
      %min3A_539 = arith.constant 167 : i32
      %min3A_540 = arith.minsi %add3A_538, %min3A_539 : i32
      %dma_wait3A_541 = arith.constant 5 : i32
      %dma_wait3A_542 = arith.constant 0 : i32
      %dma_wait3A_543 = arith.constant 0 : i32
      %dma_wait3A_544 = tpu.memref_slice %arg9[%dma_wait3A_541, %dma_wait3A_542, %dma_wait3A_543] : memref<6x128x32xf32, #tpu.memory_space<vmem>> -> memref<1x128x32xf32, #tpu.memory_space<vmem>>
      %dma_wait3A_545 = tpu.memref_squeeze %dma_wait3A_544 : memref<1x128x32xf32, #tpu.memory_space<vmem>> -> memref<128x32xf32, #tpu.memory_space<vmem>>
      %dma_wait3A_546 = arith.constant 0 : i32
      %dma_wait3A_547 = tpu.memref_slice %arg8[%add3A_536, %dma_wait3A_546] : memref<168x128xi32, #tpu.memory_space<vmem>> -> memref<1x128xi32, #tpu.memory_space<vmem>>
      %dma_wait3A_548 = tpu.memref_squeeze %dma_wait3A_547 : memref<1x128xi32, #tpu.memory_space<vmem>> -> memref<128xi32, #tpu.memory_space<vmem>>
      %dma_wait3A_549 = arith.constant 0 : i32
      %dma_wait3A_550 = arith.constant 0 : i32
      %dma_wait3A_551 = tpu.memref_slice %arg10[%dma_wait3A_549, %dma_wait3A_550] : memref<10240x32xf32, #tpu.memory_space<vmem_shared>> -> memref<10240x32xf32, #tpu.memory_space<vmem_shared>>
      tpu.wait_indirect_dma semaphore(%arg22 : memref<!tpu.dma_semaphore, #tpu.memory_space<semaphore_mem>>) src(%dma_wait3A_545 : memref<128x32xf32, #tpu.memory_space<vmem>>) dst(%dma_wait3A_551 : memref<10240x32xf32, #tpu.memory_space<vmem_shared>>)
      %dma_start3A_552 = arith.constant 5 : i32
      %dma_start3A_553 = arith.constant 0 : i32
      %dma_start3A_554 = arith.constant 0 : i32
      %dma_start3A_555 = tpu.memref_slice %arg9[%dma_start3A_552, %dma_start3A_553, %dma_start3A_554] : memref<6x128x32xf32, #tpu.memory_space<vmem>> -> memref<1x128x32xf32, #tpu.memory_space<vmem>>
      %dma_start3A_556 = tpu.memref_squeeze %dma_start3A_555 : memref<1x128x32xf32, #tpu.memory_space<vmem>> -> memref<128x32xf32, #tpu.memory_space<vmem>>
      %dma_start3A_557 = arith.constant 0 : i32
      %dma_start3A_558 = tpu.memref_slice %arg7[%min3A_540, %dma_start3A_557] : memref<168x128xi32, #tpu.memory_space<vmem>> -> memref<1x128xi32, #tpu.memory_space<vmem>>
      %dma_start3A_559 = tpu.memref_squeeze %dma_start3A_558 : memref<1x128xi32, #tpu.memory_space<vmem>> -> memref<128xi32, #tpu.memory_space<vmem>>
      %dma_start3A_560 = arith.constant 0 : i32
      %dma_start3A_561 = arith.constant 0 : i32
      %dma_start3A_562 = tpu.memref_slice %arg2[%arg0, %dma_start3A_560, %dma_start3A_561] : memref<2x10240x32xf32, #tpu.memory_space<hbm>> -> memref<1x10240x32xf32, #tpu.memory_space<hbm>>
      %dma_start3A_563 = tpu.memref_squeeze %dma_start3A_562 : memref<1x10240x32xf32, #tpu.memory_space<hbm>> -> memref<10240x32xf32, #tpu.memory_space<hbm>>
      %dma_start3A_564 = arith.constant 0 : i32
      %dma_start3A_565 = arith.constant 0 : i32
      %dma_start3A_566 = tpu.memref_slice %dma_start3A_563[%dma_start3A_564, %dma_start3A_565] : memref<10240x32xf32, #tpu.memory_space<hbm>> -> memref<10240x32xf32, #tpu.memory_space<hbm>>
      tpu.enqueue_indirect_dma source(%dma_start3A_566 : memref<10240x32xf32, #tpu.memory_space<hbm>>) target(%dma_start3A_556 : memref<128x32xf32, #tpu.memory_space<vmem>>) offsets(%dma_start3A_559 : memref<128xi32, #tpu.memory_space<vmem>>) semaphore(%arg16 : memref<!tpu.dma_semaphore, #tpu.memory_space<semaphore_mem>>)
    }
    %scan3A_101 = arith.constant 28 : i32
    %dma_wait3A = arith.constant 167 : i32
    %dma_wait3A_102 = arith.constant 0 : i32
    %dma_wait3A_103 = arith.constant 0 : i32
    %dma_wait3A_104 = arith.constant 0 : i32
    %dma_wait3A_105 = tpu.memref_slice %arg9[%dma_wait3A_102, %dma_wait3A_103, %dma_wait3A_104] : memref<6x128x32xf32, #tpu.memory_space<vmem>> -> memref<1x128x32xf32, #tpu.memory_space<vmem>>
    %dma_wait3A_106 = tpu.memref_squeeze %dma_wait3A_105 : memref<1x128x32xf32, #tpu.memory_space<vmem>> -> memref<128x32xf32, #tpu.memory_space<vmem>>
    %dma_wait3A_107 = arith.constant 0 : i32
    %dma_wait3A_108 = tpu.memref_slice %arg7[%dma_wait3A, %dma_wait3A_107] : memref<168x128xi32, #tpu.memory_space<vmem>> -> memref<1x128xi32, #tpu.memory_space<vmem>>
    %dma_wait3A_109 = tpu.memref_squeeze %dma_wait3A_108 : memref<1x128xi32, #tpu.memory_space<vmem>> -> memref<128xi32, #tpu.memory_space<vmem>>
    %dma_wait3A_110 = arith.constant 0 : i32
    %dma_wait3A_111 = arith.constant 0 : i32
    %dma_wait3A_112 = tpu.memref_slice %arg2[%arg0, %dma_wait3A_110, %dma_wait3A_111] : memref<2x10240x32xf32, #tpu.memory_space<hbm>> -> memref<1x10240x32xf32, #tpu.memory_space<hbm>>
    %dma_wait3A_113 = tpu.memref_squeeze %dma_wait3A_112 : memref<1x10240x32xf32, #tpu.memory_space<hbm>> -> memref<10240x32xf32, #tpu.memory_space<hbm>>
    %dma_wait3A_114 = arith.constant 0 : i32
    %dma_wait3A_115 = arith.constant 0 : i32
    %dma_wait3A_116 = tpu.memref_slice %dma_wait3A_113[%dma_wait3A_114, %dma_wait3A_115] : memref<10240x32xf32, #tpu.memory_space<hbm>> -> memref<10240x32xf32, #tpu.memory_space<hbm>>
    tpu.wait_indirect_dma semaphore(%arg11 : memref<!tpu.dma_semaphore, #tpu.memory_space<semaphore_mem>>) src(%dma_wait3A_116 : memref<10240x32xf32, #tpu.memory_space<hbm>>) dst(%dma_wait3A_106 : memref<128x32xf32, #tpu.memory_space<vmem>>)
    %dma_wait3A_117 = arith.constant 167 : i32
    %dma_wait3A_118 = arith.constant 1 : i32
    %dma_wait3A_119 = arith.constant 0 : i32
    %dma_wait3A_120 = arith.constant 0 : i32
    %dma_wait3A_121 = tpu.memref_slice %arg9[%dma_wait3A_118, %dma_wait3A_119, %dma_wait3A_120] : memref<6x128x32xf32, #tpu.memory_space<vmem>> -> memref<1x128x32xf32, #tpu.memory_space<vmem>>
    %dma_wait3A_122 = tpu.memref_squeeze %dma_wait3A_121 : memref<1x128x32xf32, #tpu.memory_space<vmem>> -> memref<128x32xf32, #tpu.memory_space<vmem>>
    %dma_wait3A_123 = arith.constant 0 : i32
    %dma_wait3A_124 = tpu.memref_slice %arg7[%dma_wait3A_117, %dma_wait3A_123] : memref<168x128xi32, #tpu.memory_space<vmem>> -> memref<1x128xi32, #tpu.memory_space<vmem>>
    %dma_wait3A_125 = tpu.memref_squeeze %dma_wait3A_124 : memref<1x128xi32, #tpu.memory_space<vmem>> -> memref<128xi32, #tpu.memory_space<vmem>>
    %dma_wait3A_126 = arith.constant 0 : i32
    %dma_wait3A_127 = arith.constant 0 : i32
    %dma_wait3A_128 = tpu.memref_slice %arg2[%arg0, %dma_wait3A_126, %dma_wait3A_127] : memref<2x10240x32xf32, #tpu.memory_space<hbm>> -> memref<1x10240x32xf32, #tpu.memory_space<hbm>>
    %dma_wait3A_129 = tpu.memref_squeeze %dma_wait3A_128 : memref<1x10240x32xf32, #tpu.memory_space<hbm>> -> memref<10240x32xf32, #tpu.memory_space<hbm>>
    %dma_wait3A_130 = arith.constant 0 : i32
    %dma_wait3A_131 = arith.constant 0 : i32
    %dma_wait3A_132 = tpu.memref_slice %dma_wait3A_129[%dma_wait3A_130, %dma_wait3A_131] : memref<10240x32xf32, #tpu.memory_space<hbm>> -> memref<10240x32xf32, #tpu.memory_space<hbm>>
    tpu.wait_indirect_dma semaphore(%arg12 : memref<!tpu.dma_semaphore, #tpu.memory_space<semaphore_mem>>) src(%dma_wait3A_132 : memref<10240x32xf32, #tpu.memory_space<hbm>>) dst(%dma_wait3A_122 : memref<128x32xf32, #tpu.memory_space<vmem>>)
    %dma_wait3A_133 = arith.constant 167 : i32
    %dma_wait3A_134 = arith.constant 2 : i32
    %dma_wait3A_135 = arith.constant 0 : i32
    %dma_wait3A_136 = arith.constant 0 : i32
    %dma_wait3A_137 = tpu.memref_slice %arg9[%dma_wait3A_134, %dma_wait3A_135, %dma_wait3A_136] : memref<6x128x32xf32, #tpu.memory_space<vmem>> -> memref<1x128x32xf32, #tpu.memory_space<vmem>>
    %dma_wait3A_138 = tpu.memref_squeeze %dma_wait3A_137 : memref<1x128x32xf32, #tpu.memory_space<vmem>> -> memref<128x32xf32, #tpu.memory_space<vmem>>
    %dma_wait3A_139 = arith.constant 0 : i32
    %dma_wait3A_140 = tpu.memref_slice %arg7[%dma_wait3A_133, %dma_wait3A_139] : memref<168x128xi32, #tpu.memory_space<vmem>> -> memref<1x128xi32, #tpu.memory_space<vmem>>
    %dma_wait3A_141 = tpu.memref_squeeze %dma_wait3A_140 : memref<1x128xi32, #tpu.memory_space<vmem>> -> memref<128xi32, #tpu.memory_space<vmem>>
    %dma_wait3A_142 = arith.constant 0 : i32
    %dma_wait3A_143 = arith.constant 0 : i32
    %dma_wait3A_144 = tpu.memref_slice %arg2[%arg0, %dma_wait3A_142, %dma_wait3A_143] : memref<2x10240x32xf32, #tpu.memory_space<hbm>> -> memref<1x10240x32xf32, #tpu.memory_space<hbm>>
    %dma_wait3A_145 = tpu.memref_squeeze %dma_wait3A_144 : memref<1x10240x32xf32, #tpu.memory_space<hbm>> -> memref<10240x32xf32, #tpu.memory_space<hbm>>
    %dma_wait3A_146 = arith.constant 0 : i32
    %dma_wait3A_147 = arith.constant 0 : i32
    %dma_wait3A_148 = tpu.memref_slice %dma_wait3A_145[%dma_wait3A_146, %dma_wait3A_147] : memref<10240x32xf32, #tpu.memory_space<hbm>> -> memref<10240x32xf32, #tpu.memory_space<hbm>>
    tpu.wait_indirect_dma semaphore(%arg13 : memref<!tpu.dma_semaphore, #tpu.memory_space<semaphore_mem>>) src(%dma_wait3A_148 : memref<10240x32xf32, #tpu.memory_space<hbm>>) dst(%dma_wait3A_138 : memref<128x32xf32, #tpu.memory_space<vmem>>)
    %dma_wait3A_149 = arith.constant 167 : i32
    %dma_wait3A_150 = arith.constant 3 : i32
    %dma_wait3A_151 = arith.constant 0 : i32
    %dma_wait3A_152 = arith.constant 0 : i32
    %dma_wait3A_153 = tpu.memref_slice %arg9[%dma_wait3A_150, %dma_wait3A_151, %dma_wait3A_152] : memref<6x128x32xf32, #tpu.memory_space<vmem>> -> memref<1x128x32xf32, #tpu.memory_space<vmem>>
    %dma_wait3A_154 = tpu.memref_squeeze %dma_wait3A_153 : memref<1x128x32xf32, #tpu.memory_space<vmem>> -> memref<128x32xf32, #tpu.memory_space<vmem>>
    %dma_wait3A_155 = arith.constant 0 : i32
    %dma_wait3A_156 = tpu.memref_slice %arg7[%dma_wait3A_149, %dma_wait3A_155] : memref<168x128xi32, #tpu.memory_space<vmem>> -> memref<1x128xi32, #tpu.memory_space<vmem>>
    %dma_wait3A_157 = tpu.memref_squeeze %dma_wait3A_156 : memref<1x128xi32, #tpu.memory_space<vmem>> -> memref<128xi32, #tpu.memory_space<vmem>>
    %dma_wait3A_158 = arith.constant 0 : i32
    %dma_wait3A_159 = arith.constant 0 : i32
    %dma_wait3A_160 = tpu.memref_slice %arg2[%arg0, %dma_wait3A_158, %dma_wait3A_159] : memref<2x10240x32xf32, #tpu.memory_space<hbm>> -> memref<1x10240x32xf32, #tpu.memory_space<hbm>>
    %dma_wait3A_161 = tpu.memref_squeeze %dma_wait3A_160 : memref<1x10240x32xf32, #tpu.memory_space<hbm>> -> memref<10240x32xf32, #tpu.memory_space<hbm>>
    %dma_wait3A_162 = arith.constant 0 : i32
    %dma_wait3A_163 = arith.constant 0 : i32
    %dma_wait3A_164 = tpu.memref_slice %dma_wait3A_161[%dma_wait3A_162, %dma_wait3A_163] : memref<10240x32xf32, #tpu.memory_space<hbm>> -> memref<10240x32xf32, #tpu.memory_space<hbm>>
    tpu.wait_indirect_dma semaphore(%arg14 : memref<!tpu.dma_semaphore, #tpu.memory_space<semaphore_mem>>) src(%dma_wait3A_164 : memref<10240x32xf32, #tpu.memory_space<hbm>>) dst(%dma_wait3A_154 : memref<128x32xf32, #tpu.memory_space<vmem>>)
    %dma_wait3A_165 = arith.constant 167 : i32
    %dma_wait3A_166 = arith.constant 4 : i32
    %dma_wait3A_167 = arith.constant 0 : i32
    %dma_wait3A_168 = arith.constant 0 : i32
    %dma_wait3A_169 = tpu.memref_slice %arg9[%dma_wait3A_166, %dma_wait3A_167, %dma_wait3A_168] : memref<6x128x32xf32, #tpu.memory_space<vmem>> -> memref<1x128x32xf32, #tpu.memory_space<vmem>>
    %dma_wait3A_170 = tpu.memref_squeeze %dma_wait3A_169 : memref<1x128x32xf32, #tpu.memory_space<vmem>> -> memref<128x32xf32, #tpu.memory_space<vmem>>
    %dma_wait3A_171 = arith.constant 0 : i32
    %dma_wait3A_172 = tpu.memref_slice %arg7[%dma_wait3A_165, %dma_wait3A_171] : memref<168x128xi32, #tpu.memory_space<vmem>> -> memref<1x128xi32, #tpu.memory_space<vmem>>
    %dma_wait3A_173 = tpu.memref_squeeze %dma_wait3A_172 : memref<1x128xi32, #tpu.memory_space<vmem>> -> memref<128xi32, #tpu.memory_space<vmem>>
    %dma_wait3A_174 = arith.constant 0 : i32
    %dma_wait3A_175 = arith.constant 0 : i32
    %dma_wait3A_176 = tpu.memref_slice %arg2[%arg0, %dma_wait3A_174, %dma_wait3A_175] : memref<2x10240x32xf32, #tpu.memory_space<hbm>> -> memref<1x10240x32xf32, #tpu.memory_space<hbm>>
    %dma_wait3A_177 = tpu.memref_squeeze %dma_wait3A_176 : memref<1x10240x32xf32, #tpu.memory_space<hbm>> -> memref<10240x32xf32, #tpu.memory_space<hbm>>
    %dma_wait3A_178 = arith.constant 0 : i32
    %dma_wait3A_179 = arith.constant 0 : i32
    %dma_wait3A_180 = tpu.memref_slice %dma_wait3A_177[%dma_wait3A_178, %dma_wait3A_179] : memref<10240x32xf32, #tpu.memory_space<hbm>> -> memref<10240x32xf32, #tpu.memory_space<hbm>>
    tpu.wait_indirect_dma semaphore(%arg15 : memref<!tpu.dma_semaphore, #tpu.memory_space<semaphore_mem>>) src(%dma_wait3A_180 : memref<10240x32xf32, #tpu.memory_space<hbm>>) dst(%dma_wait3A_170 : memref<128x32xf32, #tpu.memory_space<vmem>>)
    %dma_wait3A_181 = arith.constant 167 : i32
    %dma_wait3A_182 = arith.constant 5 : i32
    %dma_wait3A_183 = arith.constant 0 : i32
    %dma_wait3A_184 = arith.constant 0 : i32
    %dma_wait3A_185 = tpu.memref_slice %arg9[%dma_wait3A_182, %dma_wait3A_183, %dma_wait3A_184] : memref<6x128x32xf32, #tpu.memory_space<vmem>> -> memref<1x128x32xf32, #tpu.memory_space<vmem>>
    %dma_wait3A_186 = tpu.memref_squeeze %dma_wait3A_185 : memref<1x128x32xf32, #tpu.memory_space<vmem>> -> memref<128x32xf32, #tpu.memory_space<vmem>>
    %dma_wait3A_187 = arith.constant 0 : i32
    %dma_wait3A_188 = tpu.memref_slice %arg7[%dma_wait3A_181, %dma_wait3A_187] : memref<168x128xi32, #tpu.memory_space<vmem>> -> memref<1x128xi32, #tpu.memory_space<vmem>>
    %dma_wait3A_189 = tpu.memref_squeeze %dma_wait3A_188 : memref<1x128xi32, #tpu.memory_space<vmem>> -> memref<128xi32, #tpu.memory_space<vmem>>
    %dma_wait3A_190 = arith.constant 0 : i32
    %dma_wait3A_191 = arith.constant 0 : i32
    %dma_wait3A_192 = tpu.memref_slice %arg2[%arg0, %dma_wait3A_190, %dma_wait3A_191] : memref<2x10240x32xf32, #tpu.memory_space<hbm>> -> memref<1x10240x32xf32, #tpu.memory_space<hbm>>
    %dma_wait3A_193 = tpu.memref_squeeze %dma_wait3A_192 : memref<1x10240x32xf32, #tpu.memory_space<hbm>> -> memref<10240x32xf32, #tpu.memory_space<hbm>>
    %dma_wait3A_194 = arith.constant 0 : i32
    %dma_wait3A_195 = arith.constant 0 : i32
    %dma_wait3A_196 = tpu.memref_slice %dma_wait3A_193[%dma_wait3A_194, %dma_wait3A_195] : memref<10240x32xf32, #tpu.memory_space<hbm>> -> memref<10240x32xf32, #tpu.memory_space<hbm>>
    tpu.wait_indirect_dma semaphore(%arg16 : memref<!tpu.dma_semaphore, #tpu.memory_space<semaphore_mem>>) src(%dma_wait3A_196 : memref<10240x32xf32, #tpu.memory_space<hbm>>) dst(%dma_wait3A_186 : memref<128x32xf32, #tpu.memory_space<vmem>>)
    %barrier3A_197 = arith.constant 0 : index
    tpu.barrier barrier_id(%barrier3A_197)
    %mul3A_198 = arith.constant 640 : i32
    %mul3A_199 = arith.muli %arg1, %mul3A_198 : i32
    %mul3A_200 = arith.constant 640 : i32
    %mul3A_201 = arith.muli %arg1, %mul3A_200 : i32
    "tpu.region"() ({
      %run_scoped3A = tpu.sem_alloc : memref<!tpu.dma_semaphore, #tpu.memory_space<semaphore_mem>>
      %dma_start3A_202 = arith.constant 0 : i32
      %dma_start3A_203 = tpu.memref_slice %arg6[%arg0, %mul3A_201, %dma_start3A_202] : memref<2x10240x32xf32, #tpu.memory_space<hbm>> -> memref<1x640x32xf32, #tpu.memory_space<hbm>>
      %dma_start3A_204 = tpu.memref_squeeze %dma_start3A_203 : memref<1x640x32xf32, #tpu.memory_space<hbm>> -> memref<640x32xf32, #tpu.memory_space<hbm>>
      %dma_start3A_205 = arith.constant 0 : i32
      %dma_start3A_206 = tpu.memref_slice %arg10[%mul3A_199, %dma_start3A_205] : memref<10240x32xf32, #tpu.memory_space<vmem_shared>> -> memref<640x32xf32, #tpu.memory_space<vmem_shared>>
      tpu.enqueue_dma source(%dma_start3A_206 : memref<640x32xf32, #tpu.memory_space<vmem_shared>>) target(%dma_start3A_204 : memref<640x32xf32, #tpu.memory_space<hbm>>) target_semaphore(%run_scoped3A : memref<!tpu.dma_semaphore, #tpu.memory_space<semaphore_mem>>)
      %dma_wait3A_207 = arith.constant 0 : i32
      %dma_wait3A_208 = tpu.memref_slice %arg6[%arg0, %mul3A_201, %dma_wait3A_207] : memref<2x10240x32xf32, #tpu.memory_space<hbm>> -> memref<1x640x32xf32, #tpu.memory_space<hbm>>
      %dma_wait3A_209 = tpu.memref_squeeze %dma_wait3A_208 : memref<1x640x32xf32, #tpu.memory_space<hbm>> -> memref<640x32xf32, #tpu.memory_space<hbm>>
      %dma_wait3A_210 = arith.constant 0 : i32
      %dma_wait3A_211 = tpu.memref_slice %arg10[%mul3A_199, %dma_wait3A_210] : memref<10240x32xf32, #tpu.memory_space<vmem_shared>> -> memref<640x32xf32, #tpu.memory_space<vmem_shared>>
      tpu.wait_dma2 semaphore(%run_scoped3A : memref<!tpu.dma_semaphore, #tpu.memory_space<semaphore_mem>>) src(%dma_wait3A_211 : memref<640x32xf32, #tpu.memory_space<vmem_shared>>) dst(%dma_wait3A_209 : memref<640x32xf32, #tpu.memory_space<hbm>>)
      tpu.yield
    }) : () -> ()
    return
  }
}

#map = affine_map<(d0, d1) -> (0, 0, 0)>
#map1 = affine_map<(d0, d1) -> (0, 0)>
module attributes {stable_mosaic.version = 14 : i64} {
  func.func @_sc_scatter(%arg0: i32, %arg1: i32, %arg2: memref<2x10240x64xf32, #tpu.memory_space<hbm>>, %arg3: memref<16x168x128xi32, #tpu.memory_space<hbm>>, %arg4: memref<16x168x128xi32, #tpu.memory_space<hbm>>, %arg5: memref<10240x64xf32, #tpu.memory_space<hbm>>, %arg6: memref<2x10240x64xf32, #tpu.memory_space<hbm>>, %arg7: memref<168x128xi32, #tpu.memory_space<vmem>>, %arg8: memref<168x128xi32, #tpu.memory_space<vmem>>, %arg9: memref<4x128x64xf32, #tpu.memory_space<vmem>>, %arg10: memref<10240x64xf32, #tpu.memory_space<vmem_shared>>, %arg11: memref<!tpu.dma_semaphore, #tpu.memory_space<semaphore_mem>>, %arg12: memref<!tpu.dma_semaphore, #tpu.memory_space<semaphore_mem>>, %arg13: memref<!tpu.dma_semaphore, #tpu.memory_space<semaphore_mem>>, %arg14: memref<!tpu.dma_semaphore, #tpu.memory_space<semaphore_mem>>, %arg15: memref<!tpu.dma_semaphore, #tpu.memory_space<semaphore_mem>>, %arg16: memref<!tpu.dma_semaphore, #tpu.memory_space<semaphore_mem>>, %arg17: memref<!tpu.dma_semaphore, #tpu.memory_space<semaphore_mem>>, %arg18: memref<!tpu.dma_semaphore, #tpu.memory_space<semaphore_mem>>) attributes {dimension_semantics = [#tpu.dimension_semantics<core_parallel>, #tpu.dimension_semantics<subcore_parallel>], iteration_bounds = array<i64: 2, 16>, scalar_prefetch = 0 : i64, scratch_operands = 12 : i64, tpu.core_type = #tpu.core_type<sc_vector_subcore>, window_params = [{transform_indices = #map}, {transform_indices = #map}, {transform_indices = #map}, {transform_indices = #map1}, {transform_indices = #map}]} {
    %mul3A = arith.constant 640 : i32
    %mul3A_0 = arith.muli %arg1, %mul3A : i32
    %mul3A_1 = arith.constant 640 : i32
    %mul3A_2 = arith.muli %arg1, %mul3A_1 : i32
    "tpu.region"() ({
      %run_scoped3A = tpu.sem_alloc : memref<!tpu.dma_semaphore, #tpu.memory_space<semaphore_mem>>
      %dma_start3A_138 = arith.constant 0 : i32
      %dma_start3A_139 = tpu.memref_slice %arg10[%mul3A_2, %dma_start3A_138] : memref<10240x64xf32, #tpu.memory_space<vmem_shared>> -> memref<640x64xf32, #tpu.memory_space<vmem_shared>>
      %dma_start3A_140 = arith.constant 0 : i32
      %dma_start3A_141 = tpu.memref_slice %arg5[%mul3A_0, %dma_start3A_140] : memref<10240x64xf32, #tpu.memory_space<hbm>> -> memref<640x64xf32, #tpu.memory_space<hbm>>
      tpu.enqueue_dma source(%dma_start3A_141 : memref<640x64xf32, #tpu.memory_space<hbm>>) target(%dma_start3A_139 : memref<640x64xf32, #tpu.memory_space<vmem_shared>>) target_semaphore(%run_scoped3A : memref<!tpu.dma_semaphore, #tpu.memory_space<semaphore_mem>>)
      %dma_wait3A_142 = arith.constant 0 : i32
      %dma_wait3A_143 = tpu.memref_slice %arg10[%mul3A_2, %dma_wait3A_142] : memref<10240x64xf32, #tpu.memory_space<vmem_shared>> -> memref<640x64xf32, #tpu.memory_space<vmem_shared>>
      %dma_wait3A_144 = arith.constant 0 : i32
      %dma_wait3A_145 = tpu.memref_slice %arg5[%mul3A_0, %dma_wait3A_144] : memref<10240x64xf32, #tpu.memory_space<hbm>> -> memref<640x64xf32, #tpu.memory_space<hbm>>
      tpu.wait_dma2 semaphore(%run_scoped3A : memref<!tpu.dma_semaphore, #tpu.memory_space<semaphore_mem>>) src(%dma_wait3A_145 : memref<640x64xf32, #tpu.memory_space<hbm>>) dst(%dma_wait3A_143 : memref<640x64xf32, #tpu.memory_space<vmem_shared>>)
      tpu.yield
    }) : () -> ()
    "tpu.region"() ({
      %run_scoped3A = tpu.sem_alloc : memref<!tpu.dma_semaphore, #tpu.memory_space<semaphore_mem>>
      %dma_start3A_138 = arith.constant 0 : i32
      %dma_start3A_139 = arith.constant 0 : i32
      %dma_start3A_140 = tpu.memref_slice %arg3[%arg1, %dma_start3A_138, %dma_start3A_139] : memref<16x168x128xi32, #tpu.memory_space<hbm>> -> memref<1x168x128xi32, #tpu.memory_space<hbm>>
      %dma_start3A_141 = tpu.memref_squeeze %dma_start3A_140 : memref<1x168x128xi32, #tpu.memory_space<hbm>> -> memref<168x128xi32, #tpu.memory_space<hbm>>
      %dma_start3A_142 = arith.constant 0 : i32
      %dma_start3A_143 = arith.constant 0 : i32
      %dma_start3A_144 = tpu.memref_slice %arg3[%arg1, %dma_start3A_142, %dma_start3A_143] : memref<16x168x128xi32, #tpu.memory_space<hbm>> -> memref<1x168x128xi32, #tpu.memory_space<hbm>>
      %dma_start3A_145 = tpu.memref_squeeze %dma_start3A_144 : memref<1x168x128xi32, #tpu.memory_space<hbm>> -> memref<168x128xi32, #tpu.memory_space<hbm>>
      tpu.enqueue_dma source(%dma_start3A_145 : memref<168x128xi32, #tpu.memory_space<hbm>>) target(%arg7 : memref<168x128xi32, #tpu.memory_space<vmem>>) target_semaphore(%run_scoped3A : memref<!tpu.dma_semaphore, #tpu.memory_space<semaphore_mem>>)
      %dma_wait3A_146 = arith.constant 0 : i32
      %dma_wait3A_147 = arith.constant 0 : i32
      %dma_wait3A_148 = tpu.memref_slice %arg3[%arg1, %dma_wait3A_146, %dma_wait3A_147] : memref<16x168x128xi32, #tpu.memory_space<hbm>> -> memref<1x168x128xi32, #tpu.memory_space<hbm>>
      %dma_wait3A_149 = tpu.memref_squeeze %dma_wait3A_148 : memref<1x168x128xi32, #tpu.memory_space<hbm>> -> memref<168x128xi32, #tpu.memory_space<hbm>>
      %dma_wait3A_150 = arith.constant 0 : i32
      %dma_wait3A_151 = arith.constant 0 : i32
      %dma_wait3A_152 = tpu.memref_slice %arg3[%arg1, %dma_wait3A_150, %dma_wait3A_151] : memref<16x168x128xi32, #tpu.memory_space<hbm>> -> memref<1x168x128xi32, #tpu.memory_space<hbm>>
      %dma_wait3A_153 = tpu.memref_squeeze %dma_wait3A_152 : memref<1x168x128xi32, #tpu.memory_space<hbm>> -> memref<168x128xi32, #tpu.memory_space<hbm>>
      tpu.wait_dma2 semaphore(%run_scoped3A : memref<!tpu.dma_semaphore, #tpu.memory_space<semaphore_mem>>) src(%dma_wait3A_153 : memref<168x128xi32, #tpu.memory_space<hbm>>) dst(%arg7 : memref<168x128xi32, #tpu.memory_space<vmem>>)
      tpu.yield
    }) : () -> ()
    "tpu.region"() ({
      %run_scoped3A = tpu.sem_alloc : memref<!tpu.dma_semaphore, #tpu.memory_space<semaphore_mem>>
      %dma_start3A_138 = arith.constant 0 : i32
      %dma_start3A_139 = arith.constant 0 : i32
      %dma_start3A_140 = tpu.memref_slice %arg4[%arg1, %dma_start3A_138, %dma_start3A_139] : memref<16x168x128xi32, #tpu.memory_space<hbm>> -> memref<1x168x128xi32, #tpu.memory_space<hbm>>
      %dma_start3A_141 = tpu.memref_squeeze %dma_start3A_140 : memref<1x168x128xi32, #tpu.memory_space<hbm>> -> memref<168x128xi32, #tpu.memory_space<hbm>>
      %dma_start3A_142 = arith.constant 0 : i32
      %dma_start3A_143 = arith.constant 0 : i32
      %dma_start3A_144 = tpu.memref_slice %arg4[%arg1, %dma_start3A_142, %dma_start3A_143] : memref<16x168x128xi32, #tpu.memory_space<hbm>> -> memref<1x168x128xi32, #tpu.memory_space<hbm>>
      %dma_start3A_145 = tpu.memref_squeeze %dma_start3A_144 : memref<1x168x128xi32, #tpu.memory_space<hbm>> -> memref<168x128xi32, #tpu.memory_space<hbm>>
      tpu.enqueue_dma source(%dma_start3A_145 : memref<168x128xi32, #tpu.memory_space<hbm>>) target(%arg8 : memref<168x128xi32, #tpu.memory_space<vmem>>) target_semaphore(%run_scoped3A : memref<!tpu.dma_semaphore, #tpu.memory_space<semaphore_mem>>)
      %dma_wait3A_146 = arith.constant 0 : i32
      %dma_wait3A_147 = arith.constant 0 : i32
      %dma_wait3A_148 = tpu.memref_slice %arg4[%arg1, %dma_wait3A_146, %dma_wait3A_147] : memref<16x168x128xi32, #tpu.memory_space<hbm>> -> memref<1x168x128xi32, #tpu.memory_space<hbm>>
      %dma_wait3A_149 = tpu.memref_squeeze %dma_wait3A_148 : memref<1x168x128xi32, #tpu.memory_space<hbm>> -> memref<168x128xi32, #tpu.memory_space<hbm>>
      %dma_wait3A_150 = arith.constant 0 : i32
      %dma_wait3A_151 = arith.constant 0 : i32
      %dma_wait3A_152 = tpu.memref_slice %arg4[%arg1, %dma_wait3A_150, %dma_wait3A_151] : memref<16x168x128xi32, #tpu.memory_space<hbm>> -> memref<1x168x128xi32, #tpu.memory_space<hbm>>
      %dma_wait3A_153 = tpu.memref_squeeze %dma_wait3A_152 : memref<1x168x128xi32, #tpu.memory_space<hbm>> -> memref<168x128xi32, #tpu.memory_space<hbm>>
      tpu.wait_dma2 semaphore(%run_scoped3A : memref<!tpu.dma_semaphore, #tpu.memory_space<semaphore_mem>>) src(%dma_wait3A_153 : memref<168x128xi32, #tpu.memory_space<hbm>>) dst(%arg8 : memref<168x128xi32, #tpu.memory_space<vmem>>)
      tpu.yield
    }) : () -> ()
    %barrier3A = arith.constant 0 : index
    tpu.barrier barrier_id(%barrier3A)
    %dma_start3A = arith.constant 0 : i32
    %dma_start3A_3 = arith.constant 0 : i32
    %dma_start3A_4 = arith.constant 0 : i32
    %dma_start3A_5 = arith.constant 0 : i32
    %dma_start3A_6 = tpu.memref_slice %arg9[%dma_start3A_3, %dma_start3A_4, %dma_start3A_5] : memref<4x128x64xf32, #tpu.memory_space<vmem>> -> memref<1x128x64xf32, #tpu.memory_space<vmem>>
    %dma_start3A_7 = tpu.memref_squeeze %dma_start3A_6 : memref<1x128x64xf32, #tpu.memory_space<vmem>> -> memref<128x64xf32, #tpu.memory_space<vmem>>
    %dma_start3A_8 = arith.constant 0 : i32
    %dma_start3A_9 = tpu.memref_slice %arg7[%dma_start3A, %dma_start3A_8] : memref<168x128xi32, #tpu.memory_space<vmem>> -> memref<1x128xi32, #tpu.memory_space<vmem>>
    %dma_start3A_10 = tpu.memref_squeeze %dma_start3A_9 : memref<1x128xi32, #tpu.memory_space<vmem>> -> memref<128xi32, #tpu.memory_space<vmem>>
    %dma_start3A_11 = arith.constant 0 : i32
    %dma_start3A_12 = arith.constant 0 : i32
    %dma_start3A_13 = tpu.memref_slice %arg2[%arg0, %dma_start3A_11, %dma_start3A_12] : memref<2x10240x64xf32, #tpu.memory_space<hbm>> -> memref<1x10240x64xf32, #tpu.memory_space<hbm>>
    %dma_start3A_14 = tpu.memref_squeeze %dma_start3A_13 : memref<1x10240x64xf32, #tpu.memory_space<hbm>> -> memref<10240x64xf32, #tpu.memory_space<hbm>>
    %dma_start3A_15 = arith.constant 0 : i32
    %dma_start3A_16 = arith.constant 0 : i32
    %dma_start3A_17 = tpu.memref_slice %dma_start3A_14[%dma_start3A_15, %dma_start3A_16] : memref<10240x64xf32, #tpu.memory_space<hbm>> -> memref<10240x64xf32, #tpu.memory_space<hbm>>
    tpu.enqueue_indirect_dma source(%dma_start3A_17 : memref<10240x64xf32, #tpu.memory_space<hbm>>) target(%dma_start3A_7 : memref<128x64xf32, #tpu.memory_space<vmem>>) offsets(%dma_start3A_10 : memref<128xi32, #tpu.memory_space<vmem>>) semaphore(%arg11 : memref<!tpu.dma_semaphore, #tpu.memory_space<semaphore_mem>>)
    %dma_start3A_18 = arith.constant 1 : i32
    %dma_start3A_19 = arith.constant 1 : i32
    %dma_start3A_20 = arith.constant 0 : i32
    %dma_start3A_21 = arith.constant 0 : i32
    %dma_start3A_22 = tpu.memref_slice %arg9[%dma_start3A_19, %dma_start3A_20, %dma_start3A_21] : memref<4x128x64xf32, #tpu.memory_space<vmem>> -> memref<1x128x64xf32, #tpu.memory_space<vmem>>
    %dma_start3A_23 = tpu.memref_squeeze %dma_start3A_22 : memref<1x128x64xf32, #tpu.memory_space<vmem>> -> memref<128x64xf32, #tpu.memory_space<vmem>>
    %dma_start3A_24 = arith.constant 0 : i32
    %dma_start3A_25 = tpu.memref_slice %arg7[%dma_start3A_18, %dma_start3A_24] : memref<168x128xi32, #tpu.memory_space<vmem>> -> memref<1x128xi32, #tpu.memory_space<vmem>>
    %dma_start3A_26 = tpu.memref_squeeze %dma_start3A_25 : memref<1x128xi32, #tpu.memory_space<vmem>> -> memref<128xi32, #tpu.memory_space<vmem>>
    %dma_start3A_27 = arith.constant 0 : i32
    %dma_start3A_28 = arith.constant 0 : i32
    %dma_start3A_29 = tpu.memref_slice %arg2[%arg0, %dma_start3A_27, %dma_start3A_28] : memref<2x10240x64xf32, #tpu.memory_space<hbm>> -> memref<1x10240x64xf32, #tpu.memory_space<hbm>>
    %dma_start3A_30 = tpu.memref_squeeze %dma_start3A_29 : memref<1x10240x64xf32, #tpu.memory_space<hbm>> -> memref<10240x64xf32, #tpu.memory_space<hbm>>
    %dma_start3A_31 = arith.constant 0 : i32
    %dma_start3A_32 = arith.constant 0 : i32
    %dma_start3A_33 = tpu.memref_slice %dma_start3A_30[%dma_start3A_31, %dma_start3A_32] : memref<10240x64xf32, #tpu.memory_space<hbm>> -> memref<10240x64xf32, #tpu.memory_space<hbm>>
    tpu.enqueue_indirect_dma source(%dma_start3A_33 : memref<10240x64xf32, #tpu.memory_space<hbm>>) target(%dma_start3A_23 : memref<128x64xf32, #tpu.memory_space<vmem>>) offsets(%dma_start3A_26 : memref<128xi32, #tpu.memory_space<vmem>>) semaphore(%arg12 : memref<!tpu.dma_semaphore, #tpu.memory_space<semaphore_mem>>)
    %dma_start3A_34 = arith.constant 2 : i32
    %dma_start3A_35 = arith.constant 2 : i32
    %dma_start3A_36 = arith.constant 0 : i32
    %dma_start3A_37 = arith.constant 0 : i32
    %dma_start3A_38 = tpu.memref_slice %arg9[%dma_start3A_35, %dma_start3A_36, %dma_start3A_37] : memref<4x128x64xf32, #tpu.memory_space<vmem>> -> memref<1x128x64xf32, #tpu.memory_space<vmem>>
    %dma_start3A_39 = tpu.memref_squeeze %dma_start3A_38 : memref<1x128x64xf32, #tpu.memory_space<vmem>> -> memref<128x64xf32, #tpu.memory_space<vmem>>
    %dma_start3A_40 = arith.constant 0 : i32
    %dma_start3A_41 = tpu.memref_slice %arg7[%dma_start3A_34, %dma_start3A_40] : memref<168x128xi32, #tpu.memory_space<vmem>> -> memref<1x128xi32, #tpu.memory_space<vmem>>
    %dma_start3A_42 = tpu.memref_squeeze %dma_start3A_41 : memref<1x128xi32, #tpu.memory_space<vmem>> -> memref<128xi32, #tpu.memory_space<vmem>>
    %dma_start3A_43 = arith.constant 0 : i32
    %dma_start3A_44 = arith.constant 0 : i32
    %dma_start3A_45 = tpu.memref_slice %arg2[%arg0, %dma_start3A_43, %dma_start3A_44] : memref<2x10240x64xf32, #tpu.memory_space<hbm>> -> memref<1x10240x64xf32, #tpu.memory_space<hbm>>
    %dma_start3A_46 = tpu.memref_squeeze %dma_start3A_45 : memref<1x10240x64xf32, #tpu.memory_space<hbm>> -> memref<10240x64xf32, #tpu.memory_space<hbm>>
    %dma_start3A_47 = arith.constant 0 : i32
    %dma_start3A_48 = arith.constant 0 : i32
    %dma_start3A_49 = tpu.memref_slice %dma_start3A_46[%dma_start3A_47, %dma_start3A_48] : memref<10240x64xf32, #tpu.memory_space<hbm>> -> memref<10240x64xf32, #tpu.memory_space<hbm>>
    tpu.enqueue_indirect_dma source(%dma_start3A_49 : memref<10240x64xf32, #tpu.memory_space<hbm>>) target(%dma_start3A_39 : memref<128x64xf32, #tpu.memory_space<vmem>>) offsets(%dma_start3A_42 : memref<128xi32, #tpu.memory_space<vmem>>) semaphore(%arg13 : memref<!tpu.dma_semaphore, #tpu.memory_space<semaphore_mem>>)
    %dma_start3A_50 = arith.constant 3 : i32
    %dma_start3A_51 = arith.constant 3 : i32
    %dma_start3A_52 = arith.constant 0 : i32
    %dma_start3A_53 = arith.constant 0 : i32
    %dma_start3A_54 = tpu.memref_slice %arg9[%dma_start3A_51, %dma_start3A_52, %dma_start3A_53] : memref<4x128x64xf32, #tpu.memory_space<vmem>> -> memref<1x128x64xf32, #tpu.memory_space<vmem>>
    %dma_start3A_55 = tpu.memref_squeeze %dma_start3A_54 : memref<1x128x64xf32, #tpu.memory_space<vmem>> -> memref<128x64xf32, #tpu.memory_space<vmem>>
    %dma_start3A_56 = arith.constant 0 : i32
    %dma_start3A_57 = tpu.memref_slice %arg7[%dma_start3A_50, %dma_start3A_56] : memref<168x128xi32, #tpu.memory_space<vmem>> -> memref<1x128xi32, #tpu.memory_space<vmem>>
    %dma_start3A_58 = tpu.memref_squeeze %dma_start3A_57 : memref<1x128xi32, #tpu.memory_space<vmem>> -> memref<128xi32, #tpu.memory_space<vmem>>
    %dma_start3A_59 = arith.constant 0 : i32
    %dma_start3A_60 = arith.constant 0 : i32
    %dma_start3A_61 = tpu.memref_slice %arg2[%arg0, %dma_start3A_59, %dma_start3A_60] : memref<2x10240x64xf32, #tpu.memory_space<hbm>> -> memref<1x10240x64xf32, #tpu.memory_space<hbm>>
    %dma_start3A_62 = tpu.memref_squeeze %dma_start3A_61 : memref<1x10240x64xf32, #tpu.memory_space<hbm>> -> memref<10240x64xf32, #tpu.memory_space<hbm>>
    %dma_start3A_63 = arith.constant 0 : i32
    %dma_start3A_64 = arith.constant 0 : i32
    %dma_start3A_65 = tpu.memref_slice %dma_start3A_62[%dma_start3A_63, %dma_start3A_64] : memref<10240x64xf32, #tpu.memory_space<hbm>> -> memref<10240x64xf32, #tpu.memory_space<hbm>>
    tpu.enqueue_indirect_dma source(%dma_start3A_65 : memref<10240x64xf32, #tpu.memory_space<hbm>>) target(%dma_start3A_55 : memref<128x64xf32, #tpu.memory_space<vmem>>) offsets(%dma_start3A_58 : memref<128xi32, #tpu.memory_space<vmem>>) semaphore(%arg14 : memref<!tpu.dma_semaphore, #tpu.memory_space<semaphore_mem>>)
    %scan3A = arith.constant 0 : i32
    %scan3A_66 = arith.constant 42 : i32
    %scan3A_67 = arith.addi %scan3A, %scan3A_66 : i32
    %scan3A_68 = arith.constant 1 : i32
    scf.for %scan3A_138 = %scan3A to %scan3A_67 step %scan3A_68  : i32 {
      %mul3A_139 = arith.constant 1 : i32
      %mul3A_140 = arith.muli %scan3A_138, %mul3A_139 : i32
      %add3A = arith.constant 0 : i32
      %add3A_141 = arith.addi %add3A, %mul3A_140 : i32
      %mul3A_142 = arith.constant 4 : i32
      %mul3A_143 = arith.muli %add3A_141, %mul3A_142 : i32
      %add3A_144 = arith.constant 0 : i32
      %add3A_145 = arith.addi %mul3A_143, %add3A_144 : i32
      %dma_wait3A_146 = arith.constant 0 : i32
      %dma_wait3A_147 = arith.constant 0 : i32
      %dma_wait3A_148 = arith.constant 0 : i32
      %dma_wait3A_149 = tpu.memref_slice %arg9[%dma_wait3A_146, %dma_wait3A_147, %dma_wait3A_148] : memref<4x128x64xf32, #tpu.memory_space<vmem>> -> memref<1x128x64xf32, #tpu.memory_space<vmem>>
      %dma_wait3A_150 = tpu.memref_squeeze %dma_wait3A_149 : memref<1x128x64xf32, #tpu.memory_space<vmem>> -> memref<128x64xf32, #tpu.memory_space<vmem>>
      %dma_wait3A_151 = arith.constant 0 : i32
      %dma_wait3A_152 = tpu.memref_slice %arg7[%add3A_145, %dma_wait3A_151] : memref<168x128xi32, #tpu.memory_space<vmem>> -> memref<1x128xi32, #tpu.memory_space<vmem>>
      %dma_wait3A_153 = tpu.memref_squeeze %dma_wait3A_152 : memref<1x128xi32, #tpu.memory_space<vmem>> -> memref<128xi32, #tpu.memory_space<vmem>>
      %dma_wait3A_154 = arith.constant 0 : i32
      %dma_wait3A_155 = arith.constant 0 : i32
      %dma_wait3A_156 = tpu.memref_slice %arg2[%arg0, %dma_wait3A_154, %dma_wait3A_155] : memref<2x10240x64xf32, #tpu.memory_space<hbm>> -> memref<1x10240x64xf32, #tpu.memory_space<hbm>>
      %dma_wait3A_157 = tpu.memref_squeeze %dma_wait3A_156 : memref<1x10240x64xf32, #tpu.memory_space<hbm>> -> memref<10240x64xf32, #tpu.memory_space<hbm>>
      %dma_wait3A_158 = arith.constant 0 : i32
      %dma_wait3A_159 = arith.constant 0 : i32
      %dma_wait3A_160 = tpu.memref_slice %dma_wait3A_157[%dma_wait3A_158, %dma_wait3A_159] : memref<10240x64xf32, #tpu.memory_space<hbm>> -> memref<10240x64xf32, #tpu.memory_space<hbm>>
      tpu.wait_indirect_dma semaphore(%arg11 : memref<!tpu.dma_semaphore, #tpu.memory_space<semaphore_mem>>) src(%dma_wait3A_160 : memref<10240x64xf32, #tpu.memory_space<hbm>>) dst(%dma_wait3A_150 : memref<128x64xf32, #tpu.memory_space<vmem>>)
      %dma_start3A_161 = arith.constant 0 : i32
      %dma_start3A_162 = arith.constant 0 : i32
      %dma_start3A_163 = arith.constant 0 : i32
      %dma_start3A_164 = tpu.memref_slice %arg9[%dma_start3A_161, %dma_start3A_162, %dma_start3A_163] : memref<4x128x64xf32, #tpu.memory_space<vmem>> -> memref<1x128x64xf32, #tpu.memory_space<vmem>>
      %dma_start3A_165 = tpu.memref_squeeze %dma_start3A_164 : memref<1x128x64xf32, #tpu.memory_space<vmem>> -> memref<128x64xf32, #tpu.memory_space<vmem>>
      %dma_start3A_166 = arith.constant 0 : i32
      %dma_start3A_167 = tpu.memref_slice %arg8[%add3A_145, %dma_start3A_166] : memref<168x128xi32, #tpu.memory_space<vmem>> -> memref<1x128xi32, #tpu.memory_space<vmem>>
      %dma_start3A_168 = tpu.memref_squeeze %dma_start3A_167 : memref<1x128xi32, #tpu.memory_space<vmem>> -> memref<128xi32, #tpu.memory_space<vmem>>
      %dma_start3A_169 = arith.constant 0 : i32
      %dma_start3A_170 = arith.constant 0 : i32
      %dma_start3A_171 = tpu.memref_slice %arg10[%dma_start3A_169, %dma_start3A_170] : memref<10240x64xf32, #tpu.memory_space<vmem_shared>> -> memref<10240x64xf32, #tpu.memory_space<vmem_shared>>
      tpu.enqueue_indirect_dma source(%dma_start3A_165 : memref<128x64xf32, #tpu.memory_space<vmem>>) target(%dma_start3A_171 : memref<10240x64xf32, #tpu.memory_space<vmem_shared>>) offsets(%dma_start3A_168 : memref<128xi32, #tpu.memory_space<vmem>>) semaphore(%arg15 : memref<!tpu.dma_semaphore, #tpu.memory_space<semaphore_mem>>) {add = true}
      %add3A_172 = arith.constant 1 : i32
      %add3A_173 = arith.addi %mul3A_143, %add3A_172 : i32
      %dma_wait3A_174 = arith.constant 1 : i32
      %dma_wait3A_175 = arith.constant 0 : i32
      %dma_wait3A_176 = arith.constant 0 : i32
      %dma_wait3A_177 = tpu.memref_slice %arg9[%dma_wait3A_174, %dma_wait3A_175, %dma_wait3A_176] : memref<4x128x64xf32, #tpu.memory_space<vmem>> -> memref<1x128x64xf32, #tpu.memory_space<vmem>>
      %dma_wait3A_178 = tpu.memref_squeeze %dma_wait3A_177 : memref<1x128x64xf32, #tpu.memory_space<vmem>> -> memref<128x64xf32, #tpu.memory_space<vmem>>
      %dma_wait3A_179 = arith.constant 0 : i32
      %dma_wait3A_180 = tpu.memref_slice %arg7[%add3A_173, %dma_wait3A_179] : memref<168x128xi32, #tpu.memory_space<vmem>> -> memref<1x128xi32, #tpu.memory_space<vmem>>
      %dma_wait3A_181 = tpu.memref_squeeze %dma_wait3A_180 : memref<1x128xi32, #tpu.memory_space<vmem>> -> memref<128xi32, #tpu.memory_space<vmem>>
      %dma_wait3A_182 = arith.constant 0 : i32
      %dma_wait3A_183 = arith.constant 0 : i32
      %dma_wait3A_184 = tpu.memref_slice %arg2[%arg0, %dma_wait3A_182, %dma_wait3A_183] : memref<2x10240x64xf32, #tpu.memory_space<hbm>> -> memref<1x10240x64xf32, #tpu.memory_space<hbm>>
      %dma_wait3A_185 = tpu.memref_squeeze %dma_wait3A_184 : memref<1x10240x64xf32, #tpu.memory_space<hbm>> -> memref<10240x64xf32, #tpu.memory_space<hbm>>
      %dma_wait3A_186 = arith.constant 0 : i32
      %dma_wait3A_187 = arith.constant 0 : i32
      %dma_wait3A_188 = tpu.memref_slice %dma_wait3A_185[%dma_wait3A_186, %dma_wait3A_187] : memref<10240x64xf32, #tpu.memory_space<hbm>> -> memref<10240x64xf32, #tpu.memory_space<hbm>>
      tpu.wait_indirect_dma semaphore(%arg12 : memref<!tpu.dma_semaphore, #tpu.memory_space<semaphore_mem>>) src(%dma_wait3A_188 : memref<10240x64xf32, #tpu.memory_space<hbm>>) dst(%dma_wait3A_178 : memref<128x64xf32, #tpu.memory_space<vmem>>)
      %dma_start3A_189 = arith.constant 1 : i32
      %dma_start3A_190 = arith.constant 0 : i32
      %dma_start3A_191 = arith.constant 0 : i32
      %dma_start3A_192 = tpu.memref_slice %arg9[%dma_start3A_189, %dma_start3A_190, %dma_start3A_191] : memref<4x128x64xf32, #tpu.memory_space<vmem>> -> memref<1x128x64xf32, #tpu.memory_space<vmem>>
      %dma_start3A_193 = tpu.memref_squeeze %dma_start3A_192 : memref<1x128x64xf32, #tpu.memory_space<vmem>> -> memref<128x64xf32, #tpu.memory_space<vmem>>
      %dma_start3A_194 = arith.constant 0 : i32
      %dma_start3A_195 = tpu.memref_slice %arg8[%add3A_173, %dma_start3A_194] : memref<168x128xi32, #tpu.memory_space<vmem>> -> memref<1x128xi32, #tpu.memory_space<vmem>>
      %dma_start3A_196 = tpu.memref_squeeze %dma_start3A_195 : memref<1x128xi32, #tpu.memory_space<vmem>> -> memref<128xi32, #tpu.memory_space<vmem>>
      %dma_start3A_197 = arith.constant 0 : i32
      %dma_start3A_198 = arith.constant 0 : i32
      %dma_start3A_199 = tpu.memref_slice %arg10[%dma_start3A_197, %dma_start3A_198] : memref<10240x64xf32, #tpu.memory_space<vmem_shared>> -> memref<10240x64xf32, #tpu.memory_space<vmem_shared>>
      tpu.enqueue_indirect_dma source(%dma_start3A_193 : memref<128x64xf32, #tpu.memory_space<vmem>>) target(%dma_start3A_199 : memref<10240x64xf32, #tpu.memory_space<vmem_shared>>) offsets(%dma_start3A_196 : memref<128xi32, #tpu.memory_space<vmem>>) semaphore(%arg16 : memref<!tpu.dma_semaphore, #tpu.memory_space<semaphore_mem>>) {add = true}
      %add3A_200 = arith.constant 2 : i32
      %add3A_201 = arith.addi %mul3A_143, %add3A_200 : i32
      %dma_wait3A_202 = arith.constant 2 : i32
      %dma_wait3A_203 = arith.constant 0 : i32
      %dma_wait3A_204 = arith.constant 0 : i32
      %dma_wait3A_205 = tpu.memref_slice %arg9[%dma_wait3A_202, %dma_wait3A_203, %dma_wait3A_204] : memref<4x128x64xf32, #tpu.memory_space<vmem>> -> memref<1x128x64xf32, #tpu.memory_space<vmem>>
      %dma_wait3A_206 = tpu.memref_squeeze %dma_wait3A_205 : memref<1x128x64xf32, #tpu.memory_space<vmem>> -> memref<128x64xf32, #tpu.memory_space<vmem>>
      %dma_wait3A_207 = arith.constant 0 : i32
      %dma_wait3A_208 = tpu.memref_slice %arg7[%add3A_201, %dma_wait3A_207] : memref<168x128xi32, #tpu.memory_space<vmem>> -> memref<1x128xi32, #tpu.memory_space<vmem>>
      %dma_wait3A_209 = tpu.memref_squeeze %dma_wait3A_208 : memref<1x128xi32, #tpu.memory_space<vmem>> -> memref<128xi32, #tpu.memory_space<vmem>>
      %dma_wait3A_210 = arith.constant 0 : i32
      %dma_wait3A_211 = arith.constant 0 : i32
      %dma_wait3A_212 = tpu.memref_slice %arg2[%arg0, %dma_wait3A_210, %dma_wait3A_211] : memref<2x10240x64xf32, #tpu.memory_space<hbm>> -> memref<1x10240x64xf32, #tpu.memory_space<hbm>>
      %dma_wait3A_213 = tpu.memref_squeeze %dma_wait3A_212 : memref<1x10240x64xf32, #tpu.memory_space<hbm>> -> memref<10240x64xf32, #tpu.memory_space<hbm>>
      %dma_wait3A_214 = arith.constant 0 : i32
      %dma_wait3A_215 = arith.constant 0 : i32
      %dma_wait3A_216 = tpu.memref_slice %dma_wait3A_213[%dma_wait3A_214, %dma_wait3A_215] : memref<10240x64xf32, #tpu.memory_space<hbm>> -> memref<10240x64xf32, #tpu.memory_space<hbm>>
      tpu.wait_indirect_dma semaphore(%arg13 : memref<!tpu.dma_semaphore, #tpu.memory_space<semaphore_mem>>) src(%dma_wait3A_216 : memref<10240x64xf32, #tpu.memory_space<hbm>>) dst(%dma_wait3A_206 : memref<128x64xf32, #tpu.memory_space<vmem>>)
      %dma_start3A_217 = arith.constant 2 : i32
      %dma_start3A_218 = arith.constant 0 : i32
      %dma_start3A_219 = arith.constant 0 : i32
      %dma_start3A_220 = tpu.memref_slice %arg9[%dma_start3A_217, %dma_start3A_218, %dma_start3A_219] : memref<4x128x64xf32, #tpu.memory_space<vmem>> -> memref<1x128x64xf32, #tpu.memory_space<vmem>>
      %dma_start3A_221 = tpu.memref_squeeze %dma_start3A_220 : memref<1x128x64xf32, #tpu.memory_space<vmem>> -> memref<128x64xf32, #tpu.memory_space<vmem>>
      %dma_start3A_222 = arith.constant 0 : i32
      %dma_start3A_223 = tpu.memref_slice %arg8[%add3A_201, %dma_start3A_222] : memref<168x128xi32, #tpu.memory_space<vmem>> -> memref<1x128xi32, #tpu.memory_space<vmem>>
      %dma_start3A_224 = tpu.memref_squeeze %dma_start3A_223 : memref<1x128xi32, #tpu.memory_space<vmem>> -> memref<128xi32, #tpu.memory_space<vmem>>
      %dma_start3A_225 = arith.constant 0 : i32
      %dma_start3A_226 = arith.constant 0 : i32
      %dma_start3A_227 = tpu.memref_slice %arg10[%dma_start3A_225, %dma_start3A_226] : memref<10240x64xf32, #tpu.memory_space<vmem_shared>> -> memref<10240x64xf32, #tpu.memory_space<vmem_shared>>
      tpu.enqueue_indirect_dma source(%dma_start3A_221 : memref<128x64xf32, #tpu.memory_space<vmem>>) target(%dma_start3A_227 : memref<10240x64xf32, #tpu.memory_space<vmem_shared>>) offsets(%dma_start3A_224 : memref<128xi32, #tpu.memory_space<vmem>>) semaphore(%arg17 : memref<!tpu.dma_semaphore, #tpu.memory_space<semaphore_mem>>) {add = true}
      %add3A_228 = arith.constant 3 : i32
      %add3A_229 = arith.addi %mul3A_143, %add3A_228 : i32
      %dma_wait3A_230 = arith.constant 3 : i32
      %dma_wait3A_231 = arith.constant 0 : i32
      %dma_wait3A_232 = arith.constant 0 : i32
      %dma_wait3A_233 = tpu.memref_slice %arg9[%dma_wait3A_230, %dma_wait3A_231, %dma_wait3A_232] : memref<4x128x64xf32, #tpu.memory_space<vmem>> -> memref<1x128x64xf32, #tpu.memory_space<vmem>>
      %dma_wait3A_234 = tpu.memref_squeeze %dma_wait3A_233 : memref<1x128x64xf32, #tpu.memory_space<vmem>> -> memref<128x64xf32, #tpu.memory_space<vmem>>
      %dma_wait3A_235 = arith.constant 0 : i32
      %dma_wait3A_236 = tpu.memref_slice %arg7[%add3A_229, %dma_wait3A_235] : memref<168x128xi32, #tpu.memory_space<vmem>> -> memref<1x128xi32, #tpu.memory_space<vmem>>
      %dma_wait3A_237 = tpu.memref_squeeze %dma_wait3A_236 : memref<1x128xi32, #tpu.memory_space<vmem>> -> memref<128xi32, #tpu.memory_space<vmem>>
      %dma_wait3A_238 = arith.constant 0 : i32
      %dma_wait3A_239 = arith.constant 0 : i32
      %dma_wait3A_240 = tpu.memref_slice %arg2[%arg0, %dma_wait3A_238, %dma_wait3A_239] : memref<2x10240x64xf32, #tpu.memory_space<hbm>> -> memref<1x10240x64xf32, #tpu.memory_space<hbm>>
      %dma_wait3A_241 = tpu.memref_squeeze %dma_wait3A_240 : memref<1x10240x64xf32, #tpu.memory_space<hbm>> -> memref<10240x64xf32, #tpu.memory_space<hbm>>
      %dma_wait3A_242 = arith.constant 0 : i32
      %dma_wait3A_243 = arith.constant 0 : i32
      %dma_wait3A_244 = tpu.memref_slice %dma_wait3A_241[%dma_wait3A_242, %dma_wait3A_243] : memref<10240x64xf32, #tpu.memory_space<hbm>> -> memref<10240x64xf32, #tpu.memory_space<hbm>>
      tpu.wait_indirect_dma semaphore(%arg14 : memref<!tpu.dma_semaphore, #tpu.memory_space<semaphore_mem>>) src(%dma_wait3A_244 : memref<10240x64xf32, #tpu.memory_space<hbm>>) dst(%dma_wait3A_234 : memref<128x64xf32, #tpu.memory_space<vmem>>)
      %dma_start3A_245 = arith.constant 3 : i32
      %dma_start3A_246 = arith.constant 0 : i32
      %dma_start3A_247 = arith.constant 0 : i32
      %dma_start3A_248 = tpu.memref_slice %arg9[%dma_start3A_245, %dma_start3A_246, %dma_start3A_247] : memref<4x128x64xf32, #tpu.memory_space<vmem>> -> memref<1x128x64xf32, #tpu.memory_space<vmem>>
      %dma_start3A_249 = tpu.memref_squeeze %dma_start3A_248 : memref<1x128x64xf32, #tpu.memory_space<vmem>> -> memref<128x64xf32, #tpu.memory_space<vmem>>
      %dma_start3A_250 = arith.constant 0 : i32
      %dma_start3A_251 = tpu.memref_slice %arg8[%add3A_229, %dma_start3A_250] : memref<168x128xi32, #tpu.memory_space<vmem>> -> memref<1x128xi32, #tpu.memory_space<vmem>>
      %dma_start3A_252 = tpu.memref_squeeze %dma_start3A_251 : memref<1x128xi32, #tpu.memory_space<vmem>> -> memref<128xi32, #tpu.memory_space<vmem>>
      %dma_start3A_253 = arith.constant 0 : i32
      %dma_start3A_254 = arith.constant 0 : i32
      %dma_start3A_255 = tpu.memref_slice %arg10[%dma_start3A_253, %dma_start3A_254] : memref<10240x64xf32, #tpu.memory_space<vmem_shared>> -> memref<10240x64xf32, #tpu.memory_space<vmem_shared>>
      tpu.enqueue_indirect_dma source(%dma_start3A_249 : memref<128x64xf32, #tpu.memory_space<vmem>>) target(%dma_start3A_255 : memref<10240x64xf32, #tpu.memory_space<vmem_shared>>) offsets(%dma_start3A_252 : memref<128xi32, #tpu.memory_space<vmem>>) semaphore(%arg18 : memref<!tpu.dma_semaphore, #tpu.memory_space<semaphore_mem>>) {add = true}
      %add3A_256 = arith.constant 0 : i32
      %add3A_257 = arith.addi %mul3A_143, %add3A_256 : i32
      %add3A_258 = arith.constant 4 : i32
      %add3A_259 = arith.addi %add3A_257, %add3A_258 : i32
      %min3A = arith.constant 167 : i32
      %min3A_260 = arith.minsi %add3A_259, %min3A : i32
      %dma_wait3A_261 = arith.constant 0 : i32
      %dma_wait3A_262 = arith.constant 0 : i32
      %dma_wait3A_263 = arith.constant 0 : i32
      %dma_wait3A_264 = tpu.memref_slice %arg9[%dma_wait3A_261, %dma_wait3A_262, %dma_wait3A_263] : memref<4x128x64xf32, #tpu.memory_space<vmem>> -> memref<1x128x64xf32, #tpu.memory_space<vmem>>
      %dma_wait3A_265 = tpu.memref_squeeze %dma_wait3A_264 : memref<1x128x64xf32, #tpu.memory_space<vmem>> -> memref<128x64xf32, #tpu.memory_space<vmem>>
      %dma_wait3A_266 = arith.constant 0 : i32
      %dma_wait3A_267 = tpu.memref_slice %arg8[%add3A_257, %dma_wait3A_266] : memref<168x128xi32, #tpu.memory_space<vmem>> -> memref<1x128xi32, #tpu.memory_space<vmem>>
      %dma_wait3A_268 = tpu.memref_squeeze %dma_wait3A_267 : memref<1x128xi32, #tpu.memory_space<vmem>> -> memref<128xi32, #tpu.memory_space<vmem>>
      %dma_wait3A_269 = arith.constant 0 : i32
      %dma_wait3A_270 = arith.constant 0 : i32
      %dma_wait3A_271 = tpu.memref_slice %arg10[%dma_wait3A_269, %dma_wait3A_270] : memref<10240x64xf32, #tpu.memory_space<vmem_shared>> -> memref<10240x64xf32, #tpu.memory_space<vmem_shared>>
      tpu.wait_indirect_dma semaphore(%arg15 : memref<!tpu.dma_semaphore, #tpu.memory_space<semaphore_mem>>) src(%dma_wait3A_265 : memref<128x64xf32, #tpu.memory_space<vmem>>) dst(%dma_wait3A_271 : memref<10240x64xf32, #tpu.memory_space<vmem_shared>>)
      %dma_start3A_272 = arith.constant 0 : i32
      %dma_start3A_273 = arith.constant 0 : i32
      %dma_start3A_274 = arith.constant 0 : i32
      %dma_start3A_275 = tpu.memref_slice %arg9[%dma_start3A_272, %dma_start3A_273, %dma_start3A_274] : memref<4x128x64xf32, #tpu.memory_space<vmem>> -> memref<1x128x64xf32, #tpu.memory_space<vmem>>
      %dma_start3A_276 = tpu.memref_squeeze %dma_start3A_275 : memref<1x128x64xf32, #tpu.memory_space<vmem>> -> memref<128x64xf32, #tpu.memory_space<vmem>>
      %dma_start3A_277 = arith.constant 0 : i32
      %dma_start3A_278 = tpu.memref_slice %arg7[%min3A_260, %dma_start3A_277] : memref<168x128xi32, #tpu.memory_space<vmem>> -> memref<1x128xi32, #tpu.memory_space<vmem>>
      %dma_start3A_279 = tpu.memref_squeeze %dma_start3A_278 : memref<1x128xi32, #tpu.memory_space<vmem>> -> memref<128xi32, #tpu.memory_space<vmem>>
      %dma_start3A_280 = arith.constant 0 : i32
      %dma_start3A_281 = arith.constant 0 : i32
      %dma_start3A_282 = tpu.memref_slice %arg2[%arg0, %dma_start3A_280, %dma_start3A_281] : memref<2x10240x64xf32, #tpu.memory_space<hbm>> -> memref<1x10240x64xf32, #tpu.memory_space<hbm>>
      %dma_start3A_283 = tpu.memref_squeeze %dma_start3A_282 : memref<1x10240x64xf32, #tpu.memory_space<hbm>> -> memref<10240x64xf32, #tpu.memory_space<hbm>>
      %dma_start3A_284 = arith.constant 0 : i32
      %dma_start3A_285 = arith.constant 0 : i32
      %dma_start3A_286 = tpu.memref_slice %dma_start3A_283[%dma_start3A_284, %dma_start3A_285] : memref<10240x64xf32, #tpu.memory_space<hbm>> -> memref<10240x64xf32, #tpu.memory_space<hbm>>
      tpu.enqueue_indirect_dma source(%dma_start3A_286 : memref<10240x64xf32, #tpu.memory_space<hbm>>) target(%dma_start3A_276 : memref<128x64xf32, #tpu.memory_space<vmem>>) offsets(%dma_start3A_279 : memref<128xi32, #tpu.memory_space<vmem>>) semaphore(%arg11 : memref<!tpu.dma_semaphore, #tpu.memory_space<semaphore_mem>>)
      %add3A_287 = arith.constant 1 : i32
      %add3A_288 = arith.addi %mul3A_143, %add3A_287 : i32
      %add3A_289 = arith.constant 4 : i32
      %add3A_290 = arith.addi %add3A_288, %add3A_289 : i32
      %min3A_291 = arith.constant 167 : i32
      %min3A_292 = arith.minsi %add3A_290, %min3A_291 : i32
      %dma_wait3A_293 = arith.constant 1 : i32
      %dma_wait3A_294 = arith.constant 0 : i32
      %dma_wait3A_295 = arith.constant 0 : i32
      %dma_wait3A_296 = tpu.memref_slice %arg9[%dma_wait3A_293, %dma_wait3A_294, %dma_wait3A_295] : memref<4x128x64xf32, #tpu.memory_space<vmem>> -> memref<1x128x64xf32, #tpu.memory_space<vmem>>
      %dma_wait3A_297 = tpu.memref_squeeze %dma_wait3A_296 : memref<1x128x64xf32, #tpu.memory_space<vmem>> -> memref<128x64xf32, #tpu.memory_space<vmem>>
      %dma_wait3A_298 = arith.constant 0 : i32
      %dma_wait3A_299 = tpu.memref_slice %arg8[%add3A_288, %dma_wait3A_298] : memref<168x128xi32, #tpu.memory_space<vmem>> -> memref<1x128xi32, #tpu.memory_space<vmem>>
      %dma_wait3A_300 = tpu.memref_squeeze %dma_wait3A_299 : memref<1x128xi32, #tpu.memory_space<vmem>> -> memref<128xi32, #tpu.memory_space<vmem>>
      %dma_wait3A_301 = arith.constant 0 : i32
      %dma_wait3A_302 = arith.constant 0 : i32
      %dma_wait3A_303 = tpu.memref_slice %arg10[%dma_wait3A_301, %dma_wait3A_302] : memref<10240x64xf32, #tpu.memory_space<vmem_shared>> -> memref<10240x64xf32, #tpu.memory_space<vmem_shared>>
      tpu.wait_indirect_dma semaphore(%arg16 : memref<!tpu.dma_semaphore, #tpu.memory_space<semaphore_mem>>) src(%dma_wait3A_297 : memref<128x64xf32, #tpu.memory_space<vmem>>) dst(%dma_wait3A_303 : memref<10240x64xf32, #tpu.memory_space<vmem_shared>>)
      %dma_start3A_304 = arith.constant 1 : i32
      %dma_start3A_305 = arith.constant 0 : i32
      %dma_start3A_306 = arith.constant 0 : i32
      %dma_start3A_307 = tpu.memref_slice %arg9[%dma_start3A_304, %dma_start3A_305, %dma_start3A_306] : memref<4x128x64xf32, #tpu.memory_space<vmem>> -> memref<1x128x64xf32, #tpu.memory_space<vmem>>
      %dma_start3A_308 = tpu.memref_squeeze %dma_start3A_307 : memref<1x128x64xf32, #tpu.memory_space<vmem>> -> memref<128x64xf32, #tpu.memory_space<vmem>>
      %dma_start3A_309 = arith.constant 0 : i32
      %dma_start3A_310 = tpu.memref_slice %arg7[%min3A_292, %dma_start3A_309] : memref<168x128xi32, #tpu.memory_space<vmem>> -> memref<1x128xi32, #tpu.memory_space<vmem>>
      %dma_start3A_311 = tpu.memref_squeeze %dma_start3A_310 : memref<1x128xi32, #tpu.memory_space<vmem>> -> memref<128xi32, #tpu.memory_space<vmem>>
      %dma_start3A_312 = arith.constant 0 : i32
      %dma_start3A_313 = arith.constant 0 : i32
      %dma_start3A_314 = tpu.memref_slice %arg2[%arg0, %dma_start3A_312, %dma_start3A_313] : memref<2x10240x64xf32, #tpu.memory_space<hbm>> -> memref<1x10240x64xf32, #tpu.memory_space<hbm>>
      %dma_start3A_315 = tpu.memref_squeeze %dma_start3A_314 : memref<1x10240x64xf32, #tpu.memory_space<hbm>> -> memref<10240x64xf32, #tpu.memory_space<hbm>>
      %dma_start3A_316 = arith.constant 0 : i32
      %dma_start3A_317 = arith.constant 0 : i32
      %dma_start3A_318 = tpu.memref_slice %dma_start3A_315[%dma_start3A_316, %dma_start3A_317] : memref<10240x64xf32, #tpu.memory_space<hbm>> -> memref<10240x64xf32, #tpu.memory_space<hbm>>
      tpu.enqueue_indirect_dma source(%dma_start3A_318 : memref<10240x64xf32, #tpu.memory_space<hbm>>) target(%dma_start3A_308 : memref<128x64xf32, #tpu.memory_space<vmem>>) offsets(%dma_start3A_311 : memref<128xi32, #tpu.memory_space<vmem>>) semaphore(%arg12 : memref<!tpu.dma_semaphore, #tpu.memory_space<semaphore_mem>>)
      %add3A_319 = arith.constant 2 : i32
      %add3A_320 = arith.addi %mul3A_143, %add3A_319 : i32
      %add3A_321 = arith.constant 4 : i32
      %add3A_322 = arith.addi %add3A_320, %add3A_321 : i32
      %min3A_323 = arith.constant 167 : i32
      %min3A_324 = arith.minsi %add3A_322, %min3A_323 : i32
      %dma_wait3A_325 = arith.constant 2 : i32
      %dma_wait3A_326 = arith.constant 0 : i32
      %dma_wait3A_327 = arith.constant 0 : i32
      %dma_wait3A_328 = tpu.memref_slice %arg9[%dma_wait3A_325, %dma_wait3A_326, %dma_wait3A_327] : memref<4x128x64xf32, #tpu.memory_space<vmem>> -> memref<1x128x64xf32, #tpu.memory_space<vmem>>
      %dma_wait3A_329 = tpu.memref_squeeze %dma_wait3A_328 : memref<1x128x64xf32, #tpu.memory_space<vmem>> -> memref<128x64xf32, #tpu.memory_space<vmem>>
      %dma_wait3A_330 = arith.constant 0 : i32
      %dma_wait3A_331 = tpu.memref_slice %arg8[%add3A_320, %dma_wait3A_330] : memref<168x128xi32, #tpu.memory_space<vmem>> -> memref<1x128xi32, #tpu.memory_space<vmem>>
      %dma_wait3A_332 = tpu.memref_squeeze %dma_wait3A_331 : memref<1x128xi32, #tpu.memory_space<vmem>> -> memref<128xi32, #tpu.memory_space<vmem>>
      %dma_wait3A_333 = arith.constant 0 : i32
      %dma_wait3A_334 = arith.constant 0 : i32
      %dma_wait3A_335 = tpu.memref_slice %arg10[%dma_wait3A_333, %dma_wait3A_334] : memref<10240x64xf32, #tpu.memory_space<vmem_shared>> -> memref<10240x64xf32, #tpu.memory_space<vmem_shared>>
      tpu.wait_indirect_dma semaphore(%arg17 : memref<!tpu.dma_semaphore, #tpu.memory_space<semaphore_mem>>) src(%dma_wait3A_329 : memref<128x64xf32, #tpu.memory_space<vmem>>) dst(%dma_wait3A_335 : memref<10240x64xf32, #tpu.memory_space<vmem_shared>>)
      %dma_start3A_336 = arith.constant 2 : i32
      %dma_start3A_337 = arith.constant 0 : i32
      %dma_start3A_338 = arith.constant 0 : i32
      %dma_start3A_339 = tpu.memref_slice %arg9[%dma_start3A_336, %dma_start3A_337, %dma_start3A_338] : memref<4x128x64xf32, #tpu.memory_space<vmem>> -> memref<1x128x64xf32, #tpu.memory_space<vmem>>
      %dma_start3A_340 = tpu.memref_squeeze %dma_start3A_339 : memref<1x128x64xf32, #tpu.memory_space<vmem>> -> memref<128x64xf32, #tpu.memory_space<vmem>>
      %dma_start3A_341 = arith.constant 0 : i32
      %dma_start3A_342 = tpu.memref_slice %arg7[%min3A_324, %dma_start3A_341] : memref<168x128xi32, #tpu.memory_space<vmem>> -> memref<1x128xi32, #tpu.memory_space<vmem>>
      %dma_start3A_343 = tpu.memref_squeeze %dma_start3A_342 : memref<1x128xi32, #tpu.memory_space<vmem>> -> memref<128xi32, #tpu.memory_space<vmem>>
      %dma_start3A_344 = arith.constant 0 : i32
      %dma_start3A_345 = arith.constant 0 : i32
      %dma_start3A_346 = tpu.memref_slice %arg2[%arg0, %dma_start3A_344, %dma_start3A_345] : memref<2x10240x64xf32, #tpu.memory_space<hbm>> -> memref<1x10240x64xf32, #tpu.memory_space<hbm>>
      %dma_start3A_347 = tpu.memref_squeeze %dma_start3A_346 : memref<1x10240x64xf32, #tpu.memory_space<hbm>> -> memref<10240x64xf32, #tpu.memory_space<hbm>>
      %dma_start3A_348 = arith.constant 0 : i32
      %dma_start3A_349 = arith.constant 0 : i32
      %dma_start3A_350 = tpu.memref_slice %dma_start3A_347[%dma_start3A_348, %dma_start3A_349] : memref<10240x64xf32, #tpu.memory_space<hbm>> -> memref<10240x64xf32, #tpu.memory_space<hbm>>
      tpu.enqueue_indirect_dma source(%dma_start3A_350 : memref<10240x64xf32, #tpu.memory_space<hbm>>) target(%dma_start3A_340 : memref<128x64xf32, #tpu.memory_space<vmem>>) offsets(%dma_start3A_343 : memref<128xi32, #tpu.memory_space<vmem>>) semaphore(%arg13 : memref<!tpu.dma_semaphore, #tpu.memory_space<semaphore_mem>>)
      %add3A_351 = arith.constant 3 : i32
      %add3A_352 = arith.addi %mul3A_143, %add3A_351 : i32
      %add3A_353 = arith.constant 4 : i32
      %add3A_354 = arith.addi %add3A_352, %add3A_353 : i32
      %min3A_355 = arith.constant 167 : i32
      %min3A_356 = arith.minsi %add3A_354, %min3A_355 : i32
      %dma_wait3A_357 = arith.constant 3 : i32
      %dma_wait3A_358 = arith.constant 0 : i32
      %dma_wait3A_359 = arith.constant 0 : i32
      %dma_wait3A_360 = tpu.memref_slice %arg9[%dma_wait3A_357, %dma_wait3A_358, %dma_wait3A_359] : memref<4x128x64xf32, #tpu.memory_space<vmem>> -> memref<1x128x64xf32, #tpu.memory_space<vmem>>
      %dma_wait3A_361 = tpu.memref_squeeze %dma_wait3A_360 : memref<1x128x64xf32, #tpu.memory_space<vmem>> -> memref<128x64xf32, #tpu.memory_space<vmem>>
      %dma_wait3A_362 = arith.constant 0 : i32
      %dma_wait3A_363 = tpu.memref_slice %arg8[%add3A_352, %dma_wait3A_362] : memref<168x128xi32, #tpu.memory_space<vmem>> -> memref<1x128xi32, #tpu.memory_space<vmem>>
      %dma_wait3A_364 = tpu.memref_squeeze %dma_wait3A_363 : memref<1x128xi32, #tpu.memory_space<vmem>> -> memref<128xi32, #tpu.memory_space<vmem>>
      %dma_wait3A_365 = arith.constant 0 : i32
      %dma_wait3A_366 = arith.constant 0 : i32
      %dma_wait3A_367 = tpu.memref_slice %arg10[%dma_wait3A_365, %dma_wait3A_366] : memref<10240x64xf32, #tpu.memory_space<vmem_shared>> -> memref<10240x64xf32, #tpu.memory_space<vmem_shared>>
      tpu.wait_indirect_dma semaphore(%arg18 : memref<!tpu.dma_semaphore, #tpu.memory_space<semaphore_mem>>) src(%dma_wait3A_361 : memref<128x64xf32, #tpu.memory_space<vmem>>) dst(%dma_wait3A_367 : memref<10240x64xf32, #tpu.memory_space<vmem_shared>>)
      %dma_start3A_368 = arith.constant 3 : i32
      %dma_start3A_369 = arith.constant 0 : i32
      %dma_start3A_370 = arith.constant 0 : i32
      %dma_start3A_371 = tpu.memref_slice %arg9[%dma_start3A_368, %dma_start3A_369, %dma_start3A_370] : memref<4x128x64xf32, #tpu.memory_space<vmem>> -> memref<1x128x64xf32, #tpu.memory_space<vmem>>
      %dma_start3A_372 = tpu.memref_squeeze %dma_start3A_371 : memref<1x128x64xf32, #tpu.memory_space<vmem>> -> memref<128x64xf32, #tpu.memory_space<vmem>>
      %dma_start3A_373 = arith.constant 0 : i32
      %dma_start3A_374 = tpu.memref_slice %arg7[%min3A_356, %dma_start3A_373] : memref<168x128xi32, #tpu.memory_space<vmem>> -> memref<1x128xi32, #tpu.memory_space<vmem>>
      %dma_start3A_375 = tpu.memref_squeeze %dma_start3A_374 : memref<1x128xi32, #tpu.memory_space<vmem>> -> memref<128xi32, #tpu.memory_space<vmem>>
      %dma_start3A_376 = arith.constant 0 : i32
      %dma_start3A_377 = arith.constant 0 : i32
      %dma_start3A_378 = tpu.memref_slice %arg2[%arg0, %dma_start3A_376, %dma_start3A_377] : memref<2x10240x64xf32, #tpu.memory_space<hbm>> -> memref<1x10240x64xf32, #tpu.memory_space<hbm>>
      %dma_start3A_379 = tpu.memref_squeeze %dma_start3A_378 : memref<1x10240x64xf32, #tpu.memory_space<hbm>> -> memref<10240x64xf32, #tpu.memory_space<hbm>>
      %dma_start3A_380 = arith.constant 0 : i32
      %dma_start3A_381 = arith.constant 0 : i32
      %dma_start3A_382 = tpu.memref_slice %dma_start3A_379[%dma_start3A_380, %dma_start3A_381] : memref<10240x64xf32, #tpu.memory_space<hbm>> -> memref<10240x64xf32, #tpu.memory_space<hbm>>
      tpu.enqueue_indirect_dma source(%dma_start3A_382 : memref<10240x64xf32, #tpu.memory_space<hbm>>) target(%dma_start3A_372 : memref<128x64xf32, #tpu.memory_space<vmem>>) offsets(%dma_start3A_375 : memref<128xi32, #tpu.memory_space<vmem>>) semaphore(%arg14 : memref<!tpu.dma_semaphore, #tpu.memory_space<semaphore_mem>>)
    }
    %scan3A_69 = arith.constant 42 : i32
    %dma_wait3A = arith.constant 167 : i32
    %dma_wait3A_70 = arith.constant 0 : i32
    %dma_wait3A_71 = arith.constant 0 : i32
    %dma_wait3A_72 = arith.constant 0 : i32
    %dma_wait3A_73 = tpu.memref_slice %arg9[%dma_wait3A_70, %dma_wait3A_71, %dma_wait3A_72] : memref<4x128x64xf32, #tpu.memory_space<vmem>> -> memref<1x128x64xf32, #tpu.memory_space<vmem>>
    %dma_wait3A_74 = tpu.memref_squeeze %dma_wait3A_73 : memref<1x128x64xf32, #tpu.memory_space<vmem>> -> memref<128x64xf32, #tpu.memory_space<vmem>>
    %dma_wait3A_75 = arith.constant 0 : i32
    %dma_wait3A_76 = tpu.memref_slice %arg7[%dma_wait3A, %dma_wait3A_75] : memref<168x128xi32, #tpu.memory_space<vmem>> -> memref<1x128xi32, #tpu.memory_space<vmem>>
    %dma_wait3A_77 = tpu.memref_squeeze %dma_wait3A_76 : memref<1x128xi32, #tpu.memory_space<vmem>> -> memref<128xi32, #tpu.memory_space<vmem>>
    %dma_wait3A_78 = arith.constant 0 : i32
    %dma_wait3A_79 = arith.constant 0 : i32
    %dma_wait3A_80 = tpu.memref_slice %arg2[%arg0, %dma_wait3A_78, %dma_wait3A_79] : memref<2x10240x64xf32, #tpu.memory_space<hbm>> -> memref<1x10240x64xf32, #tpu.memory_space<hbm>>
    %dma_wait3A_81 = tpu.memref_squeeze %dma_wait3A_80 : memref<1x10240x64xf32, #tpu.memory_space<hbm>> -> memref<10240x64xf32, #tpu.memory_space<hbm>>
    %dma_wait3A_82 = arith.constant 0 : i32
    %dma_wait3A_83 = arith.constant 0 : i32
    %dma_wait3A_84 = tpu.memref_slice %dma_wait3A_81[%dma_wait3A_82, %dma_wait3A_83] : memref<10240x64xf32, #tpu.memory_space<hbm>> -> memref<10240x64xf32, #tpu.memory_space<hbm>>
    tpu.wait_indirect_dma semaphore(%arg11 : memref<!tpu.dma_semaphore, #tpu.memory_space<semaphore_mem>>) src(%dma_wait3A_84 : memref<10240x64xf32, #tpu.memory_space<hbm>>) dst(%dma_wait3A_74 : memref<128x64xf32, #tpu.memory_space<vmem>>)
    %dma_wait3A_85 = arith.constant 167 : i32
    %dma_wait3A_86 = arith.constant 1 : i32
    %dma_wait3A_87 = arith.constant 0 : i32
    %dma_wait3A_88 = arith.constant 0 : i32
    %dma_wait3A_89 = tpu.memref_slice %arg9[%dma_wait3A_86, %dma_wait3A_87, %dma_wait3A_88] : memref<4x128x64xf32, #tpu.memory_space<vmem>> -> memref<1x128x64xf32, #tpu.memory_space<vmem>>
    %dma_wait3A_90 = tpu.memref_squeeze %dma_wait3A_89 : memref<1x128x64xf32, #tpu.memory_space<vmem>> -> memref<128x64xf32, #tpu.memory_space<vmem>>
    %dma_wait3A_91 = arith.constant 0 : i32
    %dma_wait3A_92 = tpu.memref_slice %arg7[%dma_wait3A_85, %dma_wait3A_91] : memref<168x128xi32, #tpu.memory_space<vmem>> -> memref<1x128xi32, #tpu.memory_space<vmem>>
    %dma_wait3A_93 = tpu.memref_squeeze %dma_wait3A_92 : memref<1x128xi32, #tpu.memory_space<vmem>> -> memref<128xi32, #tpu.memory_space<vmem>>
    %dma_wait3A_94 = arith.constant 0 : i32
    %dma_wait3A_95 = arith.constant 0 : i32
    %dma_wait3A_96 = tpu.memref_slice %arg2[%arg0, %dma_wait3A_94, %dma_wait3A_95] : memref<2x10240x64xf32, #tpu.memory_space<hbm>> -> memref<1x10240x64xf32, #tpu.memory_space<hbm>>
    %dma_wait3A_97 = tpu.memref_squeeze %dma_wait3A_96 : memref<1x10240x64xf32, #tpu.memory_space<hbm>> -> memref<10240x64xf32, #tpu.memory_space<hbm>>
    %dma_wait3A_98 = arith.constant 0 : i32
    %dma_wait3A_99 = arith.constant 0 : i32
    %dma_wait3A_100 = tpu.memref_slice %dma_wait3A_97[%dma_wait3A_98, %dma_wait3A_99] : memref<10240x64xf32, #tpu.memory_space<hbm>> -> memref<10240x64xf32, #tpu.memory_space<hbm>>
    tpu.wait_indirect_dma semaphore(%arg12 : memref<!tpu.dma_semaphore, #tpu.memory_space<semaphore_mem>>) src(%dma_wait3A_100 : memref<10240x64xf32, #tpu.memory_space<hbm>>) dst(%dma_wait3A_90 : memref<128x64xf32, #tpu.memory_space<vmem>>)
    %dma_wait3A_101 = arith.constant 167 : i32
    %dma_wait3A_102 = arith.constant 2 : i32
    %dma_wait3A_103 = arith.constant 0 : i32
    %dma_wait3A_104 = arith.constant 0 : i32
    %dma_wait3A_105 = tpu.memref_slice %arg9[%dma_wait3A_102, %dma_wait3A_103, %dma_wait3A_104] : memref<4x128x64xf32, #tpu.memory_space<vmem>> -> memref<1x128x64xf32, #tpu.memory_space<vmem>>
    %dma_wait3A_106 = tpu.memref_squeeze %dma_wait3A_105 : memref<1x128x64xf32, #tpu.memory_space<vmem>> -> memref<128x64xf32, #tpu.memory_space<vmem>>
    %dma_wait3A_107 = arith.constant 0 : i32
    %dma_wait3A_108 = tpu.memref_slice %arg7[%dma_wait3A_101, %dma_wait3A_107] : memref<168x128xi32, #tpu.memory_space<vmem>> -> memref<1x128xi32, #tpu.memory_space<vmem>>
    %dma_wait3A_109 = tpu.memref_squeeze %dma_wait3A_108 : memref<1x128xi32, #tpu.memory_space<vmem>> -> memref<128xi32, #tpu.memory_space<vmem>>
    %dma_wait3A_110 = arith.constant 0 : i32
    %dma_wait3A_111 = arith.constant 0 : i32
    %dma_wait3A_112 = tpu.memref_slice %arg2[%arg0, %dma_wait3A_110, %dma_wait3A_111] : memref<2x10240x64xf32, #tpu.memory_space<hbm>> -> memref<1x10240x64xf32, #tpu.memory_space<hbm>>
    %dma_wait3A_113 = tpu.memref_squeeze %dma_wait3A_112 : memref<1x10240x64xf32, #tpu.memory_space<hbm>> -> memref<10240x64xf32, #tpu.memory_space<hbm>>
    %dma_wait3A_114 = arith.constant 0 : i32
    %dma_wait3A_115 = arith.constant 0 : i32
    %dma_wait3A_116 = tpu.memref_slice %dma_wait3A_113[%dma_wait3A_114, %dma_wait3A_115] : memref<10240x64xf32, #tpu.memory_space<hbm>> -> memref<10240x64xf32, #tpu.memory_space<hbm>>
    tpu.wait_indirect_dma semaphore(%arg13 : memref<!tpu.dma_semaphore, #tpu.memory_space<semaphore_mem>>) src(%dma_wait3A_116 : memref<10240x64xf32, #tpu.memory_space<hbm>>) dst(%dma_wait3A_106 : memref<128x64xf32, #tpu.memory_space<vmem>>)
    %dma_wait3A_117 = arith.constant 167 : i32
    %dma_wait3A_118 = arith.constant 3 : i32
    %dma_wait3A_119 = arith.constant 0 : i32
    %dma_wait3A_120 = arith.constant 0 : i32
    %dma_wait3A_121 = tpu.memref_slice %arg9[%dma_wait3A_118, %dma_wait3A_119, %dma_wait3A_120] : memref<4x128x64xf32, #tpu.memory_space<vmem>> -> memref<1x128x64xf32, #tpu.memory_space<vmem>>
    %dma_wait3A_122 = tpu.memref_squeeze %dma_wait3A_121 : memref<1x128x64xf32, #tpu.memory_space<vmem>> -> memref<128x64xf32, #tpu.memory_space<vmem>>
    %dma_wait3A_123 = arith.constant 0 : i32
    %dma_wait3A_124 = tpu.memref_slice %arg7[%dma_wait3A_117, %dma_wait3A_123] : memref<168x128xi32, #tpu.memory_space<vmem>> -> memref<1x128xi32, #tpu.memory_space<vmem>>
    %dma_wait3A_125 = tpu.memref_squeeze %dma_wait3A_124 : memref<1x128xi32, #tpu.memory_space<vmem>> -> memref<128xi32, #tpu.memory_space<vmem>>
    %dma_wait3A_126 = arith.constant 0 : i32
    %dma_wait3A_127 = arith.constant 0 : i32
    %dma_wait3A_128 = tpu.memref_slice %arg2[%arg0, %dma_wait3A_126, %dma_wait3A_127] : memref<2x10240x64xf32, #tpu.memory_space<hbm>> -> memref<1x10240x64xf32, #tpu.memory_space<hbm>>
    %dma_wait3A_129 = tpu.memref_squeeze %dma_wait3A_128 : memref<1x10240x64xf32, #tpu.memory_space<hbm>> -> memref<10240x64xf32, #tpu.memory_space<hbm>>
    %dma_wait3A_130 = arith.constant 0 : i32
    %dma_wait3A_131 = arith.constant 0 : i32
    %dma_wait3A_132 = tpu.memref_slice %dma_wait3A_129[%dma_wait3A_130, %dma_wait3A_131] : memref<10240x64xf32, #tpu.memory_space<hbm>> -> memref<10240x64xf32, #tpu.memory_space<hbm>>
    tpu.wait_indirect_dma semaphore(%arg14 : memref<!tpu.dma_semaphore, #tpu.memory_space<semaphore_mem>>) src(%dma_wait3A_132 : memref<10240x64xf32, #tpu.memory_space<hbm>>) dst(%dma_wait3A_122 : memref<128x64xf32, #tpu.memory_space<vmem>>)
    %barrier3A_133 = arith.constant 0 : index
    tpu.barrier barrier_id(%barrier3A_133)
    %mul3A_134 = arith.constant 640 : i32
    %mul3A_135 = arith.muli %arg1, %mul3A_134 : i32
    %mul3A_136 = arith.constant 640 : i32
    %mul3A_137 = arith.muli %arg1, %mul3A_136 : i32
    "tpu.region"() ({
      %run_scoped3A = tpu.sem_alloc : memref<!tpu.dma_semaphore, #tpu.memory_space<semaphore_mem>>
      %dma_start3A_138 = arith.constant 0 : i32
      %dma_start3A_139 = tpu.memref_slice %arg6[%arg0, %mul3A_137, %dma_start3A_138] : memref<2x10240x64xf32, #tpu.memory_space<hbm>> -> memref<1x640x64xf32, #tpu.memory_space<hbm>>
      %dma_start3A_140 = tpu.memref_squeeze %dma_start3A_139 : memref<1x640x64xf32, #tpu.memory_space<hbm>> -> memref<640x64xf32, #tpu.memory_space<hbm>>
      %dma_start3A_141 = arith.constant 0 : i32
      %dma_start3A_142 = tpu.memref_slice %arg10[%mul3A_135, %dma_start3A_141] : memref<10240x64xf32, #tpu.memory_space<vmem_shared>> -> memref<640x64xf32, #tpu.memory_space<vmem_shared>>
      tpu.enqueue_dma source(%dma_start3A_142 : memref<640x64xf32, #tpu.memory_space<vmem_shared>>) target(%dma_start3A_140 : memref<640x64xf32, #tpu.memory_space<hbm>>) target_semaphore(%run_scoped3A : memref<!tpu.dma_semaphore, #tpu.memory_space<semaphore_mem>>)
      %dma_wait3A_143 = arith.constant 0 : i32
      %dma_wait3A_144 = tpu.memref_slice %arg6[%arg0, %mul3A_137, %dma_wait3A_143] : memref<2x10240x64xf32, #tpu.memory_space<hbm>> -> memref<1x640x64xf32, #tpu.memory_space<hbm>>
      %dma_wait3A_145 = tpu.memref_squeeze %dma_wait3A_144 : memref<1x640x64xf32, #tpu.memory_space<hbm>> -> memref<640x64xf32, #tpu.memory_space<hbm>>
      %dma_wait3A_146 = arith.constant 0 : i32
      %dma_wait3A_147 = tpu.memref_slice %arg10[%mul3A_135, %dma_wait3A_146] : memref<10240x64xf32, #tpu.memory_space<vmem_shared>> -> memref<640x64xf32, #tpu.memory_space<vmem_shared>>
      tpu.wait_dma2 semaphore(%run_scoped3A : memref<!tpu.dma_semaphore, #tpu.memory_space<semaphore_mem>>) src(%dma_wait3A_147 : memref<640x64xf32, #tpu.memory_space<vmem_shared>>) dst(%dma_wait3A_145 : memref<640x64xf32, #tpu.memory_space<hbm>>)
      tpu.yield
    }) : () -> ()
    return
  }
}

#map = affine_map<(d0, d1) -> (0, 0, 0)>
#map1 = affine_map<(d0, d1) -> (0)>
#map2 = affine_map<(d0, d1) -> (0, 0)>
module attributes {stable_mosaic.version = 14 : i64} {
  func.func @_sc_hist(%arg0: i32, %arg1: i32, %arg2: memref<32x84x128xi32, #tpu.memory_space<hbm>>, %arg3: memref<10240xf32, #tpu.memory_space<hbm>>, %arg4: memref<2x10240xf32, #tpu.memory_space<hbm>>, %arg5: memref<84x128xi32, #tpu.memory_space<vmem>>, %arg6: memref<128xf32, #tpu.memory_space<vmem>>, %arg7: memref<10240xf32, #tpu.memory_space<vmem_shared>>) attributes {dimension_semantics = [#tpu.dimension_semantics<core_parallel>, #tpu.dimension_semantics<subcore_parallel>], iteration_bounds = array<i64: 2, 16>, scalar_prefetch = 0 : i64, scratch_operands = 3 : i64, tpu.core_type = #tpu.core_type<sc_vector_subcore>, window_params = [{transform_indices = #map}, {transform_indices = #map1}, {transform_indices = #map2}]} {
    %mul3A = arith.constant 2 : i32
    %mul3A_0 = arith.muli %arg1, %mul3A : i32
    %add3A = arith.addi %mul3A_0, %arg0 : i32
    %mul3A_1 = arith.constant 640 : i32
    %mul3A_2 = arith.muli %arg1, %mul3A_1 : i32
    %mul3A_3 = arith.constant 640 : i32
    %mul3A_4 = arith.muli %arg1, %mul3A_3 : i32
    "tpu.region"() ({
      %run_scoped3A = tpu.sem_alloc : memref<!tpu.dma_semaphore, #tpu.memory_space<semaphore_mem>>
      %dma_start3A = tpu.memref_slice %arg7[%mul3A_4] : memref<10240xf32, #tpu.memory_space<vmem_shared>> -> memref<640xf32, #tpu.memory_space<vmem_shared>>
      %dma_start3A_60 = tpu.memref_slice %arg3[%mul3A_2] : memref<10240xf32, #tpu.memory_space<hbm>> -> memref<640xf32, #tpu.memory_space<hbm>>
      tpu.enqueue_dma source(%dma_start3A_60 : memref<640xf32, #tpu.memory_space<hbm>>) target(%dma_start3A : memref<640xf32, #tpu.memory_space<vmem_shared>>) target_semaphore(%run_scoped3A : memref<!tpu.dma_semaphore, #tpu.memory_space<semaphore_mem>>)
      %dma_wait3A = tpu.memref_slice %arg7[%mul3A_4] : memref<10240xf32, #tpu.memory_space<vmem_shared>> -> memref<640xf32, #tpu.memory_space<vmem_shared>>
      %dma_wait3A_61 = tpu.memref_slice %arg3[%mul3A_2] : memref<10240xf32, #tpu.memory_space<hbm>> -> memref<640xf32, #tpu.memory_space<hbm>>
      tpu.wait_dma2 semaphore(%run_scoped3A : memref<!tpu.dma_semaphore, #tpu.memory_space<semaphore_mem>>) src(%dma_wait3A_61 : memref<640xf32, #tpu.memory_space<hbm>>) dst(%dma_wait3A : memref<640xf32, #tpu.memory_space<vmem_shared>>)
      tpu.yield
    }) : () -> ()
    "tpu.region"() ({
      %run_scoped3A = tpu.sem_alloc : memref<!tpu.dma_semaphore, #tpu.memory_space<semaphore_mem>>
      %dma_start3A = arith.constant 0 : i32
      %dma_start3A_60 = arith.constant 0 : i32
      %dma_start3A_61 = tpu.memref_slice %arg2[%add3A, %dma_start3A, %dma_start3A_60] : memref<32x84x128xi32, #tpu.memory_space<hbm>> -> memref<1x84x128xi32, #tpu.memory_space<hbm>>
      %dma_start3A_62 = tpu.memref_squeeze %dma_start3A_61 : memref<1x84x128xi32, #tpu.memory_space<hbm>> -> memref<84x128xi32, #tpu.memory_space<hbm>>
      %dma_start3A_63 = arith.constant 0 : i32
      %dma_start3A_64 = arith.constant 0 : i32
      %dma_start3A_65 = tpu.memref_slice %arg2[%add3A, %dma_start3A_63, %dma_start3A_64] : memref<32x84x128xi32, #tpu.memory_space<hbm>> -> memref<1x84x128xi32, #tpu.memory_space<hbm>>
      %dma_start3A_66 = tpu.memref_squeeze %dma_start3A_65 : memref<1x84x128xi32, #tpu.memory_space<hbm>> -> memref<84x128xi32, #tpu.memory_space<hbm>>
      tpu.enqueue_dma source(%dma_start3A_66 : memref<84x128xi32, #tpu.memory_space<hbm>>) target(%arg5 : memref<84x128xi32, #tpu.memory_space<vmem>>) target_semaphore(%run_scoped3A : memref<!tpu.dma_semaphore, #tpu.memory_space<semaphore_mem>>)
      %dma_wait3A = arith.constant 0 : i32
      %dma_wait3A_67 = arith.constant 0 : i32
      %dma_wait3A_68 = tpu.memref_slice %arg2[%add3A, %dma_wait3A, %dma_wait3A_67] : memref<32x84x128xi32, #tpu.memory_space<hbm>> -> memref<1x84x128xi32, #tpu.memory_space<hbm>>
      %dma_wait3A_69 = tpu.memref_squeeze %dma_wait3A_68 : memref<1x84x128xi32, #tpu.memory_space<hbm>> -> memref<84x128xi32, #tpu.memory_space<hbm>>
      %dma_wait3A_70 = arith.constant 0 : i32
      %dma_wait3A_71 = arith.constant 0 : i32
      %dma_wait3A_72 = tpu.memref_slice %arg2[%add3A, %dma_wait3A_70, %dma_wait3A_71] : memref<32x84x128xi32, #tpu.memory_space<hbm>> -> memref<1x84x128xi32, #tpu.memory_space<hbm>>
      %dma_wait3A_73 = tpu.memref_squeeze %dma_wait3A_72 : memref<1x84x128xi32, #tpu.memory_space<hbm>> -> memref<84x128xi32, #tpu.memory_space<hbm>>
      tpu.wait_dma2 semaphore(%run_scoped3A : memref<!tpu.dma_semaphore, #tpu.memory_space<semaphore_mem>>) src(%dma_wait3A_73 : memref<84x128xi32, #tpu.memory_space<hbm>>) dst(%arg5 : memref<84x128xi32, #tpu.memory_space<vmem>>)
      tpu.yield
    }) : () -> ()
    %broadcast_in_dim3A = arith.constant 1.000000e+00 : f32
    %broadcast_in_dim3A_5 = vector.broadcast %broadcast_in_dim3A : f32 to vector<16xf32>
    %swap3A = arith.constant 0 : index
    %swap3A_6 = tpu.vector_load %arg6[%swap3A] {strides = array<i32>} : memref<128xf32, #tpu.memory_space<vmem>>, vector<16xf32>,
    %swap3A_7 = vector.shape_cast %swap3A_6 : vector<16xf32> to vector<16xf32>
    %swap3A_8 = vector.shape_cast %broadcast_in_dim3A_5 : vector<16xf32> to vector<16xf32>
    tpu.vector_store %arg6[%swap3A], %swap3A_8 {strides = array<i32>} : memref<128xf32, #tpu.memory_space<vmem>>, vector<16xf32>,
    %broadcast_in_dim3A_9 = arith.constant 1.000000e+00 : f32
    %broadcast_in_dim3A_10 = vector.broadcast %broadcast_in_dim3A_9 : f32 to vector<16xf32>
    %swap3A_11 = arith.constant 16 : index
    %swap3A_12 = tpu.vector_load %arg6[%swap3A_11] {strides = array<i32>} : memref<128xf32, #tpu.memory_space<vmem>>, vector<16xf32>,
    %swap3A_13 = vector.shape_cast %swap3A_12 : vector<16xf32> to vector<16xf32>
    %swap3A_14 = vector.shape_cast %broadcast_in_dim3A_10 : vector<16xf32> to vector<16xf32>
    tpu.vector_store %arg6[%swap3A_11], %swap3A_14 {strides = array<i32>} : memref<128xf32, #tpu.memory_space<vmem>>, vector<16xf32>,
    %broadcast_in_dim3A_15 = arith.constant 1.000000e+00 : f32
    %broadcast_in_dim3A_16 = vector.broadcast %broadcast_in_dim3A_15 : f32 to vector<16xf32>
    %swap3A_17 = arith.constant 32 : index
    %swap3A_18 = tpu.vector_load %arg6[%swap3A_17] {strides = array<i32>} : memref<128xf32, #tpu.memory_space<vmem>>, vector<16xf32>,
    %swap3A_19 = vector.shape_cast %swap3A_18 : vector<16xf32> to vector<16xf32>
    %swap3A_20 = vector.shape_cast %broadcast_in_dim3A_16 : vector<16xf32> to vector<16xf32>
    tpu.vector_store %arg6[%swap3A_17], %swap3A_20 {strides = array<i32>} : memref<128xf32, #tpu.memory_space<vmem>>, vector<16xf32>,
    %broadcast_in_dim3A_21 = arith.constant 1.000000e+00 : f32
    %broadcast_in_dim3A_22 = vector.broadcast %broadcast_in_dim3A_21 : f32 to vector<16xf32>
    %swap3A_23 = arith.constant 48 : index
    %swap3A_24 = tpu.vector_load %arg6[%swap3A_23] {strides = array<i32>} : memref<128xf32, #tpu.memory_space<vmem>>, vector<16xf32>,
    %swap3A_25 = vector.shape_cast %swap3A_24 : vector<16xf32> to vector<16xf32>
    %swap3A_26 = vector.shape_cast %broadcast_in_dim3A_22 : vector<16xf32> to vector<16xf32>
    tpu.vector_store %arg6[%swap3A_23], %swap3A_26 {strides = array<i32>} : memref<128xf32, #tpu.memory_space<vmem>>, vector<16xf32>,
    %broadcast_in_dim3A_27 = arith.constant 1.000000e+00 : f32
    %broadcast_in_dim3A_28 = vector.broadcast %broadcast_in_dim3A_27 : f32 to vector<16xf32>
    %swap3A_29 = arith.constant 64 : index
    %swap3A_30 = tpu.vector_load %arg6[%swap3A_29] {strides = array<i32>} : memref<128xf32, #tpu.memory_space<vmem>>, vector<16xf32>,
    %swap3A_31 = vector.shape_cast %swap3A_30 : vector<16xf32> to vector<16xf32>
    %swap3A_32 = vector.shape_cast %broadcast_in_dim3A_28 : vector<16xf32> to vector<16xf32>
    tpu.vector_store %arg6[%swap3A_29], %swap3A_32 {strides = array<i32>} : memref<128xf32, #tpu.memory_space<vmem>>, vector<16xf32>,
    %broadcast_in_dim3A_33 = arith.constant 1.000000e+00 : f32
    %broadcast_in_dim3A_34 = vector.broadcast %broadcast_in_dim3A_33 : f32 to vector<16xf32>
    %swap3A_35 = arith.constant 80 : index
    %swap3A_36 = tpu.vector_load %arg6[%swap3A_35] {strides = array<i32>} : memref<128xf32, #tpu.memory_space<vmem>>, vector<16xf32>,
    %swap3A_37 = vector.shape_cast %swap3A_36 : vector<16xf32> to vector<16xf32>
    %swap3A_38 = vector.shape_cast %broadcast_in_dim3A_34 : vector<16xf32> to vector<16xf32>
    tpu.vector_store %arg6[%swap3A_35], %swap3A_38 {strides = array<i32>} : memref<128xf32, #tpu.memory_space<vmem>>, vector<16xf32>,
    %broadcast_in_dim3A_39 = arith.constant 1.000000e+00 : f32
    %broadcast_in_dim3A_40 = vector.broadcast %broadcast_in_dim3A_39 : f32 to vector<16xf32>
    %swap3A_41 = arith.constant 96 : index
    %swap3A_42 = tpu.vector_load %arg6[%swap3A_41] {strides = array<i32>} : memref<128xf32, #tpu.memory_space<vmem>>, vector<16xf32>,
    %swap3A_43 = vector.shape_cast %swap3A_42 : vector<16xf32> to vector<16xf32>
    %swap3A_44 = vector.shape_cast %broadcast_in_dim3A_40 : vector<16xf32> to vector<16xf32>
    tpu.vector_store %arg6[%swap3A_41], %swap3A_44 {strides = array<i32>} : memref<128xf32, #tpu.memory_space<vmem>>, vector<16xf32>,
    %broadcast_in_dim3A_45 = arith.constant 1.000000e+00 : f32
    %broadcast_in_dim3A_46 = vector.broadcast %broadcast_in_dim3A_45 : f32 to vector<16xf32>
    %swap3A_47 = arith.constant 112 : index
    %swap3A_48 = tpu.vector_load %arg6[%swap3A_47] {strides = array<i32>} : memref<128xf32, #tpu.memory_space<vmem>>, vector<16xf32>,
    %swap3A_49 = vector.shape_cast %swap3A_48 : vector<16xf32> to vector<16xf32>
    %swap3A_50 = vector.shape_cast %broadcast_in_dim3A_46 : vector<16xf32> to vector<16xf32>
    tpu.vector_store %arg6[%swap3A_47], %swap3A_50 {strides = array<i32>} : memref<128xf32, #tpu.memory_space<vmem>>, vector<16xf32>,
    %barrier3A = arith.constant 0 : index
    tpu.barrier barrier_id(%barrier3A)
    %scan3A = arith.constant 0 : i32
    %scan3A_51 = arith.constant 84 : i32
    %scan3A_52 = arith.addi %scan3A, %scan3A_51 : i32
    %scan3A_53 = arith.constant 1 : i32
    scf.for %scan3A_60 = %scan3A to %scan3A_52 step %scan3A_53  : i32 {
      %mul3A_61 = arith.constant 1 : i32
      %mul3A_62 = arith.muli %scan3A_60, %mul3A_61 : i32
      %add3A_63 = arith.constant 0 : i32
      %add3A_64 = arith.addi %add3A_63, %mul3A_62 : i32
      "tpu.region"() ({
        %run_scoped3A = tpu.sem_alloc : memref<!tpu.dma_semaphore, #tpu.memory_space<semaphore_mem>>
        %dma_start3A = arith.constant 0 : i32
        %dma_start3A_65 = tpu.memref_slice %arg5[%add3A_64, %dma_start3A] : memref<84x128xi32, #tpu.memory_space<vmem>> -> memref<1x128xi32, #tpu.memory_space<vmem>>
        %dma_start3A_66 = tpu.memref_squeeze %dma_start3A_65 : memref<1x128xi32, #tpu.memory_space<vmem>> -> memref<128xi32, #tpu.memory_space<vmem>>
        %dma_start3A_67 = arith.constant 0 : i32
        %dma_start3A_68 = tpu.memref_slice %arg7[%dma_start3A_67] : memref<10240xf32, #tpu.memory_space<vmem_shared>> -> memref<10240xf32, #tpu.memory_space<vmem_shared>>
        tpu.enqueue_indirect_dma source(%arg6 : memref<128xf32, #tpu.memory_space<vmem>>) target(%dma_start3A_68 : memref<10240xf32, #tpu.memory_space<vmem_shared>>) offsets(%dma_start3A_66 : memref<128xi32, #tpu.memory_space<vmem>>) semaphore(%run_scoped3A : memref<!tpu.dma_semaphore, #tpu.memory_space<semaphore_mem>>) {add = true}
        %dma_wait3A = arith.constant 0 : i32
        %dma_wait3A_69 = tpu.memref_slice %arg5[%add3A_64, %dma_wait3A] : memref<84x128xi32, #tpu.memory_space<vmem>> -> memref<1x128xi32, #tpu.memory_space<vmem>>
        %dma_wait3A_70 = tpu.memref_squeeze %dma_wait3A_69 : memref<1x128xi32, #tpu.memory_space<vmem>> -> memref<128xi32, #tpu.memory_space<vmem>>
        %dma_wait3A_71 = arith.constant 0 : i32
        %dma_wait3A_72 = tpu.memref_slice %arg7[%dma_wait3A_71] : memref<10240xf32, #tpu.memory_space<vmem_shared>> -> memref<10240xf32, #tpu.memory_space<vmem_shared>>
        tpu.wait_indirect_dma semaphore(%run_scoped3A : memref<!tpu.dma_semaphore, #tpu.memory_space<semaphore_mem>>) src(%arg6 : memref<128xf32, #tpu.memory_space<vmem>>) dst(%dma_wait3A_72 : memref<10240xf32, #tpu.memory_space<vmem_shared>>)
        tpu.yield
      }) : () -> ()
    }
    %scan3A_54 = arith.constant 84 : i32
    %barrier3A_55 = arith.constant 0 : index
    tpu.barrier barrier_id(%barrier3A_55)
    %mul3A_56 = arith.constant 640 : i32
    %mul3A_57 = arith.muli %arg1, %mul3A_56 : i32
    %mul3A_58 = arith.constant 640 : i32
    %mul3A_59 = arith.muli %arg1, %mul3A_58 : i32
    "tpu.region"() ({
      %run_scoped3A = tpu.sem_alloc : memref<!tpu.dma_semaphore, #tpu.memory_space<semaphore_mem>>
      %dma_start3A = tpu.memref_slice %arg4[%arg0, %mul3A_59] : memref<2x10240xf32, #tpu.memory_space<hbm>> -> memref<1x640xf32, #tpu.memory_space<hbm>>
      %dma_start3A_60 = tpu.memref_squeeze %dma_start3A : memref<1x640xf32, #tpu.memory_space<hbm>> -> memref<640xf32, #tpu.memory_space<hbm>>
      %dma_start3A_61 = tpu.memref_slice %arg7[%mul3A_57] : memref<10240xf32, #tpu.memory_space<vmem_shared>> -> memref<640xf32, #tpu.memory_space<vmem_shared>>
      tpu.enqueue_dma source(%dma_start3A_61 : memref<640xf32, #tpu.memory_space<vmem_shared>>) target(%dma_start3A_60 : memref<640xf32, #tpu.memory_space<hbm>>) target_semaphore(%run_scoped3A : memref<!tpu.dma_semaphore, #tpu.memory_space<semaphore_mem>>)
      %dma_wait3A = tpu.memref_slice %arg4[%arg0, %mul3A_59] : memref<2x10240xf32, #tpu.memory_space<hbm>> -> memref<1x640xf32, #tpu.memory_space<hbm>>
      %dma_wait3A_62 = tpu.memref_squeeze %dma_wait3A : memref<1x640xf32, #tpu.memory_space<hbm>> -> memref<640xf32, #tpu.memory_space<hbm>>
      %dma_wait3A_63 = tpu.memref_slice %arg7[%mul3A_57] : memref<10240xf32, #tpu.memory_space<vmem_shared>> -> memref<640xf32, #tpu.memory_space<vmem_shared>>
      tpu.wait_dma2 semaphore(%run_scoped3A : memref<!tpu.dma_semaphore, #tpu.memory_space<semaphore_mem>>) src(%dma_wait3A_63 : memref<640xf32, #tpu.memory_space<vmem_shared>>) dst(%dma_wait3A_62 : memref<640xf32, #tpu.memory_space<hbm>>)
      tpu.yield
    }) : () -> ()
    return
  }
}

module attributes {stable_mosaic.version = 14 : i64} {
  func.func @_tc_scale_body(%arg0: i32, %arg1: memref<1024x128xf32, #tpu.memory_space<vmem>>, %arg2: memref<128x128xf32, #tpu.memory_space<vmem>>, %arg3: memref<2x1024xf32, #tpu.memory_space<vmem>>, %arg4: memref<2x1024x64xf32, #tpu.memory_space<vmem>>) attributes {dimension_semantics = [#tpu.dimension_semantics<arbitrary>], iteration_bounds = array<i64: 10>, scalar_prefetch = 0 : i64, scratch_operands = 0 : i64, tpu.core_type = #tpu.core_type<tc>, window_params = [{transform_indices = @transform_0, window_bounds = array<i64: 1024, 128>}, {pipeline_mode = #tpu.pipeline_mode<synchronous>, transform_indices = @transform_1, window_bounds = array<i64: 128, 128>}, {transform_indices = @transform_2, window_bounds = array<i64: 2, 1024>}, {transform_indices = @transform_3, window_bounds = array<i64: 2, 1024, 64>}]} {
    %get3A = arith.constant 0 : index
    %get3A_0 = arith.constant 0 : index
    %get3A_1 = vector.load %arg3[%get3A, %get3A_0] : memref<2x1024xf32, #tpu.memory_space<vmem>>, vector<2x1024xf32>
    %slice3A = vector.extract_strided_slice %get3A_1 {offsets = [0, 0], sizes = [1, 1024], strides = [1, 1]} : vector<2x1024xf32> to vector<1x1024xf32>
    %squeeze3A = vector.shape_cast %slice3A : vector<1x1024xf32> to vector<1024xf32>
    %add3A = arith.constant 1.000000e+00 : f32
    %add3A_2 = vector.broadcast %add3A : f32 to vector<1024xf32>
    %add3A_3 = arith.addf %add3A_2, %squeeze3A : vector<1024xf32>
    %slice3A_4 = vector.extract_strided_slice %get3A_1 {offsets = [1, 0], sizes = [1, 1024], strides = [1, 1]} : vector<2x1024xf32> to vector<1x1024xf32>
    %squeeze3A_5 = vector.shape_cast %slice3A_4 : vector<1x1024xf32> to vector<1024xf32>
    %add3A_6 = arith.addf %add3A_3, %squeeze3A_5 : vector<1024xf32>
    %rsqrt3A = math.rsqrt %add3A_6 : vector<1024xf32>
    %broadcast_in_dim3A = vector.shape_cast %rsqrt3A : vector<1024xf32> to vector<1024x1xf32>
    %get3A_7 = arith.constant 0 : index
    %get3A_8 = arith.constant 0 : index
    %get3A_9 = vector.load %arg1[%get3A_7, %get3A_8] : memref<1024x128xf32, #tpu.memory_space<vmem>>, vector<1024x128xf32>
    %get3A_10 = arith.constant 0 : index
    %get3A_11 = arith.constant 0 : index
    %get3A_12 = vector.load %arg2[%get3A_10, %get3A_11] : memref<128x128xf32, #tpu.memory_space<vmem>>, vector<128x128xf32>
    %dot_general3A = arith.constant dense<0.000000e+00> : vector<1024x128xf32>
    %dot_general3A_13 = tpu.matmul %get3A_9, %get3A_12, %dot_general3A {dimension_numbers = #tpu.dot_dimension_numbers<[1], [0], [0], [1], [0, 0, 1, 1], [], []>, transpose_lhs_hint = false} : vector<1024x128xf32>, vector<128x128xf32>, vector<1024x128xf32> -> vector<1024x128xf32>
    %mul3A = vector.broadcast %broadcast_in_dim3A : vector<1024x1xf32> to vector<1024x128xf32>
    %mul3A_14 = arith.mulf %dot_general3A_13, %mul3A : vector<1024x128xf32>
    %slice3A_15 = vector.extract_strided_slice %mul3A_14 {offsets = [0, 0], sizes = [1024, 64], strides = [1, 1]} : vector<1024x128xf32> to vector<1024x64xf32>
    %slice3A_16 = vector.extract_strided_slice %mul3A_14 {offsets = [0, 64], sizes = [1024, 64], strides = [1, 1]} : vector<1024x128xf32> to vector<1024x64xf32>
    %stack3A = vector.shape_cast %slice3A_15 : vector<1024x64xf32> to vector<1x1024x64xf32>
    %stack3A_17 = vector.shape_cast %slice3A_16 : vector<1024x64xf32> to vector<1x1024x64xf32>
    %stack3A_18 = tpu.concatenate %stack3A, %stack3A_17 in 0 : vector<1x1024x64xf32>, vector<1x1024x64xf32> -> vector<2x1024x64xf32>
    %swap3A = arith.constant 0 : index
    %swap3A_19 = arith.constant 0 : index
    %swap3A_20 = arith.constant 0 : index
    %swap3A_21 = vector.load %arg4[%swap3A, %swap3A_19, %swap3A_20] : memref<2x1024x64xf32, #tpu.memory_space<vmem>>, vector<2x1024x64xf32>
    tpu.vector_store %arg4[%swap3A, %swap3A_19, %swap3A_20], %stack3A_18 {strides = array<i32>} : memref<2x1024x64xf32, #tpu.memory_space<vmem>>, vector<2x1024x64xf32>,
    return
  }
  func.func @transform_0(%arg0: i32) -> (i32, i32) {
    %c0_i32 = arith.constant 0 : i32
    %c0_i32_0 = arith.constant 0 : i32
    return %arg0, %c0_i32 : i32, i32
  }
  func.func @transform_1(%arg0: i32) -> (i32, i32) {
    %c0_i32 = arith.constant 0 : i32
    %c0_i32_0 = arith.constant 0 : i32
    %c0_i32_1 = arith.constant 0 : i32
    return %c0_i32, %c0_i32_0 : i32, i32
  }
  func.func @transform_2(%arg0: i32) -> (i32, i32) {
    %c0_i32 = arith.constant 0 : i32
    %c0_i32_0 = arith.constant 0 : i32
    return %c0_i32, %arg0 : i32, i32
  }
  func.func @transform_3(%arg0: i32) -> (i32, i32, i32) {
    %c0_i32 = arith.constant 0 : i32
    %c0_i32_0 = arith.constant 0 : i32
    %c0_i32_1 = arith.constant 0 : i32
    return %c0_i32, %arg0, %c0_i32_0 : i32, i32, i32
  }
}

module attributes {stable_mosaic.version = 14 : i64} {
  func.func @_tc_mid_body(%arg0: i32, %arg1: memref<2x1024x64xf32, #tpu.memory_space<vmem>>, %arg2: memref<2x1024x64xf32, #tpu.memory_space<vmem>>, %arg3: memref<2x1024xf32, #tpu.memory_space<vmem>>, %arg4: memref<1x128xf32, #tpu.memory_space<vmem>>, %arg5: memref<128x64xf32, #tpu.memory_space<vmem>>, %arg6: memref<2x1024x32xf32, #tpu.memory_space<vmem>>) attributes {dimension_semantics = [#tpu.dimension_semantics<arbitrary>], iteration_bounds = array<i64: 10>, scalar_prefetch = 0 : i64, scratch_operands = 0 : i64, tpu.core_type = #tpu.core_type<tc>, window_params = [{transform_indices = @transform_0, window_bounds = array<i64: 2, 1024, 64>}, {transform_indices = @transform_1, window_bounds = array<i64: 2, 1024, 64>}, {transform_indices = @transform_2, window_bounds = array<i64: 2, 1024>}, {pipeline_mode = #tpu.pipeline_mode<synchronous>, transform_indices = @transform_3, window_bounds = array<i64: 1, 128>}, {pipeline_mode = #tpu.pipeline_mode<synchronous>, transform_indices = @transform_4, window_bounds = array<i64: 128, 64>}, {transform_indices = @transform_5, window_bounds = array<i64: 2, 1024, 32>}]} {
    %get3A = arith.constant 0 : index
    %get3A_0 = arith.constant 0 : index
    %get3A_1 = vector.load %arg3[%get3A, %get3A_0] : memref<2x1024xf32, #tpu.memory_space<vmem>>, vector<2x1024xf32>
    %slice3A = vector.extract_strided_slice %get3A_1 {offsets = [0, 0], sizes = [1, 1024], strides = [1, 1]} : vector<2x1024xf32> to vector<1x1024xf32>
    %squeeze3A = vector.shape_cast %slice3A : vector<1x1024xf32> to vector<1024xf32>
    %add3A = arith.constant 1.000000e+00 : f32
    %add3A_2 = vector.broadcast %add3A : f32 to vector<1024xf32>
    %add3A_3 = arith.addf %add3A_2, %squeeze3A : vector<1024xf32>
    %slice3A_4 = vector.extract_strided_slice %get3A_1 {offsets = [1, 0], sizes = [1, 1024], strides = [1, 1]} : vector<2x1024xf32> to vector<1x1024xf32>
    %squeeze3A_5 = vector.shape_cast %slice3A_4 : vector<1x1024xf32> to vector<1024xf32>
    %add3A_6 = arith.addf %add3A_3, %squeeze3A_5 : vector<1024xf32>
    %rsqrt3A = math.rsqrt %add3A_6 : vector<1024xf32>
    %broadcast_in_dim3A = vector.shape_cast %rsqrt3A : vector<1024xf32> to vector<1024x1xf32>
    %get3A_7 = arith.constant 0 : index
    %get3A_8 = arith.constant 0 : index
    %get3A_9 = arith.constant 0 : index
    %get3A_10 = vector.load %arg1[%get3A_7, %get3A_8, %get3A_9] : memref<2x1024x64xf32, #tpu.memory_space<vmem>>, vector<1x1024x64xf32>
    %get3A_11 = vector.shape_cast %get3A_10 : vector<1x1024x64xf32> to vector<1024x64xf32>
    %get3A_12 = arith.constant 0 : index
    %get3A_13 = arith.constant 0 : index
    %get3A_14 = arith.constant 0 : index
    %get3A_15 = vector.load %arg2[%get3A_12, %get3A_13, %get3A_14] : memref<2x1024x64xf32, #tpu.memory_space<vmem>>, vector<1x1024x64xf32>
    %get3A_16 = vector.shape_cast %get3A_15 : vector<1x1024x64xf32> to vector<1024x64xf32>
    %add3A_17 = arith.addf %get3A_11, %get3A_16 : vector<1024x64xf32>
    %get3A_18 = arith.constant 1 : index
    %get3A_19 = arith.constant 0 : index
    %get3A_20 = arith.constant 0 : index
    %get3A_21 = vector.load %arg1[%get3A_18, %get3A_19, %get3A_20] : memref<2x1024x64xf32, #tpu.memory_space<vmem>>, vector<1x1024x64xf32>
    %get3A_22 = vector.shape_cast %get3A_21 : vector<1x1024x64xf32> to vector<1024x64xf32>
    %get3A_23 = arith.constant 1 : index
    %get3A_24 = arith.constant 0 : index
    %get3A_25 = arith.constant 0 : index
    %get3A_26 = vector.load %arg2[%get3A_23, %get3A_24, %get3A_25] : memref<2x1024x64xf32, #tpu.memory_space<vmem>>, vector<1x1024x64xf32>
    %get3A_27 = vector.shape_cast %get3A_26 : vector<1x1024x64xf32> to vector<1024x64xf32>
    %add3A_28 = arith.addf %get3A_22, %get3A_27 : vector<1024x64xf32>
    %concatenate3A = tpu.concatenate %add3A_17, %add3A_28 in 1 : vector<1024x64xf32>, vector<1024x64xf32> -> vector<1024x128xf32>
    %mul3A = vector.broadcast %broadcast_in_dim3A : vector<1024x1xf32> to vector<1024x128xf32>
    %mul3A_29 = arith.mulf %mul3A, %concatenate3A : vector<1024x128xf32>
    %get3A_30 = arith.constant 0 : index
    %get3A_31 = arith.constant 0 : index
    %get3A_32 = vector.load %arg4[%get3A_30, %get3A_31] : memref<1x128xf32, #tpu.memory_space<vmem>>, vector<1x128xf32>
    %add3A_33 = vector.broadcast %get3A_32 : vector<1x128xf32> to vector<1024x128xf32>
    %add3A_34 = arith.addf %mul3A_29, %add3A_33 : vector<1024x128xf32>
    %max3A = arith.constant 0.000000e+00 : f32
    %max3A_35 = vector.broadcast %max3A : f32 to vector<1024x128xf32>
    %max3A_36 = arith.maximumf %add3A_34, %max3A_35 : vector<1024x128xf32>
    %get3A_37 = arith.constant 0 : index
    %get3A_38 = arith.constant 0 : index
    %get3A_39 = vector.load %arg5[%get3A_37, %get3A_38] : memref<128x64xf32, #tpu.memory_space<vmem>>, vector<128x64xf32>
    %dot_general3A = arith.constant dense<0.000000e+00> : vector<1024x64xf32>
    %dot_general3A_40 = tpu.matmul %max3A_36, %get3A_39, %dot_general3A {dimension_numbers = #tpu.dot_dimension_numbers<[1], [0], [0], [1], [0, 0, 1, 1], [], []>, transpose_lhs_hint = false} : vector<1024x128xf32>, vector<128x64xf32>, vector<1024x64xf32> -> vector<1024x64xf32>
    %mul3A_41 = vector.broadcast %broadcast_in_dim3A : vector<1024x1xf32> to vector<1024x64xf32>
    %mul3A_42 = arith.mulf %dot_general3A_40, %mul3A_41 : vector<1024x64xf32>
    %slice3A_43 = vector.extract_strided_slice %mul3A_42 {offsets = [0, 0], sizes = [1024, 32], strides = [1, 1]} : vector<1024x64xf32> to vector<1024x32xf32>
    %slice3A_44 = vector.extract_strided_slice %mul3A_42 {offsets = [0, 32], sizes = [1024, 32], strides = [1, 1]} : vector<1024x64xf32> to vector<1024x32xf32>
    %stack3A = vector.shape_cast %slice3A_43 : vector<1024x32xf32> to vector<1x1024x32xf32>
    %stack3A_45 = vector.shape_cast %slice3A_44 : vector<1024x32xf32> to vector<1x1024x32xf32>
    %stack3A_46 = tpu.concatenate %stack3A, %stack3A_45 in 0 : vector<1x1024x32xf32>, vector<1x1024x32xf32> -> vector<2x1024x32xf32>
    %swap3A = arith.constant 0 : index
    %swap3A_47 = arith.constant 0 : index
    %swap3A_48 = arith.constant 0 : index
    %swap3A_49 = vector.load %arg6[%swap3A, %swap3A_47, %swap3A_48] : memref<2x1024x32xf32, #tpu.memory_space<vmem>>, vector<2x1024x32xf32>
    tpu.vector_store %arg6[%swap3A, %swap3A_47, %swap3A_48], %stack3A_46 {strides = array<i32>} : memref<2x1024x32xf32, #tpu.memory_space<vmem>>, vector<2x1024x32xf32>,
    return
  }
  func.func @transform_0(%arg0: i32) -> (i32, i32, i32) {
    %c0_i32 = arith.constant 0 : i32
    %c0_i32_0 = arith.constant 0 : i32
    %c0_i32_1 = arith.constant 0 : i32
    return %c0_i32, %arg0, %c0_i32_0 : i32, i32, i32
  }
  func.func @transform_1(%arg0: i32) -> (i32, i32, i32) {
    %c0_i32 = arith.constant 0 : i32
    %c0_i32_0 = arith.constant 0 : i32
    %c0_i32_1 = arith.constant 0 : i32
    return %c0_i32, %arg0, %c0_i32_0 : i32, i32, i32
  }
  func.func @transform_2(%arg0: i32) -> (i32, i32) {
    %c0_i32 = arith.constant 0 : i32
    %c0_i32_0 = arith.constant 0 : i32
    return %c0_i32, %arg0 : i32, i32
  }
  func.func @transform_3(%arg0: i32) -> (i32, i32) {
    %c0_i32 = arith.constant 0 : i32
    %c0_i32_0 = arith.constant 0 : i32
    %c0_i32_1 = arith.constant 0 : i32
    return %c0_i32, %c0_i32_0 : i32, i32
  }
  func.func @transform_4(%arg0: i32) -> (i32, i32) {
    %c0_i32 = arith.constant 0 : i32
    %c0_i32_0 = arith.constant 0 : i32
    %c0_i32_1 = arith.constant 0 : i32
    return %c0_i32, %c0_i32_0 : i32, i32
  }
  func.func @transform_5(%arg0: i32) -> (i32, i32, i32) {
    %c0_i32 = arith.constant 0 : i32
    %c0_i32_0 = arith.constant 0 : i32
    %c0_i32_1 = arith.constant 0 : i32
    return %c0_i32, %arg0, %c0_i32_0 : i32, i32, i32
  }
}

module attributes {stable_mosaic.version = 14 : i64} {
  func.func @_tc_final_body(%arg0: i32, %arg1: memref<2x1000x32xf32, #tpu.memory_space<vmem>>, %arg2: memref<2x1000x32xf32, #tpu.memory_space<vmem>>, %arg3: memref<1000x2xf32, #tpu.memory_space<vmem>>, %arg4: memref<1x64xf32, #tpu.memory_space<vmem>>, %arg5: memref<1000x64xf32, #tpu.memory_space<vmem>>) attributes {dimension_semantics = [#tpu.dimension_semantics<arbitrary>], iteration_bounds = array<i64: 10>, scalar_prefetch = 0 : i64, scratch_operands = 0 : i64, tpu.core_type = #tpu.core_type<tc>, window_params = [{transform_indices = @transform_0, window_bounds = array<i64: 2, 1000, 32>}, {transform_indices = @transform_1, window_bounds = array<i64: 2, 1000, 32>}, {transform_indices = @transform_2, window_bounds = array<i64: 1000, 2>}, {pipeline_mode = #tpu.pipeline_mode<synchronous>, transform_indices = @transform_3, window_bounds = array<i64: 1, 64>}, {transform_indices = @transform_4, window_bounds = array<i64: 1000, 64>}]} {
    %get3A = arith.constant 0 : index
    %get3A_0 = arith.constant 0 : index
    %get3A_1 = vector.load %arg3[%get3A, %get3A_0] : memref<1000x2xf32, #tpu.memory_space<vmem>>, vector<1000x2xf32>
    %slice3A = vector.extract_strided_slice %get3A_1 {offsets = [0, 0], sizes = [1000, 1], strides = [1, 1]} : vector<1000x2xf32> to vector<1000x1xf32>
    %squeeze3A = vector.shape_cast %slice3A : vector<1000x1xf32> to vector<1000xf32>
    %add3A = arith.constant 1.000000e+00 : f32
    %add3A_2 = vector.broadcast %add3A : f32 to vector<1000xf32>
    %add3A_3 = arith.addf %add3A_2, %squeeze3A : vector<1000xf32>
    %slice3A_4 = vector.extract_strided_slice %get3A_1 {offsets = [0, 1], sizes = [1000, 1], strides = [1, 1]} : vector<1000x2xf32> to vector<1000x1xf32>
    %squeeze3A_5 = vector.shape_cast %slice3A_4 : vector<1000x1xf32> to vector<1000xf32>
    %add3A_6 = arith.addf %add3A_3, %squeeze3A_5 : vector<1000xf32>
    %rsqrt3A = math.rsqrt %add3A_6 : vector<1000xf32>
    %broadcast_in_dim3A = vector.shape_cast %rsqrt3A : vector<1000xf32> to vector<1000x1xf32>
    %get3A_7 = arith.constant 0 : index
    %get3A_8 = arith.constant 0 : index
    %get3A_9 = arith.constant 0 : index
    %get3A_10 = vector.load %arg1[%get3A_7, %get3A_8, %get3A_9] : memref<2x1000x32xf32, #tpu.memory_space<vmem>>, vector<1x1000x32xf32>
    %get3A_11 = vector.shape_cast %get3A_10 : vector<1x1000x32xf32> to vector<1000x32xf32>
    %get3A_12 = arith.constant 0 : index
    %get3A_13 = arith.constant 0 : index
    %get3A_14 = arith.constant 0 : index
    %get3A_15 = vector.load %arg2[%get3A_12, %get3A_13, %get3A_14] : memref<2x1000x32xf32, #tpu.memory_space<vmem>>, vector<1x1000x32xf32>
    %get3A_16 = vector.shape_cast %get3A_15 : vector<1x1000x32xf32> to vector<1000x32xf32>
    %add3A_17 = arith.addf %get3A_11, %get3A_16 : vector<1000x32xf32>
    %get3A_18 = arith.constant 1 : index
    %get3A_19 = arith.constant 0 : index
    %get3A_20 = arith.constant 0 : index
    %get3A_21 = vector.load %arg1[%get3A_18, %get3A_19, %get3A_20] : memref<2x1000x32xf32, #tpu.memory_space<vmem>>, vector<1x1000x32xf32>
    %get3A_22 = vector.shape_cast %get3A_21 : vector<1x1000x32xf32> to vector<1000x32xf32>
    %get3A_23 = arith.constant 1 : index
    %get3A_24 = arith.constant 0 : index
    %get3A_25 = arith.constant 0 : index
    %get3A_26 = vector.load %arg2[%get3A_23, %get3A_24, %get3A_25] : memref<2x1000x32xf32, #tpu.memory_space<vmem>>, vector<1x1000x32xf32>
    %get3A_27 = vector.shape_cast %get3A_26 : vector<1x1000x32xf32> to vector<1000x32xf32>
    %add3A_28 = arith.addf %get3A_22, %get3A_27 : vector<1000x32xf32>
    %concatenate3A = tpu.concatenate %add3A_17, %add3A_28 in 1 : vector<1000x32xf32>, vector<1000x32xf32> -> vector<1000x64xf32>
    %mul3A = vector.broadcast %broadcast_in_dim3A : vector<1000x1xf32> to vector<1000x64xf32>
    %mul3A_29 = arith.mulf %mul3A, %concatenate3A : vector<1000x64xf32>
    %get3A_30 = arith.constant 0 : index
    %get3A_31 = arith.constant 0 : index
    %get3A_32 = vector.load %arg4[%get3A_30, %get3A_31] : memref<1x64xf32, #tpu.memory_space<vmem>>, vector<1x64xf32>
    %add3A_33 = vector.broadcast %get3A_32 : vector<1x64xf32> to vector<1000x64xf32>
    %add3A_34 = arith.addf %mul3A_29, %add3A_33 : vector<1000x64xf32>
    %reduce_max3A = arith.constant dense<0xFF800000> : vector<1000xf32>
    %reduce_max3A_35 = vector.multi_reduction <maximumf>, %add3A_34, %reduce_max3A [1] : vector<1000x64xf32> to vector<1000xf32>
    %broadcast_in_dim3A_36 = vector.shape_cast %reduce_max3A_35 : vector<1000xf32> to vector<1000x1xf32>
    %sub3A = vector.broadcast %broadcast_in_dim3A_36 : vector<1000x1xf32> to vector<1000x64xf32>
    %sub3A_37 = arith.subf %add3A_34, %sub3A : vector<1000x64xf32>
    %exp3A = math.exp %sub3A_37 : vector<1000x64xf32>
    %sub3A_38 = vector.broadcast %broadcast_in_dim3A_36 : vector<1000x1xf32> to vector<1000x64xf32>
    %sub3A_39 = arith.subf %add3A_34, %sub3A_38 : vector<1000x64xf32>
    %reduce_sum3A = arith.constant dense<0.000000e+00> : vector<1000xf32>
    %reduce_sum3A_40 = vector.multi_reduction <add>, %exp3A, %reduce_sum3A [1] : vector<1000x64xf32> to vector<1000xf32>
    %broadcast_in_dim3A_41 = vector.shape_cast %reduce_sum3A_40 : vector<1000xf32> to vector<1000x1xf32>
    %log3A = math.log %broadcast_in_dim3A_41 : vector<1000x1xf32>
    %sub3A_42 = vector.broadcast %log3A : vector<1000x1xf32> to vector<1000x64xf32>
    %sub3A_43 = arith.subf %sub3A_39, %sub3A_42 : vector<1000x64xf32>
    %swap3A = arith.constant 0 : index
    %swap3A_44 = arith.constant 0 : index
    %swap3A_45 = vector.load %arg5[%swap3A, %swap3A_44] : memref<1000x64xf32, #tpu.memory_space<vmem>>, vector<1000x64xf32>
    tpu.vector_store %arg5[%swap3A, %swap3A_44], %sub3A_43 {strides = array<i32>} : memref<1000x64xf32, #tpu.memory_space<vmem>>, vector<1000x64xf32>,
    return
  }
  func.func @transform_0(%arg0: i32) -> (i32, i32, i32) {
    %c0_i32 = arith.constant 0 : i32
    %c0_i32_0 = arith.constant 0 : i32
    %c0_i32_1 = arith.constant 0 : i32
    return %c0_i32, %arg0, %c0_i32_0 : i32, i32, i32
  }
  func.func @transform_1(%arg0: i32) -> (i32, i32, i32) {
    %c0_i32 = arith.constant 0 : i32
    %c0_i32_0 = arith.constant 0 : i32
    %c0_i32_1 = arith.constant 0 : i32
    return %c0_i32, %arg0, %c0_i32_0 : i32, i32, i32
  }
  func.func @transform_2(%arg0: i32) -> (i32, i32) {
    %c0_i32 = arith.constant 0 : i32
    %c0_i32_0 = arith.constant 0 : i32
    return %arg0, %c0_i32 : i32, i32
  }
  func.func @transform_3(%arg0: i32) -> (i32, i32) {
    %c0_i32 = arith.constant 0 : i32
    %c0_i32_0 = arith.constant 0 : i32
    %c0_i32_1 = arith.constant 0 : i32
    return %c0_i32, %c0_i32_0 : i32, i32
  }
  func.func @transform_4(%arg0: i32) -> (i32, i32) {
    %c0_i32 = arith.constant 0 : i32
    %c0_i32_0 = arith.constant 0 : i32
    return %arg0, %c0_i32 : i32, i32
  }
}

</mosaic_0001>

<sc_bundles>
// kernel: kernel.11.cloned.1.call-start
scs
__scs_entry_jumppad:
0x0: {  	(pc) =	sbr.rel $0x88, $3  }
0x1: {  	(tag) =	ssettag $0x0;
	lr =	simm.s32 $0x1  }
0x2: {  	[smem:$0x3F9B] =	sst lr;
	_ =	strace $0xD0000000  }
0x3: {  	_ = 	snop  }
0x4: {  	_ = 	snop  }
0x5: {  	_ = 	snop  }
0x6: {  	_ = 	snop  }
0x7: {  	_ = 	snop  }
__scs_overlays_trampoline_lowered:
0x8: {  	[smem:$0x3FAA] =	sst s0  }
0x9: {  	[smem:$0x3FAB] =	sst s1  }
0xa: {  	[smem:$0x3FAC] =	sst s2  }
0xb: {  	[smem:$0x3FAD] =	sst s3  }
0xc: {  	[smem:$0x3FAE] =	sst s4  }
0xd: {  	[smem:$0x3FAF] =	sst s5  }
0xe: {  	[smem:$0x3FB0] =	sst s6  }
0xf: {  	[smem:$0x3FB1] =	sst s7  }
0x10: {  	[smem:$0x3FB2] =	sst s8  }
0x11: {  	[smem:$0x3FB3] =	sst s9;
	s0 =	simm.s32 @!p0 $0x0  }
0x12: {  	s1 =	sld [smem:$0x3F99];
	s0 =	simm.s32 @p0 $0x1  }
0x13: {  	[smem:$0x3FB4] =	sst s0;
	s0 =	simm.s32 @!p1 $0x0  }
0x14: {  	s2 =	sld [smem:$0x3F98];
	s0 =	simm.s32 @p1 $0x1  }
0x15: {  	[smem:$0x3FB5] =	sst s0;
	s0 =	simm.s32 @!p2 $0x0  }
0x16: {  	s3 =	sld [smem:$0x3FDB];
	s0 =	simm.s32 @p2 $0x1  }
0x17: {  	s4 =	simm.s32 $0x1BF5;
	[smem:$0x3FB7] =	sst s0  }
0x18: {  	s0 =	sld [smem:$0x3F9A];
	_ =	swait.ge [sflag:s4], $0x0  }
0x19: {  	s7 =	sld [smem:$0x3F9B]  }
0x1a: {  	s8 =	sadd.s32 $0xFFFFE003, lr  }
0x1b: {  	s9 =	sadd.s32 $0xFFFFFEF7, lr;
	s5 =	simm.s32 $0xFFFFFFFF;
	p2 =	slt.u32 s8, $0xFFFFF086  }
0x1c: {  	p1 =	slt.u32 s9, $0xF7A;
	s5 =	simm.s32 @!p2 $0x0  }
0x1d: {  	s5 =	simm.s32 @p1 $0x1;
	p0 =	seq.s32 s7, s2  }
0x1e: {  	s7 =	smul.u32 @!p0 $0xF7A, s2;
	p2 =	seq.s32 @!p0 s5, $0x0  }
0x1f: {  	s9 =	smul.u32 $0xF7A, s1;
	s8 =	simm.s32 @!p0 $0x1BF5;
	p2 =	por !p2, p0  }
0x20: {  	[sflag:s8] =	ssyncset.s32 @!p0 $0xFFFFF086;
	s6 =	sadd.s32 @!p0 s3, s7;
	s7 =	simm.s32 @!p0 $0x108  }
0x21: {  	s3 =	sadd.s32 s3, s9;
	s6 =	sadd.s32 @!p0 $0x88, s6;
	s7 =	simm.s32 @p2 $0x1082  }
0x22: {  	[simem:s7], [sflag:s8] =	dma.local @!p0 [hbm:s6], $0xF7A  }
0x23: {  	s9 =	sor.u32 $0xD0000000, s2;
	s6 =	simm.s32 $0x108;
	_ =	swait.ge @!p0 [sflag:s8], $0x0  }
0x24: {  	s3 =	sadd.s32 $0x88, s3;
	s6 =	simm.s32 @!p1 $0x1082;
	[sflag:s4] =	ssyncset.s32 $0xFFFFF086  }
0x25: {  	[simem:s6], [sflag:s4] =	dma.local [hbm:s3], $0xF7A  }
0x26: {  	[smem:$0x3F9B] =	sst s1;
	(tag) =	ssettag s2;
	_ =	strace s9  }
0x27: {  	s1 =	sld [smem:$0x3FAB]  }
0x28: {  	s2 =	sld [smem:$0x3FAC]  }
0x29: {  	s4 =	sld [smem:$0x3FAE]  }
0x2a: {  	p0 =	seq.s32 s5, $0x0;
	s5 =	sld [smem:$0x3FAF]  }
0x2b: {  	s6 =	sld [smem:$0x3FB0]  }
0x2c: {  	s7 =	sld [smem:$0x3FB1]  }
0x2d: {  	s3 =	simm.s32 $0x108;
	s8 =	sld [smem:$0x3FB2]  }
0x2e: {  	s3 =	simm.s32 @!p0 $0x1082;
	s9 =	sld [smem:$0x3FB3]  }
0x2f: {  	lr =	sadd.s32 s0, s3;
	s0 =	sld [smem:$0x3FAA]  }
0x30: {  	s3 =	sld [smem:$0x3FAD]  }
0x31: {  	[smem:$0x3FB6] =	sst s10  }
0x32: {  	s10 =	sld [smem:$0x3FB4];
	_ =	sdelay $0x3  }
0x33: {  	p0 =	seq.s32 s10, $0x1;
	s10 =	sld [smem:$0x3FB6];
	_ =	sdelay $0x3  }
0x34: {  	[smem:$0x3FB6] =	sst s10  }
0x35: {  	s10 =	sld [smem:$0x3FB5];
	_ =	sdelay $0x3  }
0x36: {  	p1 =	seq.s32 s10, $0x1;
	s10 =	sld [smem:$0x3FB6];
	_ =	sdelay $0x3  }
0x37: {  	[smem:$0x3FB6] =	sst s10  }
0x38: {  	s10 =	sld [smem:$0x3FB7]  }
0x39: {  	_ = 	snop;
	(pc) =	sbr.ind lr, $3  }
0x3a: {  	_ = 	snop  }
0x3b: {  	_ = 	snop  }
0x3c: {  	p2 =	seq.s32 s10, $0x1;
	s10 =	sld [smem:$0x3FB6]  }
0x3d: {  	_ =	shalt  }
0x3e: {  	_ =	shalt  }
0x3f: {  	_ =	shalt  }
0x40: {  	_ =	shalt  }
0x41: {  	_ =	shalt  }
0x42: {  	_ =	shalt  }
0x43: {  	_ =	shalt  }
0x44: {  	_ =	shalt  }
0x45: {  	_ =	shalt  }
0x46: {  	_ =	shalt  }
0x47: {  	_ =	shalt  }
0x48: {  	_ =	shalt  }
0x49: {  	_ =	shalt  }
0x4a: {  	_ =	shalt  }
0x4b: {  	_ =	shalt  }
0x4c: {  	_ =	shalt  }
0x4d: {  	_ =	shalt  }
0x4e: {  	_ =	shalt  }
0x4f: {  	_ =	shalt  }
0x50: {  	_ =	shalt  }
0x51: {  	_ =	shalt  }
0x52: {  	_ =	shalt  }
0x53: {  	_ =	shalt  }
0x54: {  	_ =	shalt  }
0x55: {  	_ =	shalt  }
0x56: {  	_ =	shalt  }
0x57: {  	_ =	shalt  }
0x58: {  	_ =	shalt  }
0x59: {  	_ =	shalt  }
0x5a: {  	_ =	shalt  }
0x5b: {  	_ =	shalt  }
0x5c: {  	_ =	shalt  }
0x5d: {  	_ =	shalt  }
0x5e: {  	_ =	shalt  }
0x5f: {  	_ =	shalt  }
0x60: {  	_ =	shalt  }
0x61: {  	_ =	shalt  }
0x62: {  	_ =	shalt  }
0x63: {  	_ =	shalt  }
0x64: {  	_ =	shalt  }
0x65: {  	_ =	shalt  }
0x66: {  	_ =	shalt  }
0x67: {  	_ =	shalt  }
0x68: {  	_ =	shalt  }
0x69: {  	_ =	shalt  }
0x6a: {  	_ =	shalt  }
0x6b: {  	_ =	shalt  }
0x6c: {  	_ =	shalt  }
0x6d: {  	_ =	shalt  }
0x6e: {  	_ =	shalt  }
0x6f: {  	_ =	shalt  }
0x70: {  	_ =	shalt  }
0x71: {  	_ =	shalt  }
0x72: {  	_ =	shalt  }
0x73: {  	_ =	shalt  }
0x74: {  	_ =	shalt  }
0x75: {  	_ =	shalt  }
0x76: {  	_ =	shalt  }
0x77: {  	_ =	shalt  }
0x78: {  	_ =	shalt  }
0x79: {  	_ =	shalt  }
0x7a: {  	_ =	shalt  }
0x7b: {  	_ =	shalt  }
0x7c: {  	_ =	shalt  }
0x7d: {  	_ =	shalt  }
0x7e: {  	_ =	shalt  }
0x7f: {  	_ =	shalt  }
0x80: {  	_ =	shalt  }
0x81: {  	_ =	shalt  }
0x82: {  	_ =	shalt  }
0x83: {  	_ =	shalt  }
0x84: {  	_ =	shalt  }
0x85: {  	_ =	shalt  }
0x86: {  	_ =	shalt  }
0x87: {  	_ =	shalt  }
.Lfunc_end0:
.L_simem_size_0:
called_computation.1_lowered:
.L_overlay_start_0:
0x88: {  	s2 =	sld [smem:$0x3FD9]  }
0x89: {  	s3 =	sld [smem:$0x3FFE];
	_ =	sdelay $0x1  }
0x8a: {  	s1 =	srdreg.scid  }
0x8b: {  	s0 =	sand.u32 $0x1, s1  }
0x8c: {  	s16 =	sshll.u32 s0, $0xA;
	s2 =	sadd.s32 s3, s2  }
0x8d: {  	s2 =	sadd.s32 s2, s16  }
0x8e: {  	[smem:$0x3FC2] =	sst s2  }
0x8f: {  	_ = 	snop  }
0x90: {  	(tm) =	ssettm $0x1  }
0x91: {  	s17 =	sld [smem:$0x3FFB];
	_ =	sdelay $0x3  }
0x92: {  	_ =	strace s17  }
0x93: {  	s2 =	sld [smem:$0x3FFC];
	_ =	sdelay $0x3  }
0x94: {  	_ =	strace s2  }
0x95: {  	s2 =	sld [smem:$0x3FFD];
	_ =	sdelay $0x3  }
0x96: {  	_ =	strace s2  }
0x97: {  	_ =	strace $0x8FFFFFFF  }
0x98: {  	s18 =	sld [smem:$0x3FDB];
	_ =	sdelay $0x1  }
0x99: {  	s19 =	simm.s32 $_scs_section_size  }
0x9a: {  	s4 =	simm.s32 $_size__tile_overlayer_lowered;
	s5 =	simm.s32 $_tile_overlayer_lowered  }
0x9b: {  	s22 =	simm.s32 $0x1BFF;
	s21 =	sshll.u32 s5, $0x1;
	s2 =	sadd.s32 s19, s18  }
0x9c: {  	s6 =	simm.s32 $0x0;
	s20 =	sshll.u32 s4, $0x1;
	s4 =	sadd.s32 s21, s2  }
0x9d: {  	[timem:s6], [sflag:s22] =	dma.local [hbm:s4], s20  }
0x9e: {  	_ =	swait.ge [sflag:s22], s20  }
0x9f: {  	s3 =	ssub.s32 $0x0, s20;
	[sflag:s22] =	ssyncset.done $0x0  }
0xa0: {  	[sflag:s22] =	ssyncadd.s32 s3;
	_ =	sdelay $0x1  }
0xa1: {  	s23 =	simm.s32 $0x1B8B  }
0xa2: {  	_ =	swait.ge [sflag:s23], $0x1  }
0xa3: {  	[sflag:s23] =	ssyncset.done $0x0  }
0xa4: {  	s25 =	simm.s32 $0x1B8E;
	s24 =	sld [smem:$0x3FFE];
	[sflag:s23] =	ssyncadd.s32 $0xFFFFFFFF  }
0xa5: {  	s26 =	simm.s32 $execute0_lowered;
	[smem:$0x3FD2] =	sst s25  }
0xa6: {  	s4 =	sshll.u32 s26, $0x1;
	_ =	strace $0x80000049;
	[dreg:$0x1] =	wrdreg $0xFFFFFFFF  }
0xa7: {  	s28 =	simm.s32 $_size_execute0_lowered;
	s2 =	sadd.s32 s2, s4;
	[dreg:$0x0] =	wrdreg $0x0  }
0xa8: {  	s4 =	sshll.u32 s28, $0x1;
	[dreg:$0x2] =	wrdreg s2  }
0xa9: {  	[dreg:$0x3] =	wrdreg s4  }
0xaa: {  	[dreg:$0x4] =	wrdreg $0xC0  }
0xab: {  	_ =	task [dreg:s6], $0x5FFFF  }
0xac: {  	[dreg:$0x1] =	wrdreg $0xFFFFFFFF  }
0xad: {  	[dreg:$0x0] =	wrdreg $0x60  }
0xae: {  	[dreg:$0x2] =	wrdreg s24  }
0xaf: {  	[dreg:$0x3] =	wrdreg $0x128000  }
0xb0: {  	[dreg:$0x4] =	wrdreg $0x9  }
0xb1: {  	_ =	task.clear_ibuf [dreg:s6], $0x5FFFF;
	_ =	strace $0x90000049  }
0xb2: {  	s29 =	simm.s32 $0x9;
	_ =	strace $0x8000004B  }
0xb3: {  	_ =	swait.ge [sflag:s29], $0x1  }
0xb4: {  	[sflag:s29] =	ssyncadd.s32 $0xFFFFFFFF  }
0xb5: {  	_ =	strace $0x9000004B  }
0xb6: {  	_ =	sfence  }
0xb7: {  	s30 =	sld [smem:$0x0];
	_ =	sdelay $0x2  }
0xb8: {  	s31 =	sshll.u32 s1, $0xD;
	s1 =	sshrl.u32 s1, $0x2  }
0xb9: {  	s3 =	sand.u32 $0x4000, s31;
	s1 =	sadd.s32 s1, s30  }
0xba: {  	s0 =	sor.u32 s3, s0;
	s1 =	sshll.u32 s1, $0x11  }
0xbb: {  	s0 =	sor.u32 s1, s0  }
0xbc: {  	s0 =	sadd.s32 $0x8F2B, s0  }
0xbd: {  	[sflag:s0] =	ssyncadd.remote.s32 $0x1  }
0xbe: {  	_ =	sfence.sel $0xFFFF  }
0xbf: {  	[dreg:$0x0] =	wrdreg $0xFFFFFFFF;
	(pc) =	sbr.abs _section_cstart, $3  }
0xc0: {  	[dreg:$0x1] =	wrdreg $0xFFFFFFFF  }
0xc1: {  	_ =	task.clear_ibuf [dreg:s6], $0x2FFFF;
	_ =	strace $0x9FFFFFFF  }
0xc2: {  	(tm) =	ssettm $0x7FFFFFFF  }
0xc3: {  	_ =	shalt  }
tec
execute0_lowered:
.L_overlay_start_1:
0x0: {  	(tag) =	ssettag $0x1  }
0x1: {  	s0 =	rddreg [dreg:$0x0];
	s1 =	srdreg.scid  }
0x2: {  	s2 =	rddreg [dreg:$0x1];
	s10 =	stileid.u32;
	s3 =	simm.s32 $0x0  }
0x3: {  	s12 =	simm.s32 $0x9;
	s14 =	simm.s32 $0x80;
	s15 =	simm.s32 $0xA800  }
0x4: {  	s16 =	simm.s32 $0xC800;
	s18 =	simm.s32 $0xE800;
	s20 =	simm.s32 $0x10800  }
0x5: {  	s21 =	simm.s32 $0x1;
	s22 =	simm.s32 $0x2;
	s23 =	simm.s32 $0x3  }
0x6: {  	s24 =	simm.s32 $0x4;
	s28 =	simm.s32 $0x7;
	s29 =	simm.s32 $0x8  }
0x7: {  	s30 =	simm.s32 $0x5380;
	s13 =	simm.s32 $0xA780;
	s5 =	smul.u32 $0xA80, s10  }
0x8: {  	s17 =	simm.s32 $0x0;
	s1 =	sand.u32 $0x1, s1;
	s7 =	smul.u32 $0xA000, s10  }
0x9: {  	[smem:$0x7FF] =	sst s3;
	s31 =	sshll.u32 s10, $0x6;
	s4 =	smul.u32 $0xA0000, s1  }
0xa: {  	_ =	strace $0x8000004A;
	s1 =	ssub.s32 $0x2, s1;
	s9 =	sadd.s32 s5, s0  }
0xb: {  	s25 =	sshrl.u32 s7, $0x3;
	s26 =	sshrl.u32 s1, $0x1;
	s11 =	sadd.s32 s7, s2  }
0xc: {  	s6 =	sshrl.u32 s4, $0x3;
	s4 =	sadd.s32 s7, s4;
	s5 =	sadd.s32 s25, s0  }
0xd: {  	s1 =	ssub.s32 s1, s26;
	s7 =	sadd.s32 $0xC600, s9;
	s11 =	sshrl.u32 s11, $0x3  }
0xe: {  	s25 =	simm.s32 $0x5;
	s26 =	simm.s32 $0x6;
	s8 =	sadd.s32 s6, s0  }
0xf: {  	s4 =	sshrl.u32 s4, $0x3;
	s6 =	sadd.s32 $0x1E00, s9;
	s10 =	smax.u32 s1, $0x1  }
0x10: {  	s1 =	simm.s32 $0xA700;
	s0 =	sadd.s32 s4, s0;
	s4 =	sadd.s32 $0x8EE00, s5  }
0x11: {  	s5 =	sor.u32 $0x1C09, s31;
	s8 =	sadd.s32 $0x66E00, s8;
	s9 =	sadd.s32 $0xA2E00, s0  }
.LBB2_1:
0x12: {  	[spmem:s11], [sflag:s5] =	dma.local [hbm:s4], $0x1400  }
0x13: {  	_ =	swait.ge [sflag:s12], $0x1400  }
0x14: {  	[sflag:s12] =	ssyncset.done $0x0  }
0x15: {  	[sflag:s12] =	ssyncadd.s32 $0xFFFFEC00  }
0x16: {  	[tilespmem:s3], [sflag:$0x9] =	stream.linear.gather [hbm4b:s6+s3], $0x5400, $0x38;
	[tilespmem:$0x1C800] =	vst v63  }
0x17: {  	_ =	swait.ge [sflag:s12], $0x5400  }
0x18: {  	[sflag:s12] =	ssyncset.done $0x0  }
0x19: {  	s0 =	simm.s32 $0x5400;
	[sflag:s12] =	ssyncadd.s32 $0xFFFFAC00  }
0x1a: {  	[tilespmem:s0], [sflag:$0x9] =	stream.linear.gather [hbm4b:s7+s3], $0x5400, $0x38;
	[tilespmem:$0x1C800] =	vst v63  }
0x1b: {  	_ =	swait.ge [sflag:s12], $0x5400  }
0x1c: {  	[sflag:s12] =	ssyncset.done $0x0  }
0x1d: {  	[sflag:s12] =	ssyncadd.s32 $0xFFFFAC00  }
0x1e: {  	[bflag:$0x0] =	sbarrier.arrive $0xFFFF  }
0x1f: {  	[tilespmem:s15], [sflag:$0x1] =	stream.indirect.gather [hbm4b:s8+s14], $0x40, s3, s14, $0xb8;
	[tilespmem:$0x1C800] =	vst v63  }
0x20: {  	_ = 	snop  }
0x21: {  	[tilespmem:s16], [sflag:$0x2] =	stream.indirect.gather [hbm4b:s8+s14], $0x40, s14, s14, $0xb8;
	[tilespmem:$0x1C800] =	vst v63  }
0x22: {  	s19 =	simm.s32 $0x100  }
0x23: {  	[tilespmem:s18], [sflag:$0x3] =	stream.indirect.gather [hbm4b:s8+s14], $0x40, s19, s14, $0xb8;
	[tilespmem:$0x1C800] =	vst v63  }
0x24: {  	s19 =	simm.s32 $0x180  }
0x25: {  	[tilespmem:s20], [sflag:$0x4] =	stream.indirect.gather [hbm4b:s8+s14], $0x40, s19, s14, $0xb8;
	[tilespmem:$0x1C800] =	vst v63  }
0x26: {  	_ =	swait.ge [sflag:s21], $0x2000  }
0x27: {  	[sflag:s21] =	ssyncset.done $0x0  }
0x28: {  	s19 =	simm.s32 $0x5400;
	[sflag:s21] =	ssyncadd.s32 $0xFFFFE000  }
0x29: {  	[spmem:s2] =	stream.indirect.scatter.add.f32 [tilespmem:s15], [sflag:$0x5], $0x40, s19, s14, $0xb8;
	[tilespmem:$0x1C800] =	vst v63  }
0x2a: {  	_ =	swait.ge [sflag:s22], $0x2000  }
0x2b: {  	[sflag:s22] =	ssyncset.done $0x0  }
0x2c: {  	s0 =	simm.s32 $0x5480;
	[sflag:s22] =	ssyncadd.s32 $0xFFFFE000  }
0x2d: {  	[spmem:s2] =	stream.indirect.scatter.add.f32 [tilespmem:s16], [sflag:$0x6], $0x40, s0, s14, $0xb8;
	[tilespmem:$0x1C800] =	vst v63  }
0x2e: {  	_ =	swait.ge [sflag:s23], $0x2000  }
0x2f: {  	[sflag:s23] =	ssyncset.done $0x0  }
0x30: {  	s0 =	simm.s32 $0x5500;
	[sflag:s23] =	ssyncadd.s32 $0xFFFFE000  }
0x31: {  	[spmem:s2] =	stream.indirect.scatter.add.f32 [tilespmem:s18], [sflag:$0x7], $0x40, s0, s14, $0xb8;
	[tilespmem:$0x1C800] =	vst v63  }
0x32: {  	_ =	swait.ge [sflag:s24], $0x2000  }
0x33: {  	[sflag:s24] =	ssyncset.done $0x0  }
0x34: {  	s0 =	simm.s32 $0x5580;
	[sflag:s24] =	ssyncadd.s32 $0xFFFFE000  }
0x35: {  	[spmem:s2] =	stream.indirect.scatter.add.f32 [tilespmem:s20], [sflag:$0x8], $0x40, s0, s14, $0xb8;
	[tilespmem:$0x1C800] =	vst v63  }
0x36: {  	_ =	swait.ge [sflag:s25], $0x2000  }
0x37: {  	[sflag:s25] =	ssyncset.done $0x0  }
0x38: {  	s0 =	simm.s32 $0x200;
	[sflag:s25] =	ssyncadd.s32 $0xFFFFE000  }
0x39: {  	[tilespmem:s15], [sflag:$0x1] =	stream.indirect.gather [hbm4b:s8+s14], $0x40, s0, s14, $0xb8;
	[tilespmem:$0x1C800] =	vst v63  }
0x3a: {  	_ =	swait.ge [sflag:s26], $0x2000  }
0x3b: {  	[sflag:s26] =	ssyncset.done $0x0  }
0x3c: {  	s0 =	simm.s32 $0x280;
	[sflag:s26] =	ssyncadd.s32 $0xFFFFE000  }
0x3d: {  	[tilespmem:s16], [sflag:$0x2] =	stream.indirect.gather [hbm4b:s8+s14], $0x40, s0, s14, $0xb8;
	[tilespmem:$0x1C800] =	vst v63  }
0x3e: {  	_ =	swait.ge [sflag:s28], $0x2000  }
0x3f: {  	[sflag:s28] =	ssyncset.done $0x0  }
0x40: {  	s0 =	simm.s32 $0x300;
	[sflag:s28] =	ssyncadd.s32 $0xFFFFE000  }
0x41: {  	[tilespmem:s18], [sflag:$0x3] =	stream.indirect.gather [hbm4b:s8+s14], $0x40, s0, s14, $0xb8;
	[tilespmem:$0x1C800] =	vst v63  }
0x42: {  	_ =	swait.ge [sflag:s29], $0x2000  }
0x43: {  	[sflag:s29] =	ssyncset.done $0x0  }
0x44: {  	s31 =	simm.s32 $0x380;
	s19 =	simm.s32 $0x800;
	[sflag:s29] =	ssyncadd.s32 $0xFFFFE000  }
.LBB2_2:
0x45: {  	[tilespmem:s20], [sflag:$0x4] =	stream.indirect.gather [hbm4b:s8+s14], $0x40, s31, s14, $0xb8;
	[tilespmem:$0x1C800] =	vst v63  }
0x46: {  	s31 =	smov.u32 s19  }
0x47: {  	p0 =	sne.s32 s19, $0x13800;
	s19 =	sadd.s32 $0x800, s19;
	_ =	swait.ge [sflag:s21], $0x2000  }
0x48: {  	s31 =	sshra.s32 s31, $0x2;
	[sflag:s21] =	ssyncset.done $0x0  }
0x49: {  	s0 =	sadd.s32 $0x5400, s31;
	[sflag:s21] =	ssyncadd.s32 $0xFFFFE000  }
0x4a: {  	[spmem:s2] =	stream.indirect.scatter.add.f32 [tilespmem:s15], [sflag:$0x5], $0x40, s0, s14, $0xb8;
	[tilespmem:$0x1C800] =	vst v63  }
0x4b: {  	_ =	swait.ge [sflag:s22], $0x2000  }
0x4c: {  	[sflag:s22] =	ssyncset.done $0x0  }
0x4d: {  	s0 =	sadd.s32 $0x5480, s31;
	[sflag:s22] =	ssyncadd.s32 $0xFFFFE000  }
0x4e: {  	[spmem:s2] =	stream.indirect.scatter.add.f32 [tilespmem:s16], [sflag:$0x6], $0x40, s0, s14, $0xb8;
	[tilespmem:$0x1C800] =	vst v63  }
0x4f: {  	_ =	swait.ge [sflag:s23], $0x2000  }
0x50: {  	[sflag:s23] =	ssyncset.done $0x0  }
0x51: {  	s0 =	sadd.s32 $0x5500, s31;
	[sflag:s23] =	ssyncadd.s32 $0xFFFFE000  }
0x52: {  	[spmem:s2] =	stream.indirect.scatter.add.f32 [tilespmem:s18], [sflag:$0x7], $0x40, s0, s14, $0xb8;
	[tilespmem:$0x1C800] =	vst v63  }
0x53: {  	_ =	swait.ge [sflag:s24], $0x2000  }
0x54: {  	[sflag:s24] =	ssyncset.done $0x0  }
0x55: {  	s0 =	sadd.s32 $0x5580, s31;
	[sflag:s24] =	ssyncadd.s32 $0xFFFFE000  }
0x56: {  	[spmem:s2] =	stream.indirect.scatter.add.f32 [tilespmem:s20], [sflag:$0x8], $0x40, s0, s14, $0xb8;
	[tilespmem:$0x1C800] =	vst v63  }
0x57: {  	_ =	swait.ge [sflag:s25], $0x2000  }
0x58: {  	[sflag:s25] =	ssyncset.done $0x0  }
0x59: {  	s0 =	sadd.s32 $0x200, s31;
	[sflag:s25] =	ssyncadd.s32 $0xFFFFE000  }
0x5a: {  	[tilespmem:s15], [sflag:$0x1] =	stream.indirect.gather [hbm4b:s8+s14], $0x40, s0, s14, $0xb8;
	[tilespmem:$0x1C800] =	vst v63  }
0x5b: {  	_ =	swait.ge [sflag:s26], $0x2000  }
0x5c: {  	[sflag:s26] =	ssyncset.done $0x0  }
0x5d: {  	s0 =	sadd.s32 $0x280, s31;
	[sflag:s26] =	ssyncadd.s32 $0xFFFFE000  }
0x5e: {  	[tilespmem:s16], [sflag:$0x2] =	stream.indirect.gather [hbm4b:s8+s14], $0x40, s0, s14, $0xb8;
	[tilespmem:$0x1C800] =	vst v63  }
0x5f: {  	_ =	swait.ge [sflag:s28], $0x2000  }
0x60: {  	[sflag:s28] =	ssyncset.done $0x0  }
.Ltmp0:
0x61: {  	s0 =	sadd.s32 $0x300, s31;
	[sflag:s28] =	ssyncadd.s32 $0xFFFFE000;
	(pc) =	sbr.rel @p0 .LBB2_2-.Ltmp0, $4  }
0x62: {  	[tilespmem:s18], [sflag:$0x3] =	stream.indirect.gather [hbm4b:s8+s14], $0x40, s0, s14, $0xb8;
	[tilespmem:$0x1C800] =	vst v63  }
0x63: {  	_ =	swait.ge [sflag:s29], $0x2000  }
0x64: {  	[sflag:s29] =	ssyncset.done $0x0  }
0x65: {  	s31 =	sadd.s32 $0x380, s31;
	[sflag:s29] =	ssyncadd.s32 $0xFFFFE000  }
0x66: {  	[tilespmem:s20], [sflag:$0x4] =	stream.indirect.gather [hbm4b:s8+s14], $0x40, s31, s14, $0xb8;
	[tilespmem:$0x1C800] =	vst v63  }
0x67: {  	_ =	swait.ge [sflag:s21], $0x2000  }
0x68: {  	[sflag:s21] =	ssyncset.done $0x0  }
0x69: {  	s0 =	simm.s32 $0xA400;
	[sflag:s21] =	ssyncadd.s32 $0xFFFFE000  }
0x6a: {  	[spmem:s2] =	stream.indirect.scatter.add.f32 [tilespmem:s15], [sflag:$0x5], $0x40, s0, s14, $0xb8;
	[tilespmem:$0x1C800] =	vst v63  }
0x6b: {  	_ =	swait.ge [sflag:s22], $0x2000  }
0x6c: {  	[sflag:s22] =	ssyncset.done $0x0  }
0x6d: {  	s19 =	simm.s32 $0xA480;
	[sflag:s22] =	ssyncadd.s32 $0xFFFFE000  }
0x6e: {  	[spmem:s2] =	stream.indirect.scatter.add.f32 [tilespmem:s16], [sflag:$0x6], $0x40, s19, s14, $0xb8;
	[tilespmem:$0x1C800] =	vst v63  }
0x6f: {  	_ =	swait.ge [sflag:s23], $0x2000  }
0x70: {  	[sflag:s23] =	ssyncset.done $0x0  }
0x71: {  	s31 =	simm.s32 $0xA500;
	[sflag:s23] =	ssyncadd.s32 $0xFFFFE000  }
0x72: {  	[spmem:s2] =	stream.indirect.scatter.add.f32 [tilespmem:s18], [sflag:$0x7], $0x40, s31, s14, $0xb8;
	[tilespmem:$0x1C800] =	vst v63  }
0x73: {  	_ =	swait.ge [sflag:s24], $0x2000  }
0x74: {  	[sflag:s24] =	ssyncset.done $0x0  }
0x75: {  	s19 =	simm.s32 $0xA580;
	[sflag:s24] =	ssyncadd.s32 $0xFFFFE000  }
0x76: {  	[spmem:s2] =	stream.indirect.scatter.add.f32 [tilespmem:s20], [sflag:$0x8], $0x40, s19, s14, $0xb8;
	[tilespmem:$0x1C800] =	vst v63  }
0x77: {  	_ =	swait.ge [sflag:s25], $0x2000  }
0x78: {  	[sflag:s25] =	ssyncset.done $0x0  }
0x79: {  	s31 =	simm.s32 $0x5200;
	[sflag:s25] =	ssyncadd.s32 $0xFFFFE000  }
0x7a: {  	[tilespmem:s15], [sflag:$0x1] =	stream.indirect.gather [hbm4b:s8+s14], $0x40, s31, s14, $0xb8;
	[tilespmem:$0x1C800] =	vst v63  }
0x7b: {  	_ =	swait.ge [sflag:s26], $0x2000  }
0x7c: {  	[sflag:s26] =	ssyncset.done $0x0  }
0x7d: {  	s19 =	simm.s32 $0x5280;
	[sflag:s26] =	ssyncadd.s32 $0xFFFFE000  }
0x7e: {  	[tilespmem:s16], [sflag:$0x2] =	stream.indirect.gather [hbm4b:s8+s14], $0x40, s19, s14, $0xb8;
	[tilespmem:$0x1C800] =	vst v63  }
0x7f: {  	_ =	swait.ge [sflag:s28], $0x2000  }
0x80: {  	[sflag:s28] =	ssyncset.done $0x0  }
0x81: {  	s31 =	simm.s32 $0x5300;
	[sflag:s28] =	ssyncadd.s32 $0xFFFFE000  }
0x82: {  	[tilespmem:s18], [sflag:$0x3] =	stream.indirect.gather [hbm4b:s8+s14], $0x40, s31, s14, $0xb8;
	[tilespmem:$0x1C800] =	vst v63  }
0x83: {  	_ =	swait.ge [sflag:s29], $0x2000  }
0x84: {  	[sflag:s29] =	ssyncset.done $0x0  }
0x85: {  	[sflag:s29] =	ssyncadd.s32 $0xFFFFE000  }
0x86: {  	[tilespmem:s20], [sflag:$0x4] =	stream.indirect.gather [hbm4b:s8+s14], $0x40, s30, s14, $0xb8;
	[tilespmem:$0x1C800] =	vst v63  }
0x87: {  	_ =	swait.ge [sflag:s21], $0x2000  }
0x88: {  	[sflag:s21] =	ssyncset.done $0x0  }
0x89: {  	s19 =	simm.s32 $0xA600;
	[sflag:s21] =	ssyncadd.s32 $0xFFFFE000  }
0x8a: {  	[spmem:s2] =	stream.indirect.scatter.add.f32 [tilespmem:s15], [sflag:$0x5], $0x40, s19, s14, $0xb8;
	[tilespmem:$0x1C800] =	vst v63  }
0x8b: {  	_ =	swait.ge [sflag:s22], $0x2000  }
0x8c: {  	[sflag:s22] =	ssyncset.done $0x0  }
0x8d: {  	s31 =	simm.s32 $0xA680;
	[sflag:s22] =	ssyncadd.s32 $0xFFFFE000  }
0x8e: {  	[spmem:s2] =	stream.indirect.scatter.add.f32 [tilespmem:s16], [sflag:$0x6], $0x40, s31, s14, $0xb8;
	[tilespmem:$0x1C800] =	vst v63  }
0x8f: {  	_ =	swait.ge [sflag:s23], $0x2000  }
0x90: {  	[sflag:s23] =	ssyncset.done $0x0  }
0x91: {  	[sflag:s23] =	ssyncadd.s32 $0xFFFFE000  }
0x92: {  	[spmem:s2] =	stream.indirect.scatter.add.f32 [tilespmem:s18], [sflag:$0x7], $0x40, s1, s14, $0xb8;
	[tilespmem:$0x1C800] =	vst v63  }
0x93: {  	_ =	swait.ge [sflag:s24], $0x2000  }
0x94: {  	[sflag:s24] =	ssyncset.done $0x0  }
0x95: {  	[sflag:s24] =	ssyncadd.s32 $0xFFFFE000  }
0x96: {  	[spmem:s2] =	stream.indirect.scatter.add.f32 [tilespmem:s20], [sflag:$0x8], $0x40, s13, s14, $0xb8;
	[tilespmem:$0x1C800] =	vst v63  }
0x97: {  	_ =	swait.ge [sflag:s25], $0x2000  }
0x98: {  	[sflag:s25] =	ssyncset.done $0x0  }
0x99: {  	[sflag:s25] =	ssyncadd.s32 $0xFFFFE000  }
0x9a: {  	[tilespmem:s15], [sflag:$0x1] =	stream.indirect.gather [hbm4b:s8+s14], $0x40, s30, s14, $0xb8;
	[tilespmem:$0x1C800] =	vst v63  }
0x9b: {  	_ =	swait.ge [sflag:s26], $0x2000  }
0x9c: {  	[sflag:s26] =	ssyncset.done $0x0  }
0x9d: {  	[sflag:s26] =	ssyncadd.s32 $0xFFFFE000  }
0x9e: {  	[tilespmem:s16], [sflag:$0x2] =	stream.indirect.gather [hbm4b:s8+s14], $0x40, s30, s14, $0xb8;
	[tilespmem:$0x1C800] =	vst v63  }
0x9f: {  	_ =	swait.ge [sflag:s28], $0x2000  }
0xa0: {  	[sflag:s28] =	ssyncset.done $0x0  }
0xa1: {  	[sflag:s28] =	ssyncadd.s32 $0xFFFFE000  }
0xa2: {  	[tilespmem:s18], [sflag:$0x3] =	stream.indirect.gather [hbm4b:s8+s14], $0x40, s30, s14, $0xb8;
	[tilespmem:$0x1C800] =	vst v63  }
0xa3: {  	_ =	swait.ge [sflag:s29], $0x2000  }
0xa4: {  	[sflag:s29] =	ssyncset.done $0x0  }
0xa5: {  	[sflag:s29] =	ssyncadd.s32 $0xFFFFE000  }
0xa6: {  	[tilespmem:s20], [sflag:$0x4] =	stream.indirect.gather [hbm4b:s8+s14], $0x40, s30, s14, $0xb8;
	[tilespmem:$0x1C800] =	vst v63  }
0xa7: {  	_ =	swait.ge [sflag:s21], $0x2000  }
0xa8: {  	[sflag:s21] =	ssyncset.done $0x0  }
0xa9: {  	[sflag:s21] =	ssyncadd.s32 $0xFFFFE000  }
0xaa: {  	_ =	swait.ge [sflag:s22], $0x2000  }
0xab: {  	[sflag:s22] =	ssyncset.done $0x0  }
0xac: {  	[sflag:s22] =	ssyncadd.s32 $0xFFFFE000  }
0xad: {  	_ =	swait.ge [sflag:s23], $0x2000  }
0xae: {  	[sflag:s23] =	ssyncset.done $0x0  }
0xaf: {  	[sflag:s23] =	ssyncadd.s32 $0xFFFFE000  }
0xb0: {  	_ =	swait.ge [sflag:s24], $0x2000  }
0xb1: {  	s17 =	sadd.s32 $0x1, s17;
	[sflag:s24] =	ssyncset.done $0x0  }
0xb2: {  	p0 =	sne.s32 s17, s10;
	[sflag:s24] =	ssyncadd.s32 $0xFFFFE000  }
.Ltmp1:
0xb3: {  	[bflag:$0x0] =	sbarrier.arrive $0xFFFF;
	(pc) =	sbr.rel @p0 .LBB2_1-.Ltmp1, $4  }
0xb4: {  	[hbm:s9], [sflag:s5] =	dma.local [spmem:s11], $0x1400  }
0xb5: {  	_ =	swait.ge [sflag:s12], $0x1400  }
0xb6: {  	[sflag:s12] =	ssyncset.done $0x0  }
0xb7: {  	[sflag:s12] =	ssyncadd.s32 $0xFFFFEC00  }
0xb8: {  	_ =	sfence.sel $0x180000  }
0xb9: {  	[bflag:$0x0] =	sbarrier.arrive $0xFFFF  }
0xba: {  	_ =	strace $0x9000004A  }
0xbb: {  	s0 =	stileid.u32;
	[bflag:$0x2] =	sbarrier.arrive $0xFFFF  }
0xbc: {  	p0 =	sne.s32 s0, $0x0;
	s0 =	rddreg [dreg:$0x2]  }
0xbd: {  	s0 =	sadd.s32 @!p0 $0x100000, s0  }
0xbe: {  	[sflag:s0] =	ssyncadd.tile.s32 @!p0 $0x1;
	_ =	shalt  }
.Lfunc_end2:
_tile_overlayer_lowered:
.L_overlay_start_2:
0xbf: {  	(tag) =	ssettag $0x2  }
0xc0: {  	s0 =	rddreg [dreg:$0x0];
	s2 =	stileid.u32  }
0xc1: {  	s1 =	rddreg [dreg:$0x1];
	p0 =	sne.s32 s2, $0x0  }
0xc2: {  	s3 =	rddreg [dreg:$0x2];
	[bflag:$0x3] =	sbarrier.arrive $0xFFFF;
	s2 =	simm.s32 @!p0 $0x1C09  }
0xc3: {  	[timem:s3], [sflag:s2] =	dma.local @!p0 [hbm:s0], s1  }
0xc4: {  	s0 =	simm.s32 @!p0 $0x9  }
0xc5: {  	_ =	swait.ge @!p0 [sflag:s0], s1  }
0xc6: {  	s1 =	ssub.s32 @!p0 $0x0, s1;
	[sflag:s0] =	ssyncset.done @!p0 $0x0  }
0xc7: {  	[sflag:s0] =	ssyncadd.s32 @!p0 s1  }
0xc8: {  	[bflag:$0x3] =	sbarrier.arrive $0xFFFF  }
0xc9: {  	_ =	shalt  }

// kernel: kernel.14.cloned.1.call-start
scs
__scs_entry_jumppad:
0x0: {  	(pc) =	sbr.rel $0x88, $3  }
0x1: {  	(tag) =	ssettag $0x0;
	lr =	simm.s32 $0x1  }
0x2: {  	[smem:$0x3F9B] =	sst lr;
	_ =	strace $0xD0000000  }
0x3: {  	_ = 	snop  }
0x4: {  	_ = 	snop  }
0x5: {  	_ = 	snop  }
0x6: {  	_ = 	snop  }
0x7: {  	_ = 	snop  }
__scs_overlays_trampoline_lowered:
0x8: {  	[smem:$0x3FAA] =	sst s0  }
0x9: {  	[smem:$0x3FAB] =	sst s1  }
0xa: {  	[smem:$0x3FAC] =	sst s2  }
0xb: {  	[smem:$0x3FAD] =	sst s3  }
0xc: {  	[smem:$0x3FAE] =	sst s4  }
0xd: {  	[smem:$0x3FAF] =	sst s5  }
0xe: {  	[smem:$0x3FB0] =	sst s6  }
0xf: {  	[smem:$0x3FB1] =	sst s7  }
0x10: {  	[smem:$0x3FB2] =	sst s8  }
0x11: {  	[smem:$0x3FB3] =	sst s9;
	s0 =	simm.s32 @!p0 $0x0  }
0x12: {  	s1 =	sld [smem:$0x3F99];
	s0 =	simm.s32 @p0 $0x1  }
0x13: {  	[smem:$0x3FB4] =	sst s0;
	s0 =	simm.s32 @!p1 $0x0  }
0x14: {  	s2 =	sld [smem:$0x3F98];
	s0 =	simm.s32 @p1 $0x1  }
0x15: {  	[smem:$0x3FB5] =	sst s0;
	s0 =	simm.s32 @!p2 $0x0  }
0x16: {  	s3 =	sld [smem:$0x3FDB];
	s0 =	simm.s32 @p2 $0x1  }
0x17: {  	s4 =	simm.s32 $0x1BF5;
	[smem:$0x3FB7] =	sst s0  }
0x18: {  	s0 =	sld [smem:$0x3F9A];
	_ =	swait.ge [sflag:s4], $0x0  }
0x19: {  	s7 =	sld [smem:$0x3F9B]  }
0x1a: {  	s8 =	sadd.s32 $0xFFFFE003, lr  }
0x1b: {  	s9 =	sadd.s32 $0xFFFFFEF7, lr;
	s5 =	simm.s32 $0xFFFFFFFF;
	p2 =	slt.u32 s8, $0xFFFFF086  }
0x1c: {  	p1 =	slt.u32 s9, $0xF7A;
	s5 =	simm.s32 @!p2 $0x0  }
0x1d: {  	s5 =	simm.s32 @p1 $0x1;
	p0 =	seq.s32 s7, s2  }
0x1e: {  	s7 =	smul.u32 @!p0 $0xF7A, s2;
	p2 =	seq.s32 @!p0 s5, $0x0  }
0x1f: {  	s9 =	smul.u32 $0xF7A, s1;
	s8 =	simm.s32 @!p0 $0x1BF5;
	p2 =	por !p2, p0  }
0x20: {  	[sflag:s8] =	ssyncset.s32 @!p0 $0xFFFFF086;
	s6 =	sadd.s32 @!p0 s3, s7;
	s7 =	simm.s32 @!p0 $0x108  }
0x21: {  	s3 =	sadd.s32 s3, s9;
	s6 =	sadd.s32 @!p0 $0x88, s6;
	s7 =	simm.s32 @p2 $0x1082  }
0x22: {  	[simem:s7], [sflag:s8] =	dma.local @!p0 [hbm:s6], $0xF7A  }
0x23: {  	s9 =	sor.u32 $0xD0000000, s2;
	s6 =	simm.s32 $0x108;
	_ =	swait.ge @!p0 [sflag:s8], $0x0  }
0x24: {  	s3 =	sadd.s32 $0x88, s3;
	s6 =	simm.s32 @!p1 $0x1082;
	[sflag:s4] =	ssyncset.s32 $0xFFFFF086  }
0x25: {  	[simem:s6], [sflag:s4] =	dma.local [hbm:s3], $0xF7A  }
0x26: {  	[smem:$0x3F9B] =	sst s1;
	(tag) =	ssettag s2;
	_ =	strace s9  }
0x27: {  	s1 =	sld [smem:$0x3FAB]  }
0x28: {  	s2 =	sld [smem:$0x3FAC]  }
0x29: {  	s4 =	sld [smem:$0x3FAE]  }
0x2a: {  	p0 =	seq.s32 s5, $0x0;
	s5 =	sld [smem:$0x3FAF]  }
0x2b: {  	s6 =	sld [smem:$0x3FB0]  }
0x2c: {  	s7 =	sld [smem:$0x3FB1]  }
0x2d: {  	s3 =	simm.s32 $0x108;
	s8 =	sld [smem:$0x3FB2]  }
0x2e: {  	s3 =	simm.s32 @!p0 $0x1082;
	s9 =	sld [smem:$0x3FB3]  }
0x2f: {  	lr =	sadd.s32 s0, s3;
	s0 =	sld [smem:$0x3FAA]  }
0x30: {  	s3 =	sld [smem:$0x3FAD]  }
0x31: {  	[smem:$0x3FB6] =	sst s10  }
0x32: {  	s10 =	sld [smem:$0x3FB4];
	_ =	sdelay $0x3  }
0x33: {  	p0 =	seq.s32 s10, $0x1;
	s10 =	sld [smem:$0x3FB6];
	_ =	sdelay $0x3  }
0x34: {  	[smem:$0x3FB6] =	sst s10  }
0x35: {  	s10 =	sld [smem:$0x3FB5];
	_ =	sdelay $0x3  }
0x36: {  	p1 =	seq.s32 s10, $0x1;
	s10 =	sld [smem:$0x3FB6];
	_ =	sdelay $0x3  }
0x37: {  	[smem:$0x3FB6] =	sst s10  }
0x38: {  	s10 =	sld [smem:$0x3FB7]  }
0x39: {  	_ = 	snop;
	(pc) =	sbr.ind lr, $3  }
0x3a: {  	_ = 	snop  }
0x3b: {  	_ = 	snop  }
0x3c: {  	p2 =	seq.s32 s10, $0x1;
	s10 =	sld [smem:$0x3FB6]  }
0x3d: {  	_ =	shalt  }
0x3e: {  	_ =	shalt  }
0x3f: {  	_ =	shalt  }
0x40: {  	_ =	shalt  }
0x41: {  	_ =	shalt  }
0x42: {  	_ =	shalt  }
0x43: {  	_ =	shalt  }
0x44: {  	_ =	shalt  }
0x45: {  	_ =	shalt  }
0x46: {  	_ =	shalt  }
0x47: {  	_ =	shalt  }
0x48: {  	_ =	shalt  }
0x49: {  	_ =	shalt  }
0x4a: {  	_ =	shalt  }
0x4b: {  	_ =	shalt  }
0x4c: {  	_ =	shalt  }
0x4d: {  	_ =	shalt  }
0x4e: {  	_ =	shalt  }
0x4f: {  	_ =	shalt  }
0x50: {  	_ =	shalt  }
0x51: {  	_ =	shalt  }
0x52: {  	_ =	shalt  }
0x53: {  	_ =	shalt  }
0x54: {  	_ =	shalt  }
0x55: {  	_ =	shalt  }
0x56: {  	_ =	shalt  }
0x57: {  	_ =	shalt  }
0x58: {  	_ =	shalt  }
0x59: {  	_ =	shalt  }
0x5a: {  	_ =	shalt  }
0x5b: {  	_ =	shalt  }
0x5c: {  	_ =	shalt  }
0x5d: {  	_ =	shalt  }
0x5e: {  	_ =	shalt  }
0x5f: {  	_ =	shalt  }
0x60: {  	_ =	shalt  }
0x61: {  	_ =	shalt  }
0x62: {  	_ =	shalt  }
0x63: {  	_ =	shalt  }
0x64: {  	_ =	shalt  }
0x65: {  	_ =	shalt  }
0x66: {  	_ =	shalt  }
0x67: {  	_ =	shalt  }
0x68: {  	_ =	shalt  }
0x69: {  	_ =	shalt  }
0x6a: {  	_ =	shalt  }
0x6b: {  	_ =	shalt  }
0x6c: {  	_ =	shalt  }
0x6d: {  	_ =	shalt  }
0x6e: {  	_ =	shalt  }
0x6f: {  	_ =	shalt  }
0x70: {  	_ =	shalt  }
0x71: {  	_ =	shalt  }
0x72: {  	_ =	shalt  }
0x73: {  	_ =	shalt  }
0x74: {  	_ =	shalt  }
0x75: {  	_ =	shalt  }
0x76: {  	_ =	shalt  }
0x77: {  	_ =	shalt  }
0x78: {  	_ =	shalt  }
0x79: {  	_ =	shalt  }
0x7a: {  	_ =	shalt  }
0x7b: {  	_ =	shalt  }
0x7c: {  	_ =	shalt  }
0x7d: {  	_ =	shalt  }
0x7e: {  	_ =	shalt  }
0x7f: {  	_ =	shalt  }
0x80: {  	_ =	shalt  }
0x81: {  	_ =	shalt  }
0x82: {  	_ =	shalt  }
0x83: {  	_ =	shalt  }
0x84: {  	_ =	shalt  }
0x85: {  	_ =	shalt  }
0x86: {  	_ =	shalt  }
0x87: {  	_ =	shalt  }
.Lfunc_end0:
.L_simem_size_0:
called_computation.2_lowered:
.L_overlay_start_0:
0x88: {  	s2 =	sld [smem:$0x3FD9]  }
0x89: {  	s3 =	sld [smem:$0x3FFE];
	_ =	sdelay $0x1  }
0x8a: {  	s1 =	srdreg.scid  }
0x8b: {  	s0 =	sand.u32 $0x1, s1  }
0x8c: {  	s16 =	sshll.u32 s0, $0xA;
	s2 =	sadd.s32 s3, s2  }
0x8d: {  	s2 =	sadd.s32 s2, s16  }
0x8e: {  	[smem:$0x3FC2] =	sst s2  }
0x8f: {  	_ = 	snop  }
0x90: {  	(tm) =	ssettm $0x1  }
0x91: {  	s17 =	sld [smem:$0x3FFB];
	_ =	sdelay $0x3  }
0x92: {  	_ =	strace s17  }
0x93: {  	s2 =	sld [smem:$0x3FFC];
	_ =	sdelay $0x3  }
0x94: {  	_ =	strace s2  }
0x95: {  	s2 =	sld [smem:$0x3FFD];
	_ =	sdelay $0x3  }
0x96: {  	_ =	strace s2  }
0x97: {  	_ =	strace $0x8FFFFFFF  }
0x98: {  	s18 =	sld [smem:$0x3FDB];
	_ =	sdelay $0x1  }
0x99: {  	s19 =	simm.s32 $_scs_section_size  }
0x9a: {  	s4 =	simm.s32 $_size__tile_overlayer_lowered;
	s5 =	simm.s32 $_tile_overlayer_lowered  }
0x9b: {  	s22 =	simm.s32 $0x1BFF;
	s21 =	sshll.u32 s5, $0x1;
	s2 =	sadd.s32 s19, s18  }
0x9c: {  	s6 =	simm.s32 $0x0;
	s20 =	sshll.u32 s4, $0x1;
	s4 =	sadd.s32 s21, s2  }
0x9d: {  	[timem:s6], [sflag:s22] =	dma.local [hbm:s4], s20  }
0x9e: {  	_ =	swait.ge [sflag:s22], s20  }
0x9f: {  	s3 =	ssub.s32 $0x0, s20;
	[sflag:s22] =	ssyncset.done $0x0  }
0xa0: {  	[sflag:s22] =	ssyncadd.s32 s3;
	_ =	sdelay $0x1  }
0xa1: {  	s23 =	simm.s32 $0x1B8B  }
0xa2: {  	_ =	swait.ge [sflag:s23], $0x1  }
0xa3: {  	[sflag:s23] =	ssyncset.done $0x0  }
0xa4: {  	s25 =	simm.s32 $0x1B8E;
	s24 =	sld [smem:$0x3FFE];
	[sflag:s23] =	ssyncadd.s32 $0xFFFFFFFF  }
0xa5: {  	s26 =	simm.s32 $execute0_lowered;
	[smem:$0x3FD2] =	sst s25  }
0xa6: {  	s4 =	sshll.u32 s26, $0x1;
	_ =	strace $0x8000004C;
	[dreg:$0x1] =	wrdreg $0xFFFFFFFF  }
0xa7: {  	s28 =	simm.s32 $_size_execute0_lowered;
	s2 =	sadd.s32 s2, s4;
	[dreg:$0x0] =	wrdreg $0x0  }
0xa8: {  	s4 =	sshll.u32 s28, $0x1;
	[dreg:$0x2] =	wrdreg s2  }
0xa9: {  	[dreg:$0x3] =	wrdreg s4  }
0xaa: {  	[dreg:$0x4] =	wrdreg $0xC0  }
0xab: {  	_ =	task [dreg:s6], $0x5FFFF  }
0xac: {  	[dreg:$0x1] =	wrdreg $0xFFFFFFFF  }
0xad: {  	[dreg:$0x0] =	wrdreg $0x60  }
0xae: {  	[dreg:$0x2] =	wrdreg s24  }
0xaf: {  	[dreg:$0x3] =	wrdreg $0x108000  }
0xb0: {  	[dreg:$0x4] =	wrdreg $0x9  }
0xb1: {  	_ =	task.clear_ibuf [dreg:s6], $0x5FFFF;
	_ =	strace $0x9000004C  }
0xb2: {  	s29 =	simm.s32 $0x9;
	_ =	strace $0x8000004E  }
0xb3: {  	_ =	swait.ge [sflag:s29], $0x1  }
0xb4: {  	[sflag:s29] =	ssyncadd.s32 $0xFFFFFFFF  }
0xb5: {  	_ =	strace $0x9000004E  }
0xb6: {  	_ =	sfence  }
0xb7: {  	s30 =	sld [smem:$0x0];
	_ =	sdelay $0x2  }
0xb8: {  	s31 =	sshll.u32 s1, $0xD;
	s1 =	sshrl.u32 s1, $0x2  }
0xb9: {  	s3 =	sand.u32 $0x4000, s31;
	s1 =	sadd.s32 s1, s30  }
0xba: {  	s0 =	sor.u32 s3, s0;
	s1 =	sshll.u32 s1, $0x11  }
0xbb: {  	s0 =	sor.u32 s1, s0  }
0xbc: {  	s0 =	sadd.s32 $0x8F2B, s0  }
0xbd: {  	[sflag:s0] =	ssyncadd.remote.s32 $0x1  }
0xbe: {  	_ =	sfence.sel $0xFFFF  }
0xbf: {  	[dreg:$0x0] =	wrdreg $0xFFFFFFFF;
	(pc) =	sbr.abs _section_cstart, $3  }
0xc0: {  	[dreg:$0x1] =	wrdreg $0xFFFFFFFF  }
0xc1: {  	_ =	task.clear_ibuf [dreg:s6], $0x2FFFF;
	_ =	strace $0x9FFFFFFF  }
0xc2: {  	(tm) =	ssettm $0x7FFFFFFF  }
0xc3: {  	_ =	shalt  }
tec
execute0_lowered:
.L_overlay_start_1:
0x0: {  	(tag) =	ssettag $0x1  }
0x1: {  	s1 =	rddreg [dreg:$0x0]  }
0x2: {  	s0 =	srdreg.scid;
	s2 =	rddreg [dreg:$0x1];
	s3 =	simm.s32 $0x0  }
0x3: {  	s10 =	stileid.u32;
	s12 =	simm.s32 $0x1;
	s13 =	simm.s32 $0x4  }
0x4: {  	s14 =	simm.s32 $0x8;
	s15 =	simm.s32 $0xD;
	s17 =	simm.s32 $0x80  }
0x5: {  	s18 =	simm.s32 $0xA800;
	s19 =	simm.s32 $0xB800;
	s28 =	simm.s32 $0xF800  }
0x6: {  	s29 =	simm.s32 $0x2;
	s30 =	simm.s32 $0x3;
	s6 =	smul.u32 $0x5000, s10  }
0x7: {  	s31 =	simm.s32 $0x5;
	s16 =	simm.s32 $0x9;
	s20 =	smul.u32 $0xA80, s10  }
0x8: {  	s0 =	sand.u32 $0x1, s0;
	[smem:$0x7FF] =	sst s3;
	s8 =	smul.u32 $0x1400, s10  }
0x9: {  	s24 =	sshll.u32 s10, $0x6;
	s4 =	smul.u32 $0x50000, s0;
	s0 =	ssub.s32 $0x2, s0  }
0xa: {  	_ =	strace $0x8000004D;
	s9 =	sadd.s32 s20, s1;
	s21 =	sshrl.u32 s0, $0x1  }
0xb: {  	s8 =	sadd.s32 s8, s1;
	s22 =	sadd.s32 s6, s2;
	s20 =	simm.s32 $0xA  }
0xc: {  	s5 =	sshrl.u32 s4, $0x3;
	s4 =	sadd.s32 s6, s4;
	s0 =	ssub.s32 s0, s21  }
0xd: {  	s23 =	sadd.s32 $0x8EE00, s8;
	s25 =	sadd.s32 $0x1E00, s9;
	s26 =	sadd.s32 $0xC600, s9  }
0xe: {  	s11 =	sshrl.u32 s22, $0x3;
	s21 =	simm.s32 $0xC800;
	[dreg:$0x3] =	wrdreg s23  }
0xf: {  	s22 =	simm.s32 $0xB;
	s7 =	sadd.s32 s5, s1;
	[dreg:$0x4] =	wrdreg s25  }
0x10: {  	s4 =	sshrl.u32 s4, $0x3;
	s5 =	sor.u32 $0x1C0D, s24;
	[dreg:$0x5] =	wrdreg s26  }
0x11: {  	s10 =	smax.u32 s0, $0x1;
	s23 =	simm.s32 $0xD800;
	s25 =	simm.s32 $0xE800  }
0x12: {  	s0 =	simm.s32 $0x6;
	s24 =	simm.s32 $0xC;
	s1 =	sadd.s32 s4, s1  }
0x13: {  	s26 =	simm.s32 $0x5380;
	s8 =	sadd.s32 $0x66E00, s7;
	s1 =	sadd.s32 $0x7AE00, s1  }
0x14: {  	s4 =	simm.s32 $0x0;
	[dreg:$0x6] =	wrdreg s1;
	s1 =	simm.s32 $0x7  }
.LBB2_1:
0x15: {  	s6 =	rddreg [dreg:$0x3]  }
0x16: {  	[spmem:s11@s13], [sflag:s5] =	dma.strided [hbm:s6@s14], $0xA00, s12, $0x4   }
0x17: {  	_ =	swait.ge [sflag:s15], $0xA00  }
0x18: {  	[sflag:s15] =	ssyncset.done $0x0  }
0x19: {  	s7 =	rddreg [dreg:$0x4];
	[sflag:s15] =	ssyncadd.s32 $0xFFFFF600  }
0x1a: {  	[tilespmem:s3], [sflag:$0xD] =	stream.linear.gather [hbm4b:s7+s3], $0x5400, $0x38;
	[tilespmem:$0x15800] =	vst v63  }
0x1b: {  	_ =	swait.ge [sflag:s15], $0x5400  }
0x1c: {  	[sflag:s15] =	ssyncset.done $0x0  }
0x1d: {  	s7 =	simm.s32 $0x5400;
	s9 =	rddreg [dreg:$0x5];
	[sflag:s15] =	ssyncadd.s32 $0xFFFFAC00  }
0x1e: {  	[tilespmem:s7], [sflag:$0xD] =	stream.linear.gather [hbm4b:s9+s3], $0x5400, $0x38;
	[tilespmem:$0x15800] =	vst v63  }
0x1f: {  	_ =	swait.ge [sflag:s15], $0x5400  }
0x20: {  	[sflag:s15] =	ssyncset.done $0x0  }
0x21: {  	[sflag:s15] =	ssyncadd.s32 $0xFFFFAC00  }
0x22: {  	[bflag:$0x0] =	sbarrier.arrive $0xFFFF  }
0x23: {  	[tilespmem:s18], [sflag:$0x1] =	stream.indirect.gather [hbm4b:s8+s17], $0x20, s3, s17, $0xb8;
	[tilespmem:$0x15800] =	vst v63  }
0x24: {  	_ = 	snop  }
0x25: {  	[tilespmem:s19], [sflag:$0x2] =	stream.indirect.gather [hbm4b:s8+s17], $0x20, s17, s17, $0xb8;
	[tilespmem:$0x15800] =	vst v63  }
0x26: {  	s9 =	simm.s32 $0x100  }
0x27: {  	[tilespmem:s21], [sflag:$0x3] =	stream.indirect.gather [hbm4b:s8+s17], $0x20, s9, s17, $0xb8;
	[tilespmem:$0x15800] =	vst v63  }
0x28: {  	s7 =	simm.s32 $0x180  }
0x29: {  	[tilespmem:s23], [sflag:$0x4] =	stream.indirect.gather [hbm4b:s8+s17], $0x20, s7, s17, $0xb8;
	[tilespmem:$0x15800] =	vst v63  }
0x2a: {  	s9 =	simm.s32 $0x200  }
0x2b: {  	[tilespmem:s25], [sflag:$0x5] =	stream.indirect.gather [hbm4b:s8+s17], $0x20, s9, s17, $0xb8;
	[tilespmem:$0x15800] =	vst v63  }
0x2c: {  	s7 =	simm.s32 $0x280  }
0x2d: {  	[tilespmem:s28], [sflag:$0x6] =	stream.indirect.gather [hbm4b:s8+s17], $0x20, s7, s17, $0xb8;
	[tilespmem:$0x15800] =	vst v63  }
0x2e: {  	_ =	swait.ge [sflag:s12], $0x1000  }
0x2f: {  	[sflag:s12] =	ssyncset.done $0x0  }
0x30: {  	s9 =	simm.s32 $0x5400;
	[sflag:s12] =	ssyncadd.s32 $0xFFFFF000  }
0x31: {  	[spmem:s2] =	stream.indirect.scatter.add.f32 [tilespmem:s18], [sflag:$0x7], $0x20, s9, s17, $0xb8;
	[tilespmem:$0x15800] =	vst v63  }
0x32: {  	_ =	swait.ge [sflag:s29], $0x1000  }
0x33: {  	[sflag:s29] =	ssyncset.done $0x0  }
0x34: {  	s7 =	simm.s32 $0x5480;
	[sflag:s29] =	ssyncadd.s32 $0xFFFFF000  }
0x35: {  	[spmem:s2] =	stream.indirect.scatter.add.f32 [tilespmem:s19], [sflag:$0x8], $0x20, s7, s17, $0xb8;
	[tilespmem:$0x15800] =	vst v63  }
0x36: {  	_ =	swait.ge [sflag:s30], $0x1000  }
0x37: {  	[sflag:s30] =	ssyncset.done $0x0  }
0x38: {  	s9 =	simm.s32 $0x5500;
	[sflag:s30] =	ssyncadd.s32 $0xFFFFF000  }
0x39: {  	[spmem:s2] =	stream.indirect.scatter.add.f32 [tilespmem:s21], [sflag:$0x9], $0x20, s9, s17, $0xb8;
	[tilespmem:$0x15800] =	vst v63  }
0x3a: {  	_ =	swait.ge [sflag:s13], $0x1000  }
0x3b: {  	[sflag:s13] =	ssyncset.done $0x0  }
0x3c: {  	s7 =	simm.s32 $0x5580;
	[sflag:s13] =	ssyncadd.s32 $0xFFFFF000  }
0x3d: {  	[spmem:s2] =	stream.indirect.scatter.add.f32 [tilespmem:s23], [sflag:$0xA], $0x20, s7, s17, $0xb8;
	[tilespmem:$0x15800] =	vst v63  }
0x3e: {  	_ =	swait.ge [sflag:s31], $0x1000  }
0x3f: {  	[sflag:s31] =	ssyncset.done $0x0  }
0x40: {  	s9 =	simm.s32 $0x5600;
	[sflag:s31] =	ssyncadd.s32 $0xFFFFF000  }
0x41: {  	[spmem:s2] =	stream.indirect.scatter.add.f32 [tilespmem:s25], [sflag:$0xB], $0x20, s9, s17, $0xb8;
	[tilespmem:$0x15800] =	vst v63  }
0x42: {  	_ =	swait.ge [sflag:s0], $0x1000  }
0x43: {  	[sflag:s0] =	ssyncset.done $0x0  }
0x44: {  	s7 =	simm.s32 $0x5680;
	[sflag:s0] =	ssyncadd.s32 $0xFFFFF000  }
0x45: {  	[spmem:s2] =	stream.indirect.scatter.add.f32 [tilespmem:s28], [sflag:$0xC], $0x20, s7, s17, $0xb8;
	[tilespmem:$0x15800] =	vst v63  }
0x46: {  	_ =	swait.ge [sflag:s1], $0x1000  }
0x47: {  	[sflag:s1] =	ssyncset.done $0x0  }
0x48: {  	s9 =	simm.s32 $0x300;
	[sflag:s1] =	ssyncadd.s32 $0xFFFFF000  }
0x49: {  	[tilespmem:s18], [sflag:$0x1] =	stream.indirect.gather [hbm4b:s8+s17], $0x20, s9, s17, $0xb8;
	[tilespmem:$0x15800] =	vst v63  }
0x4a: {  	_ =	swait.ge [sflag:s14], $0x1000  }
0x4b: {  	[sflag:s14] =	ssyncset.done $0x0  }
0x4c: {  	s7 =	simm.s32 $0x380;
	[sflag:s14] =	ssyncadd.s32 $0xFFFFF000  }
0x4d: {  	[tilespmem:s19], [sflag:$0x2] =	stream.indirect.gather [hbm4b:s8+s17], $0x20, s7, s17, $0xb8;
	[tilespmem:$0x15800] =	vst v63  }
0x4e: {  	_ =	swait.ge [sflag:s16], $0x1000  }
0x4f: {  	[sflag:s16] =	ssyncset.done $0x0  }
0x50: {  	s9 =	simm.s32 $0x400;
	[sflag:s16] =	ssyncadd.s32 $0xFFFFF000  }
0x51: {  	[tilespmem:s21], [sflag:$0x3] =	stream.indirect.gather [hbm4b:s8+s17], $0x20, s9, s17, $0xb8;
	[tilespmem:$0x15800] =	vst v63  }
0x52: {  	_ =	swait.ge [sflag:s20], $0x1000  }
0x53: {  	[sflag:s20] =	ssyncset.done $0x0  }
0x54: {  	s7 =	simm.s32 $0x480;
	[sflag:s20] =	ssyncadd.s32 $0xFFFFF000  }
0x55: {  	[tilespmem:s23], [sflag:$0x4] =	stream.indirect.gather [hbm4b:s8+s17], $0x20, s7, s17, $0xb8;
	[tilespmem:$0x15800] =	vst v63  }
0x56: {  	_ =	swait.ge [sflag:s22], $0x1000  }
0x57: {  	[sflag:s22] =	ssyncset.done $0x0  }
0x58: {  	s9 =	simm.s32 $0x500;
	[sflag:s22] =	ssyncadd.s32 $0xFFFFF000  }
0x59: {  	[tilespmem:s25], [sflag:$0x5] =	stream.indirect.gather [hbm4b:s8+s17], $0x20, s9, s17, $0xb8;
	[tilespmem:$0x15800] =	vst v63  }
0x5a: {  	_ =	swait.ge [sflag:s24], $0x1000  }
0x5b: {  	[sflag:s24] =	ssyncset.done $0x0  }
0x5c: {  	s6 =	simm.s32 $0xC00;
	s7 =	simm.s32 $0x580;
	[sflag:s24] =	ssyncadd.s32 $0xFFFFF000  }
.LBB2_2:
0x5d: {  	[tilespmem:s28], [sflag:$0x6] =	stream.indirect.gather [hbm4b:s8+s17], $0x20, s7, s17, $0xb8;
	[tilespmem:$0x15800] =	vst v63  }
0x5e: {  	s7 =	smov.u32 s6;
	s6 =	sadd.s32 $0xC00, s6;
	_ =	swait.ge [sflag:s12], $0x1000  }
0x5f: {  	s7 =	sshra.s32 s7, $0x2;
	p0 =	sne.s32 s6, $0x13800;
	[sflag:s12] =	ssyncset.done $0x0  }
0x60: {  	s9 =	sadd.s32 $0x5400, s7;
	[sflag:s12] =	ssyncadd.s32 $0xFFFFF000  }
0x61: {  	[spmem:s2] =	stream.indirect.scatter.add.f32 [tilespmem:s18], [sflag:$0x7], $0x20, s9, s17, $0xb8;
	[tilespmem:$0x15800] =	vst v63  }
0x62: {  	_ =	swait.ge [sflag:s29], $0x1000  }
0x63: {  	[sflag:s29] =	ssyncset.done $0x0  }
0x64: {  	s9 =	sadd.s32 $0x5480, s7;
	[sflag:s29] =	ssyncadd.s32 $0xFFFFF000  }
0x65: {  	[spmem:s2] =	stream.indirect.scatter.add.f32 [tilespmem:s19], [sflag:$0x8], $0x20, s9, s17, $0xb8;
	[tilespmem:$0x15800] =	vst v63  }
0x66: {  	_ =	swait.ge [sflag:s30], $0x1000  }
0x67: {  	[sflag:s30] =	ssyncset.done $0x0  }
0x68: {  	s9 =	sadd.s32 $0x5500, s7;
	[sflag:s30] =	ssyncadd.s32 $0xFFFFF000  }
0x69: {  	[spmem:s2] =	stream.indirect.scatter.add.f32 [tilespmem:s21], [sflag:$0x9], $0x20, s9, s17, $0xb8;
	[tilespmem:$0x15800] =	vst v63  }
0x6a: {  	_ =	swait.ge [sflag:s13], $0x1000  }
0x6b: {  	[sflag:s13] =	ssyncset.done $0x0  }
0x6c: {  	s9 =	sadd.s32 $0x5580, s7;
	[sflag:s13] =	ssyncadd.s32 $0xFFFFF000  }
0x6d: {  	[spmem:s2] =	stream.indirect.scatter.add.f32 [tilespmem:s23], [sflag:$0xA], $0x20, s9, s17, $0xb8;
	[tilespmem:$0x15800] =	vst v63  }
0x6e: {  	_ =	swait.ge [sflag:s31], $0x1000  }
0x6f: {  	[sflag:s31] =	ssyncset.done $0x0  }
0x70: {  	s9 =	sadd.s32 $0x5600, s7;
	[sflag:s31] =	ssyncadd.s32 $0xFFFFF000  }
0x71: {  	[spmem:s2] =	stream.indirect.scatter.add.f32 [tilespmem:s25], [sflag:$0xB], $0x20, s9, s17, $0xb8;
	[tilespmem:$0x15800] =	vst v63  }
0x72: {  	_ =	swait.ge [sflag:s0], $0x1000  }
0x73: {  	[sflag:s0] =	ssyncset.done $0x0  }
0x74: {  	s9 =	sadd.s32 $0x5680, s7;
	[sflag:s0] =	ssyncadd.s32 $0xFFFFF000  }
0x75: {  	[spmem:s2] =	stream.indirect.scatter.add.f32 [tilespmem:s28], [sflag:$0xC], $0x20, s9, s17, $0xb8;
	[tilespmem:$0x15800] =	vst v63  }
0x76: {  	_ =	swait.ge [sflag:s1], $0x1000  }
0x77: {  	[sflag:s1] =	ssyncset.done $0x0  }
0x78: {  	s9 =	sadd.s32 $0x300, s7;
	[sflag:s1] =	ssyncadd.s32 $0xFFFFF000  }
0x79: {  	[tilespmem:s18], [sflag:$0x1] =	stream.indirect.gather [hbm4b:s8+s17], $0x20, s9, s17, $0xb8;
	[tilespmem:$0x15800] =	vst v63  }
0x7a: {  	_ =	swait.ge [sflag:s14], $0x1000  }
0x7b: {  	[sflag:s14] =	ssyncset.done $0x0  }
0x7c: {  	s9 =	sadd.s32 $0x380, s7;
	[sflag:s14] =	ssyncadd.s32 $0xFFFFF000  }
0x7d: {  	[tilespmem:s19], [sflag:$0x2] =	stream.indirect.gather [hbm4b:s8+s17], $0x20, s9, s17, $0xb8;
	[tilespmem:$0x15800] =	vst v63  }
0x7e: {  	_ =	swait.ge [sflag:s16], $0x1000  }
0x7f: {  	[sflag:s16] =	ssyncset.done $0x0  }
0x80: {  	s9 =	sadd.s32 $0x400, s7;
	[sflag:s16] =	ssyncadd.s32 $0xFFFFF000  }
0x81: {  	[tilespmem:s21], [sflag:$0x3] =	stream.indirect.gather [hbm4b:s8+s17], $0x20, s9, s17, $0xb8;
	[tilespmem:$0x15800] =	vst v63  }
0x82: {  	_ =	swait.ge [sflag:s20], $0x1000  }
0x83: {  	[sflag:s20] =	ssyncset.done $0x0  }
0x84: {  	s9 =	sadd.s32 $0x480, s7;
	[sflag:s20] =	ssyncadd.s32 $0xFFFFF000  }
0x85: {  	[tilespmem:s23], [sflag:$0x4] =	stream.indirect.gather [hbm4b:s8+s17], $0x20, s9, s17, $0xb8;
	[tilespmem:$0x15800] =	vst v63  }
0x86: {  	_ =	swait.ge [sflag:s22], $0x1000  }
0x87: {  	[sflag:s22] =	ssyncset.done $0x0  }
.Ltmp0:
0x88: {  	s9 =	sadd.s32 $0x500, s7;
	[sflag:s22] =	ssyncadd.s32 $0xFFFFF000;
	(pc) =	sbr.rel @p0 .LBB2_2-.Ltmp0, $4  }
0x89: {  	[tilespmem:s25], [sflag:$0x5] =	stream.indirect.gather [hbm4b:s8+s17], $0x20, s9, s17, $0xb8;
	[tilespmem:$0x15800] =	vst v63  }
0x8a: {  	_ =	swait.ge [sflag:s24], $0x1000  }
0x8b: {  	[sflag:s24] =	ssyncset.done $0x0  }
0x8c: {  	s7 =	sadd.s32 $0x580, s7;
	[sflag:s24] =	ssyncadd.s32 $0xFFFFF000  }
0x8d: {  	[tilespmem:s28], [sflag:$0x6] =	stream.indirect.gather [hbm4b:s8+s17], $0x20, s7, s17, $0xb8;
	[tilespmem:$0x15800] =	vst v63  }
0x8e: {  	_ =	swait.ge [sflag:s12], $0x1000  }
0x8f: {  	s6 =	sshra.s32 s6, $0x2;
	[sflag:s12] =	ssyncset.done $0x0  }
0x90: {  	s9 =	sadd.s32 $0x5400, s6;
	[sflag:s12] =	ssyncadd.s32 $0xFFFFF000  }
0x91: {  	[spmem:s2] =	stream.indirect.scatter.add.f32 [tilespmem:s18], [sflag:$0x7], $0x20, s9, s17, $0xb8;
	[tilespmem:$0x15800] =	vst v63  }
0x92: {  	_ =	swait.ge [sflag:s29], $0x1000  }
0x93: {  	[sflag:s29] =	ssyncset.done $0x0  }
0x94: {  	s9 =	sadd.s32 $0x5480, s6;
	[sflag:s29] =	ssyncadd.s32 $0xFFFFF000  }
0x95: {  	[spmem:s2] =	stream.indirect.scatter.add.f32 [tilespmem:s19], [sflag:$0x8], $0x20, s9, s17, $0xb8;
	[tilespmem:$0x15800] =	vst v63  }
0x96: {  	_ =	swait.ge [sflag:s30], $0x1000  }
0x97: {  	[sflag:s30] =	ssyncset.done $0x0  }
0x98: {  	s9 =	sadd.s32 $0x5500, s6;
	[sflag:s30] =	ssyncadd.s32 $0xFFFFF000  }
0x99: {  	[spmem:s2] =	stream.indirect.scatter.add.f32 [tilespmem:s21], [sflag:$0x9], $0x20, s9, s17, $0xb8;
	[tilespmem:$0x15800] =	vst v63  }
0x9a: {  	_ =	swait.ge [sflag:s13], $0x1000  }
0x9b: {  	[sflag:s13] =	ssyncset.done $0x0  }
0x9c: {  	s9 =	sadd.s32 $0x5580, s6;
	[sflag:s13] =	ssyncadd.s32 $0xFFFFF000  }
0x9d: {  	[spmem:s2] =	stream.indirect.scatter.add.f32 [tilespmem:s23], [sflag:$0xA], $0x20, s9, s17, $0xb8;
	[tilespmem:$0x15800] =	vst v63  }
0x9e: {  	_ =	swait.ge [sflag:s31], $0x1000  }
0x9f: {  	[sflag:s31] =	ssyncset.done $0x0  }
0xa0: {  	s9 =	sadd.s32 $0x5600, s6;
	[sflag:s31] =	ssyncadd.s32 $0xFFFFF000  }
0xa1: {  	[spmem:s2] =	stream.indirect.scatter.add.f32 [tilespmem:s25], [sflag:$0xB], $0x20, s9, s17, $0xb8;
	[tilespmem:$0x15800] =	vst v63  }
0xa2: {  	_ =	swait.ge [sflag:s0], $0x1000  }
0xa3: {  	[sflag:s0] =	ssyncset.done $0x0  }
0xa4: {  	s6 =	sadd.s32 $0x5680, s6;
	[sflag:s0] =	ssyncadd.s32 $0xFFFFF000  }
0xa5: {  	[spmem:s2] =	stream.indirect.scatter.add.f32 [tilespmem:s28], [sflag:$0xC], $0x20, s6, s17, $0xb8;
	[tilespmem:$0x15800] =	vst v63  }
0xa6: {  	_ =	swait.ge [sflag:s1], $0x1000  }
0xa7: {  	[sflag:s1] =	ssyncset.done $0x0  }
0xa8: {  	s7 =	simm.s32 $0x5100;
	[sflag:s1] =	ssyncadd.s32 $0xFFFFF000  }
0xa9: {  	[tilespmem:s18], [sflag:$0x1] =	stream.indirect.gather [hbm4b:s8+s17], $0x20, s7, s17, $0xb8;
	[tilespmem:$0x15800] =	vst v63  }
0xaa: {  	_ =	swait.ge [sflag:s14], $0x1000  }
0xab: {  	[sflag:s14] =	ssyncset.done $0x0  }
0xac: {  	s9 =	simm.s32 $0x5180;
	[sflag:s14] =	ssyncadd.s32 $0xFFFFF000  }
0xad: {  	[tilespmem:s19], [sflag:$0x2] =	stream.indirect.gather [hbm4b:s8+s17], $0x20, s9, s17, $0xb8;
	[tilespmem:$0x15800] =	vst v63  }
0xae: {  	_ =	swait.ge [sflag:s16], $0x1000  }
0xaf: {  	[sflag:s16] =	ssyncset.done $0x0  }
0xb0: {  	s7 =	simm.s32 $0x5200;
	[sflag:s16] =	ssyncadd.s32 $0xFFFFF000  }
0xb1: {  	[tilespmem:s21], [sflag:$0x3] =	stream.indirect.gather [hbm4b:s8+s17], $0x20, s7, s17, $0xb8;
	[tilespmem:$0x15800] =	vst v63  }
0xb2: {  	_ =	swait.ge [sflag:s20], $0x1000  }
0xb3: {  	[sflag:s20] =	ssyncset.done $0x0  }
0xb4: {  	s9 =	simm.s32 $0x5280;
	[sflag:s20] =	ssyncadd.s32 $0xFFFFF000  }
0xb5: {  	[tilespmem:s23], [sflag:$0x4] =	stream.indirect.gather [hbm4b:s8+s17], $0x20, s9, s17, $0xb8;
	[tilespmem:$0x15800] =	vst v63  }
0xb6: {  	_ =	swait.ge [sflag:s22], $0x1000  }
0xb7: {  	[sflag:s22] =	ssyncset.done $0x0  }
0xb8: {  	s7 =	simm.s32 $0x5300;
	[sflag:s22] =	ssyncadd.s32 $0xFFFFF000  }
0xb9: {  	[tilespmem:s25], [sflag:$0x5] =	stream.indirect.gather [hbm4b:s8+s17], $0x20, s7, s17, $0xb8;
	[tilespmem:$0x15800] =	vst v63  }
0xba: {  	_ =	swait.ge [sflag:s24], $0x1000  }
0xbb: {  	[sflag:s24] =	ssyncset.done $0x0  }
0xbc: {  	[sflag:s24] =	ssyncadd.s32 $0xFFFFF000  }
0xbd: {  	[tilespmem:s28], [sflag:$0x6] =	stream.indirect.gather [hbm4b:s8+s17], $0x20, s26, s17, $0xb8;
	[tilespmem:$0x15800] =	vst v63  }
0xbe: {  	_ =	swait.ge [sflag:s12], $0x1000  }
0xbf: {  	[sflag:s12] =	ssyncset.done $0x0  }
0xc0: {  	s9 =	simm.s32 $0xA500;
	[sflag:s12] =	ssyncadd.s32 $0xFFFFF000  }
0xc1: {  	[spmem:s2] =	stream.indirect.scatter.add.f32 [tilespmem:s18], [sflag:$0x7], $0x20, s9, s17, $0xb8;
	[tilespmem:$0x15800] =	vst v63  }
0xc2: {  	_ =	swait.ge [sflag:s29], $0x1000  }
0xc3: {  	[sflag:s29] =	ssyncset.done $0x0  }
0xc4: {  	s7 =	simm.s32 $0xA580;
	[sflag:s29] =	ssyncadd.s32 $0xFFFFF000  }
0xc5: {  	[spmem:s2] =	stream.indirect.scatter.add.f32 [tilespmem:s19], [sflag:$0x8], $0x20, s7, s17, $0xb8;
	[tilespmem:$0x15800] =	vst v63  }
0xc6: {  	_ =	swait.ge [sflag:s30], $0x1000  }
0xc7: {  	[sflag:s30] =	ssyncset.done $0x0  }
0xc8: {  	s9 =	simm.s32 $0xA600;
	[sflag:s30] =	ssyncadd.s32 $0xFFFFF000  }
0xc9: {  	[spmem:s2] =	stream.indirect.scatter.add.f32 [tilespmem:s21], [sflag:$0x9], $0x20, s9, s17, $0xb8;
	[tilespmem:$0x15800] =	vst v63  }
0xca: {  	_ =	swait.ge [sflag:s13], $0x1000  }
0xcb: {  	[sflag:s13] =	ssyncset.done $0x0  }
0xcc: {  	s7 =	simm.s32 $0xA680;
	[sflag:s13] =	ssyncadd.s32 $0xFFFFF000  }
0xcd: {  	[spmem:s2] =	stream.indirect.scatter.add.f32 [tilespmem:s23], [sflag:$0xA], $0x20, s7, s17, $0xb8;
	[tilespmem:$0x15800] =	vst v63  }
0xce: {  	_ =	swait.ge [sflag:s31], $0x1000  }
0xcf: {  	[sflag:s31] =	ssyncset.done $0x0  }
0xd0: {  	s9 =	simm.s32 $0xA700;
	[sflag:s31] =	ssyncadd.s32 $0xFFFFF000  }
0xd1: {  	[spmem:s2] =	stream.indirect.scatter.add.f32 [tilespmem:s25], [sflag:$0xB], $0x20, s9, s17, $0xb8;
	[tilespmem:$0x15800] =	vst v63  }
0xd2: {  	_ =	swait.ge [sflag:s0], $0x1000  }
0xd3: {  	[sflag:s0] =	ssyncset.done $0x0  }
0xd4: {  	s7 =	simm.s32 $0xA780;
	[sflag:s0] =	ssyncadd.s32 $0xFFFFF000  }
0xd5: {  	[spmem:s2] =	stream.indirect.scatter.add.f32 [tilespmem:s28], [sflag:$0xC], $0x20, s7, s17, $0xb8;
	[tilespmem:$0x15800] =	vst v63  }
0xd6: {  	_ =	swait.ge [sflag:s1], $0x1000  }
0xd7: {  	[sflag:s1] =	ssyncset.done $0x0  }
0xd8: {  	[sflag:s1] =	ssyncadd.s32 $0xFFFFF000  }
0xd9: {  	[tilespmem:s18], [sflag:$0x1] =	stream.indirect.gather [hbm4b:s8+s17], $0x20, s26, s17, $0xb8;
	[tilespmem:$0x15800] =	vst v63  }
0xda: {  	_ =	swait.ge [sflag:s14], $0x1000  }
0xdb: {  	[sflag:s14] =	ssyncset.done $0x0  }
0xdc: {  	[sflag:s14] =	ssyncadd.s32 $0xFFFFF000  }
0xdd: {  	[tilespmem:s19], [sflag:$0x2] =	stream.indirect.gather [hbm4b:s8+s17], $0x20, s26, s17, $0xb8;
	[tilespmem:$0x15800] =	vst v63  }
0xde: {  	_ =	swait.ge [sflag:s16], $0x1000  }
0xdf: {  	[sflag:s16] =	ssyncset.done $0x0  }
0xe0: {  	[sflag:s16] =	ssyncadd.s32 $0xFFFFF000  }
0xe1: {  	[tilespmem:s21], [sflag:$0x3] =	stream.indirect.gather [hbm4b:s8+s17], $0x20, s26, s17, $0xb8;
	[tilespmem:$0x15800] =	vst v63  }
0xe2: {  	_ =	swait.ge [sflag:s20], $0x1000  }
0xe3: {  	[sflag:s20] =	ssyncset.done $0x0  }
0xe4: {  	[sflag:s20] =	ssyncadd.s32 $0xFFFFF000  }
0xe5: {  	[tilespmem:s23], [sflag:$0x4] =	stream.indirect.gather [hbm4b:s8+s17], $0x20, s26, s17, $0xb8;
	[tilespmem:$0x15800] =	vst v63  }
0xe6: {  	_ =	swait.ge [sflag:s22], $0x1000  }
0xe7: {  	[sflag:s22] =	ssyncset.done $0x0  }
0xe8: {  	[sflag:s22] =	ssyncadd.s32 $0xFFFFF000  }
0xe9: {  	[tilespmem:s25], [sflag:$0x5] =	stream.indirect.gather [hbm4b:s8+s17], $0x20, s26, s17, $0xb8;
	[tilespmem:$0x15800] =	vst v63  }
0xea: {  	_ =	swait.ge [sflag:s24], $0x1000  }
0xeb: {  	[sflag:s24] =	ssyncset.done $0x0  }
0xec: {  	[sflag:s24] =	ssyncadd.s32 $0xFFFFF000  }
0xed: {  	[tilespmem:s28], [sflag:$0x6] =	stream.indirect.gather [hbm4b:s8+s17], $0x20, s26, s17, $0xb8;
	[tilespmem:$0x15800] =	vst v63  }
0xee: {  	_ =	swait.ge [sflag:s12], $0x1000  }
0xef: {  	[sflag:s12] =	ssyncset.done $0x0  }
0xf0: {  	[sflag:s12] =	ssyncadd.s32 $0xFFFFF000  }
0xf1: {  	_ =	swait.ge [sflag:s29], $0x1000  }
0xf2: {  	[sflag:s29] =	ssyncset.done $0x0  }
0xf3: {  	[sflag:s29] =	ssyncadd.s32 $0xFFFFF000  }
0xf4: {  	_ =	swait.ge [sflag:s30], $0x1000  }
0xf5: {  	[sflag:s30] =	ssyncset.done $0x0  }
0xf6: {  	[sflag:s30] =	ssyncadd.s32 $0xFFFFF000  }
0xf7: {  	_ =	swait.ge [sflag:s13], $0x1000  }
0xf8: {  	[sflag:s13] =	ssyncset.done $0x0  }
0xf9: {  	[sflag:s13] =	ssyncadd.s32 $0xFFFFF000  }
0xfa: {  	_ =	swait.ge [sflag:s31], $0x1000  }
0xfb: {  	[sflag:s31] =	ssyncset.done $0x0  }
0xfc: {  	[sflag:s31] =	ssyncadd.s32 $0xFFFFF000  }
0xfd: {  	_ =	swait.ge [sflag:s0], $0x1000  }
0xfe: {  	[sflag:s0] =	ssyncset.done $0x0  }
0xff: {  	s4 =	sadd.s32 $0x1, s4;
	[sflag:s0] =	ssyncadd.s32 $0xFFFFF000  }
0x100: {  	p0 =	sne.s32 s4, s10;
	[bflag:$0x0] =	sbarrier.arrive $0xFFFF  }
.Ltmp1:
0x101: {  	s9 =	rddreg [dreg:$0x6];
	(pc) =	sbr.rel @p0 .LBB2_1-.Ltmp1, $4  }
0x102: {  	[hbm:s9], [sflag:s5] =	dma.local [spmem:s11], $0xA00  }
0x103: {  	_ =	swait.ge [sflag:s15], $0xA00  }
0x104: {  	[sflag:s15] =	ssyncset.done $0x0  }
0x105: {  	[sflag:s15] =	ssyncadd.s32 $0xFFFFF600  }
0x106: {  	_ =	sfence.sel $0x180000  }
0x107: {  	[bflag:$0x0] =	sbarrier.arrive $0xFFFF  }
0x108: {  	_ =	strace $0x9000004D  }
0x109: {  	s0 =	stileid.u32;
	[bflag:$0x2] =	sbarrier.arrive $0xFFFF  }
0x10a: {  	p0 =	sne.s32 s0, $0x0;
	s0 =	rddreg [dreg:$0x2]  }
0x10b: {  	s0 =	sadd.s32 @!p0 $0x100000, s0  }
0x10c: {  	[sflag:s0] =	ssyncadd.tile.s32 @!p0 $0x1;
	_ =	shalt  }
.Lfunc_end2:
_tile_overlayer_lowered:
.L_overlay_start_2:
0x10d: {  	(tag) =	ssettag $0x2  }
0x10e: {  	s0 =	rddreg [dreg:$0x0];
	s2 =	stileid.u32  }
0x10f: {  	s1 =	rddreg [dreg:$0x1];
	p0 =	sne.s32 s2, $0x0  }
0x110: {  	s3 =	rddreg [dreg:$0x2];
	[bflag:$0x3] =	sbarrier.arrive $0xFFFF;
	s2 =	simm.s32 @!p0 $0x1C0D  }
0x111: {  	[timem:s3], [sflag:s2] =	dma.local @!p0 [hbm:s0], s1  }
0x112: {  	s0 =	simm.s32 @!p0 $0xD  }
0x113: {  	_ =	swait.ge @!p0 [sflag:s0], s1  }
0x114: {  	s1 =	ssub.s32 @!p0 $0x0, s1;
	[sflag:s0] =	ssyncset.done @!p0 $0x0  }
0x115: {  	[sflag:s0] =	ssyncadd.s32 @!p0 s1  }
0x116: {  	[bflag:$0x3] =	sbarrier.arrive $0xFFFF  }
0x117: {  	_ =	shalt  }

// kernel: kernel.8.cloned.1.call-start
scs
__scs_entry_jumppad:
0x0: {  	(pc) =	sbr.rel $0x88, $3  }
0x1: {  	(tag) =	ssettag $0x0;
	lr =	simm.s32 $0x1  }
0x2: {  	[smem:$0x3F9B] =	sst lr;
	_ =	strace $0xD0000000  }
0x3: {  	_ = 	snop  }
0x4: {  	_ = 	snop  }
0x5: {  	_ = 	snop  }
0x6: {  	_ = 	snop  }
0x7: {  	_ = 	snop  }
__scs_overlays_trampoline_lowered:
0x8: {  	[smem:$0x3FAA] =	sst s0  }
0x9: {  	[smem:$0x3FAB] =	sst s1  }
0xa: {  	[smem:$0x3FAC] =	sst s2  }
0xb: {  	[smem:$0x3FAD] =	sst s3  }
0xc: {  	[smem:$0x3FAE] =	sst s4  }
0xd: {  	[smem:$0x3FAF] =	sst s5  }
0xe: {  	[smem:$0x3FB0] =	sst s6  }
0xf: {  	[smem:$0x3FB1] =	sst s7  }
0x10: {  	[smem:$0x3FB2] =	sst s8  }
0x11: {  	[smem:$0x3FB3] =	sst s9;
	s0 =	simm.s32 @!p0 $0x0  }
0x12: {  	s1 =	sld [smem:$0x3F99];
	s0 =	simm.s32 @p0 $0x1  }
0x13: {  	[smem:$0x3FB4] =	sst s0;
	s0 =	simm.s32 @!p1 $0x0  }
0x14: {  	s2 =	sld [smem:$0x3F98];
	s0 =	simm.s32 @p1 $0x1  }
0x15: {  	[smem:$0x3FB5] =	sst s0;
	s0 =	simm.s32 @!p2 $0x0  }
0x16: {  	s3 =	sld [smem:$0x3FDB];
	s0 =	simm.s32 @p2 $0x1  }
0x17: {  	s4 =	simm.s32 $0x1BF5;
	[smem:$0x3FB7] =	sst s0  }
0x18: {  	s0 =	sld [smem:$0x3F9A];
	_ =	swait.ge [sflag:s4], $0x0  }
0x19: {  	s7 =	sld [smem:$0x3F9B]  }
0x1a: {  	s8 =	sadd.s32 $0xFFFFE003, lr  }
0x1b: {  	s9 =	sadd.s32 $0xFFFFFEF7, lr;
	s5 =	simm.s32 $0xFFFFFFFF;
	p2 =	slt.u32 s8, $0xFFFFF086  }
0x1c: {  	p1 =	slt.u32 s9, $0xF7A;
	s5 =	simm.s32 @!p2 $0x0  }
0x1d: {  	s5 =	simm.s32 @p1 $0x1;
	p0 =	seq.s32 s7, s2  }
0x1e: {  	s7 =	smul.u32 @!p0 $0xF7A, s2;
	p2 =	seq.s32 @!p0 s5, $0x0  }
0x1f: {  	s9 =	smul.u32 $0xF7A, s1;
	s8 =	simm.s32 @!p0 $0x1BF5;
	p2 =	por !p2, p0  }
0x20: {  	[sflag:s8] =	ssyncset.s32 @!p0 $0xFFFFF086;
	s6 =	sadd.s32 @!p0 s3, s7;
	s7 =	simm.s32 @!p0 $0x108  }
0x21: {  	s3 =	sadd.s32 s3, s9;
	s6 =	sadd.s32 @!p0 $0x88, s6;
	s7 =	simm.s32 @p2 $0x1082  }
0x22: {  	[simem:s7], [sflag:s8] =	dma.local @!p0 [hbm:s6], $0xF7A  }
0x23: {  	s9 =	sor.u32 $0xD0000000, s2;
	s6 =	simm.s32 $0x108;
	_ =	swait.ge @!p0 [sflag:s8], $0x0  }
0x24: {  	s3 =	sadd.s32 $0x88, s3;
	s6 =	simm.s32 @!p1 $0x1082;
	[sflag:s4] =	ssyncset.s32 $0xFFFFF086  }
0x25: {  	[simem:s6], [sflag:s4] =	dma.local [hbm:s3], $0xF7A  }
0x26: {  	[smem:$0x3F9B] =	sst s1;
	(tag) =	ssettag s2;
	_ =	strace s9  }
0x27: {  	s1 =	sld [smem:$0x3FAB]  }
0x28: {  	s2 =	sld [smem:$0x3FAC]  }
0x29: {  	s4 =	sld [smem:$0x3FAE]  }
0x2a: {  	p0 =	seq.s32 s5, $0x0;
	s5 =	sld [smem:$0x3FAF]  }
0x2b: {  	s6 =	sld [smem:$0x3FB0]  }
0x2c: {  	s7 =	sld [smem:$0x3FB1]  }
0x2d: {  	s3 =	simm.s32 $0x108;
	s8 =	sld [smem:$0x3FB2]  }
0x2e: {  	s3 =	simm.s32 @!p0 $0x1082;
	s9 =	sld [smem:$0x3FB3]  }
0x2f: {  	lr =	sadd.s32 s0, s3;
	s0 =	sld [smem:$0x3FAA]  }
0x30: {  	s3 =	sld [smem:$0x3FAD]  }
0x31: {  	[smem:$0x3FB6] =	sst s10  }
0x32: {  	s10 =	sld [smem:$0x3FB4];
	_ =	sdelay $0x3  }
0x33: {  	p0 =	seq.s32 s10, $0x1;
	s10 =	sld [smem:$0x3FB6];
	_ =	sdelay $0x3  }
0x34: {  	[smem:$0x3FB6] =	sst s10  }
0x35: {  	s10 =	sld [smem:$0x3FB5];
	_ =	sdelay $0x3  }
0x36: {  	p1 =	seq.s32 s10, $0x1;
	s10 =	sld [smem:$0x3FB6];
	_ =	sdelay $0x3  }
0x37: {  	[smem:$0x3FB6] =	sst s10  }
0x38: {  	s10 =	sld [smem:$0x3FB7]  }
0x39: {  	_ = 	snop;
	(pc) =	sbr.ind lr, $3  }
0x3a: {  	_ = 	snop  }
0x3b: {  	_ = 	snop  }
0x3c: {  	p2 =	seq.s32 s10, $0x1;
	s10 =	sld [smem:$0x3FB6]  }
0x3d: {  	_ =	shalt  }
0x3e: {  	_ =	shalt  }
0x3f: {  	_ =	shalt  }
0x40: {  	_ =	shalt  }
0x41: {  	_ =	shalt  }
0x42: {  	_ =	shalt  }
0x43: {  	_ =	shalt  }
0x44: {  	_ =	shalt  }
0x45: {  	_ =	shalt  }
0x46: {  	_ =	shalt  }
0x47: {  	_ =	shalt  }
0x48: {  	_ =	shalt  }
0x49: {  	_ =	shalt  }
0x4a: {  	_ =	shalt  }
0x4b: {  	_ =	shalt  }
0x4c: {  	_ =	shalt  }
0x4d: {  	_ =	shalt  }
0x4e: {  	_ =	shalt  }
0x4f: {  	_ =	shalt  }
0x50: {  	_ =	shalt  }
0x51: {  	_ =	shalt  }
0x52: {  	_ =	shalt  }
0x53: {  	_ =	shalt  }
0x54: {  	_ =	shalt  }
0x55: {  	_ =	shalt  }
0x56: {  	_ =	shalt  }
0x57: {  	_ =	shalt  }
0x58: {  	_ =	shalt  }
0x59: {  	_ =	shalt  }
0x5a: {  	_ =	shalt  }
0x5b: {  	_ =	shalt  }
0x5c: {  	_ =	shalt  }
0x5d: {  	_ =	shalt  }
0x5e: {  	_ =	shalt  }
0x5f: {  	_ =	shalt  }
0x60: {  	_ =	shalt  }
0x61: {  	_ =	shalt  }
0x62: {  	_ =	shalt  }
0x63: {  	_ =	shalt  }
0x64: {  	_ =	shalt  }
0x65: {  	_ =	shalt  }
0x66: {  	_ =	shalt  }
0x67: {  	_ =	shalt  }
0x68: {  	_ =	shalt  }
0x69: {  	_ =	shalt  }
0x6a: {  	_ =	shalt  }
0x6b: {  	_ =	shalt  }
0x6c: {  	_ =	shalt  }
0x6d: {  	_ =	shalt  }
0x6e: {  	_ =	shalt  }
0x6f: {  	_ =	shalt  }
0x70: {  	_ =	shalt  }
0x71: {  	_ =	shalt  }
0x72: {  	_ =	shalt  }
0x73: {  	_ =	shalt  }
0x74: {  	_ =	shalt  }
0x75: {  	_ =	shalt  }
0x76: {  	_ =	shalt  }
0x77: {  	_ =	shalt  }
0x78: {  	_ =	shalt  }
0x79: {  	_ =	shalt  }
0x7a: {  	_ =	shalt  }
0x7b: {  	_ =	shalt  }
0x7c: {  	_ =	shalt  }
0x7d: {  	_ =	shalt  }
0x7e: {  	_ =	shalt  }
0x7f: {  	_ =	shalt  }
0x80: {  	_ =	shalt  }
0x81: {  	_ =	shalt  }
0x82: {  	_ =	shalt  }
0x83: {  	_ =	shalt  }
0x84: {  	_ =	shalt  }
0x85: {  	_ =	shalt  }
0x86: {  	_ =	shalt  }
0x87: {  	_ =	shalt  }
.Lfunc_end0:
.L_simem_size_0:
called_computation_lowered:
.L_overlay_start_0:
0x88: {  	s2 =	sld [smem:$0x3FD9]  }
0x89: {  	s3 =	sld [smem:$0x3FFE];
	_ =	sdelay $0x1  }
0x8a: {  	s1 =	srdreg.scid  }
0x8b: {  	s0 =	sand.u32 $0x1, s1  }
0x8c: {  	s17 =	sshll.u32 s0, $0xA;
	s2 =	sadd.s32 s3, s2  }
0x8d: {  	s2 =	sadd.s32 s2, s17  }
0x8e: {  	[smem:$0x3FC2] =	sst s2  }
0x8f: {  	_ = 	snop  }
0x90: {  	s2 =	sld [smem:$0x3FD0];
	(tm) =	ssettm $0x1  }
0x91: {  	s18 =	sld [smem:$0x3FFB];
	_ =	sdelay $0x3  }
0x92: {  	_ =	strace s18  }
0x93: {  	s3 =	sld [smem:$0x3FFC];
	_ =	sdelay $0x3  }
0x94: {  	_ =	strace s3  }
0x95: {  	s3 =	sld [smem:$0x3FFD];
	_ =	sdelay $0x3  }
0x96: {  	_ =	strace s3  }
0x97: {  	_ =	strace $0x8FFFFFFF  }
0x98: {  	s19 =	sld [smem:$0x3FDB];
	_ =	sdelay $0x1  }
0x99: {  	s4 =	simm.s32 $_scs_section_size  }
0x9a: {  	s5 =	simm.s32 $_size__tile_overlayer_lowered;
	s6 =	simm.s32 $_tile_overlayer_lowered  }
0x9b: {  	s22 =	simm.s32 $0x1BFF;
	s21 =	sshll.u32 s6, $0x1;
	s3 =	sadd.s32 s4, s19  }
0x9c: {  	s7 =	simm.s32 $0x0;
	s20 =	sshll.u32 s5, $0x1;
	s5 =	sadd.s32 s21, s3  }
0x9d: {  	[timem:s7], [sflag:s22] =	dma.local [hbm:s5], s20  }
0x9e: {  	_ =	swait.ge [sflag:s22], s20  }
0x9f: {  	s4 =	ssub.s32 $0x0, s20;
	[sflag:s22] =	ssyncset.done $0x0  }
0xa0: {  	[sflag:s22] =	ssyncadd.s32 s4;
	_ =	sdelay $0x1  }
0xa1: {  	s23 =	simm.s32 $0x1B8B  }
0xa2: {  	_ =	swait.ge [sflag:s23], $0x1  }
0xa3: {  	[sflag:s23] =	ssyncset.done $0x0  }
0xa4: {  	s25 =	simm.s32 $0x1B8E;
	s24 =	sld [smem:$0x3FFE];
	[sflag:s23] =	ssyncadd.s32 $0xFFFFFFFF  }
0xa5: {  	s26 =	simm.s32 $execute0_lowered;
	[smem:$0x3FD2] =	sst s25  }
0xa6: {  	s5 =	sshll.u32 s26, $0x1;
	_ =	strace $0x80000046;
	[dreg:$0x1] =	wrdreg $0xFFFFFFFF  }
0xa7: {  	s28 =	simm.s32 $_size_execute0_lowered;
	s3 =	sadd.s32 s3, s5;
	[dreg:$0x0] =	wrdreg $0x0  }
0xa8: {  	s5 =	sshll.u32 s28, $0x1;
	[dreg:$0x2] =	wrdreg s3  }
0xa9: {  	[dreg:$0x3] =	wrdreg s5  }
0xaa: {  	[dreg:$0x4] =	wrdreg $0xC0  }
0xab: {  	_ =	task [dreg:s7], $0x5FFFF  }
0xac: {  	[dreg:$0x1] =	wrdreg $0xFFFFFFFF  }
0xad: {  	[dreg:$0x0] =	wrdreg $0x60  }
0xae: {  	[dreg:$0x2] =	wrdreg s2  }
0xaf: {  	[dreg:$0x3] =	wrdreg s24  }
0xb0: {  	[dreg:$0x4] =	wrdreg $0x2C800  }
0xb1: {  	[dreg:$0x5] =	wrdreg $0x9  }
0xb2: {  	_ =	task.clear_ibuf [dreg:s7], $0x6FFFF;
	_ =	strace $0x90000046  }
0xb3: {  	s29 =	simm.s32 $0x9;
	_ =	strace $0x80000048  }
0xb4: {  	_ =	swait.ge [sflag:s29], $0x1  }
0xb5: {  	[sflag:s29] =	ssyncadd.s32 $0xFFFFFFFF  }
0xb6: {  	_ =	strace $0x90000048  }
0xb7: {  	_ =	sfence  }
0xb8: {  	s30 =	sld [smem:$0x0];
	_ =	sdelay $0x2  }
0xb9: {  	s31 =	sshll.u32 s1, $0xD;
	s1 =	sshrl.u32 s1, $0x2  }
0xba: {  	s3 =	sand.u32 $0x4000, s31;
	s1 =	sadd.s32 s1, s30  }
0xbb: {  	s0 =	sor.u32 s3, s0;
	s1 =	sshll.u32 s1, $0x11  }
0xbc: {  	s0 =	sor.u32 s1, s0  }
0xbd: {  	s0 =	sadd.s32 $0x8F2B, s0  }
0xbe: {  	[sflag:s0] =	ssyncadd.remote.s32 $0x1  }
0xbf: {  	_ =	sfence.sel $0xFFFF  }
0xc0: {  	[dreg:$0x0] =	wrdreg $0xFFFFFFFF;
	(pc) =	sbr.abs _section_cstart, $3  }
0xc1: {  	[dreg:$0x1] =	wrdreg $0xFFFFFFFF  }
0xc2: {  	_ =	task.clear_ibuf [dreg:s7], $0x2FFFF;
	_ =	strace $0x9FFFFFFF  }
0xc3: {  	(tm) =	ssettm $0x7FFFFFFF  }
tec
execute0_lowered:
.L_overlay_start_1:
0x0: {  	(tag) =	ssettag $0x1  }
0x1: {  	s6 =	rddreg [dreg:$0x0]  }
0x2: {  	s4 =	rddreg [dreg:$0x1]  }
0x3: {  	s2 =	rddreg [dreg:$0x2]  }
0x4: {  	s0 =	rddreg [dreg:$0x3];
	s1 =	stileid.u32  }
0x5: {  	s3 =	simm.s32 $0x0;
	s7 =	srdreg.scid;
	s12 =	simm.s32 $0x2C00  }
0x6: {  	s13 =	simm.s32 $0x20;
	s14 =	simm.s32 $0x10;
	s15 =	simm.s32 $0x0  }
0x7: {  	s5 =	smul.u32 $0x280, s1;
	[smem:$0x7FF] =	sst s3;
	s7 =	sand.u32 $0x1, s7  }
0x8: {  	s8 =	smul.u32 $0x500, s1;
	s26 =	sshll.u32 s1, $0x1;
	s31 =	sshll.u32 s1, $0x6  }
0x9: {  	_ =	strace $0x80000047;
	s10 =	sshll.u32 s7, $0x7;
	s11 =	ssub.s32 $0x2, s7  }
0xa: {  	s7 =	sor.u32 s7, s26;
	s9 =	sshrl.u32 s5, $0x3;
	s8 =	sor.u32 s10, s8  }
0xb: {  	s28 =	sshrl.u32 s11, $0x1;
	s7 =	smul.u32 $0x580, s7;
	s30 =	sadd.s32 s5, s2  }
0xc: {  	s5 =	sor.u32 $0x1C01, s31;
	s10 =	simm.s32 $0x1;
	s9 =	sadd.s32 s9, s4  }
0xd: {  	s8 =	sshrl.u32 s8, $0x3;
	s29 =	ssub.s32 s11, s28;
	s11 =	simm.s32 $0x80  }
0xe: {  	s8 =	sadd.s32 s8, s4;
	s4 =	sadd.s32 $0x16E00, s9;
	s6 =	sadd.s32 s6, s7  }
0xf: {  	v0 =	vimm.f32 $1.000000000e+00;
	s9 =	sshrl.u32 s30, $0x3;
	s7 =	sadd.s32 $0x17400, s8;
	s8 =	smax.u32 s29, $0x1  }
.LBB2_1:
0x10: {  	[spmem:s9], [sflag:s5] =	dma.local [hbm:s4], $0x50  }
0x11: {  	_ =	swait.ge [sflag:s10], $0x50  }
0x12: {  	[sflag:s10] =	ssyncset.done $0x0  }
0x13: {  	[sflag:s10] =	ssyncadd.s32 $0xFFFFFFB0  }
0x14: {  	[tilespmem:s3], [sflag:$0x1] =	stream.linear.gather [hbm4b:s6+s3], $0x2A00, $0x38;
	[tilespmem:$0x2F00] =	vst v63  }
0x15: {  	_ =	swait.ge [sflag:s10], $0x2A00  }
0x16: {  	[sflag:s10] =	ssyncset.done $0x0  }
0x17: {  	[sflag:s10] =	ssyncadd.s32 $0xFFFFD600  }
0x18: {  	[tilespmem:$0x2C00] =	vst v0  }
0x19: {  	[tilespmem:$0x2C10] =	vst v0  }
0x1a: {  	[tilespmem:$0x2C20] =	vst v0  }
0x1b: {  	[tilespmem:$0x2C30] =	vst v0  }
0x1c: {  	[tilespmem:$0x2C40] =	vst v0  }
0x1d: {  	[tilespmem:$0x2C50] =	vst v0  }
0x1e: {  	[tilespmem:$0x2C60] =	vst v0  }
0x1f: {  	[tilespmem:$0x2C70] =	vst v0  }
0x20: {  	s16 =	simm.s32 $0x0;
	[bflag:$0x0] =	sbarrier.arrive $0xFFFF  }
0x21: {  	[spmem:s2] =	stream.indirect.scatter.add.f32 [tilespmem:s12], [sflag:$0x1], $0x1, s16, s11, $0xb8;
	[tilespmem:$0x2F00] =	vst v63  }
0x22: {  	_ =	swait.ge [sflag:s10], $0x80  }
0x23: {  	s16 =	simm.s32 $0x200;
	[sflag:s10] =	ssyncset.done $0x0  }
.LBB2_2:
0x24: {  	s17 =	sshra.s32 s16, $0x2;
	[sflag:s10] =	ssyncadd.s32 $0xFFFFFF80;
	p0 =	sne.s32 s16, $0xA600  }
0x25: {  	[spmem:s2] =	stream.indirect.scatter.add.f32 [tilespmem:s12], [sflag:$0x1], $0x1, s17, s11, $0xb8;
	[tilespmem:$0x2F00] =	vst v63  }
.Ltmp0:
0x26: {  	_ = 	snop;
	(pc) =	sbr.rel @p0 .LBB2_2-.Ltmp0, $4  }
0x27: {  	_ = 	snop  }
0x28: {  	s16 =	sadd.s32 $0x200, s16  }
0x29: {  	_ =	swait.ge [sflag:s10], $0x80  }
0x2a: {  	[sflag:s10] =	ssyncset.done $0x0  }
0x2b: {  	s15 =	sadd.s32 $0x1, s15  }
0x2c: {  	[sflag:s10] =	ssyncadd.s32 $0xFFFFFF80;
	p0 =	sne.s32 s15, s8  }
.Ltmp1:
0x2d: {  	[bflag:$0x0] =	sbarrier.arrive $0xFFFF;
	(pc) =	sbr.rel @p0 .LBB2_1-.Ltmp1, $4  }
0x2e: {  	[hbm:s7@s13], [sflag:s5] =	dma.strided [spmem:s9@s14], $0x50, s10, $0x10   }
0x2f: {  	_ =	swait.ge [sflag:s10], $0x50  }
0x30: {  	[sflag:s10] =	ssyncset.done $0x0  }
0x31: {  	[sflag:s10] =	ssyncadd.s32 $0xFFFFFFB0  }
0x32: {  	_ =	sfence.sel $0x180000  }
0x33: {  	[bflag:$0x0] =	sbarrier.arrive $0xFFFF  }
0x34: {  	p0 =	sne.s32 s1, $0x0;
	_ =	strace $0x90000047  }
0x35: {  	s0 =	sadd.s32 @!p0 $0x100000, s0;
	[bflag:$0x2] =	sbarrier.arrive $0xFFFF  }
0x36: {  	[sflag:s0] =	ssyncadd.tile.s32 @!p0 $0x1;
	_ =	shalt  }
.Lfunc_end2:
_tile_overlayer_lowered:
.L_overlay_start_2:
0x37: {  	(tag) =	ssettag $0x2  }
0x38: {  	s0 =	rddreg [dreg:$0x0];
	s2 =	stileid.u32  }
0x39: {  	s1 =	rddreg [dreg:$0x1];
	p0 =	sne.s32 s2, $0x0  }
0x3a: {  	s3 =	rddreg [dreg:$0x2];
	[bflag:$0x3] =	sbarrier.arrive $0xFFFF;
	s2 =	simm.s32 @!p0 $0x1C01  }
0x3b: {  	[timem:s3], [sflag:s2] =	dma.local @!p0 [hbm:s0], s1  }
0x3c: {  	s0 =	simm.s32 @!p0 $0x1  }
0x3d: {  	_ =	swait.ge @!p0 [sflag:s0], s1  }
0x3e: {  	s1 =	ssub.s32 @!p0 $0x0, s1;
	[sflag:s0] =	ssyncset.done @!p0 $0x0  }
0x3f: {  	[sflag:s0] =	ssyncadd.s32 @!p0 s1  }
0x40: {  	[bflag:$0x3] =	sbarrier.arrive $0xFFFF  }
0x41: {  	_ =	shalt  }

</sc_bundles>
